<compile_context>
chip_gen: v7x
topology: tpu7x:2x2x1
jax: 0.10.2.dev20260603
libtpu: 0.0.44.dev20260713+nightly
codegen_flags: <defaults>
</compile_context>

<pallas_src>
import functools

import jax
import jax.numpy as jnp
from jax import lax
from jax.experimental import pallas as pl
from jax.experimental.pallas import tpu as pltpu
from jax.experimental.pallas import tpu_sc as plsc

N_NEIGHBORS = 15
TARGET_RATIO = 1.8
LAMBDA_REG = 0.1
N_SOURCES = 32
N_BF_ITERS = 20
INF = 1e10

_N = 4096
_K = 128
_BR = 256

_TOPK = 16
_NW = 32
_ROWS_PER_W = _N // _NW
_CHUNK = 8
_N_CHUNKS = _ROWS_PER_W // _CHUNK
_L = 16
_VPR = _N // _L


def _d2_kernel(x_blk, xt_full, sq_blk, sq_full, out):
    acc = jnp.dot(x_blk[...], xt_full[...], preferred_element_type=jnp.float32)
    out[...] = sq_blk[...].T + sq_full[...] - 2.0 * acc


def _pairwise_d2(x):
    sq = jnp.sum(x * x, axis=1)
    return pl.pallas_call(
        _d2_kernel,
        grid=(_N // _BR,),
        in_specs=[
            pl.BlockSpec((_BR, _K), lambda i: (i, 0)),
            pl.BlockSpec((_K, _N), lambda i: (0, 0)),
            pl.BlockSpec((1, _BR), lambda i: (0, i)),
            pl.BlockSpec((1, _N), lambda i: (0, 0)),
        ],
        out_specs=pl.BlockSpec((_BR, _N), lambda i: (i, 0)),
        out_shape=jax.ShapeDtypeStruct((_N, _N), jnp.float32),
    )(x, x.T, sq[None, :], sq[None, :])


def _topk_body(d2_hbm, val_hbm, idx_hbm, buf, oval, oidx, tref, tiref, t15ref):
    wid = lax.axis_index("s") * 2 + lax.axis_index("c")
    lane = lax.iota(jnp.int32, _L)
    last_lane = lane == _L - 1

    def chunk_body(c, _):
        row_base = wid * _ROWS_PER_W + c * _CHUNK
        pltpu.sync_copy(d2_hbm.at[pl.ds(row_base, _CHUNK)], buf)

        def row_body(r, _):
            def one_merge(tval, tidx, v, i):
                vs, is_ = plsc.sort_key_val(v, i)
                rv = lax.rev(tval, (0,))
                ri = lax.rev(tidx, (0,))
                sel = vs <= rv
                lo = jnp.minimum(vs, rv)
                li = jnp.where(sel, is_, ri)
                return tuple(plsc.sort_key_val(lo, li))

            nch = 8

            def merge4(j, carry):
                out = []
                for q in range(nch):
                    tv, ti = carry[2 * q], carry[2 * q + 1]
                    base = (j * nch + q) * _L
                    v = buf[r, pl.ds(base, _L)]
                    tv, ti = one_merge(tv, ti, v, base + lane)
                    out += [tv, ti]
                return tuple(out)

            big = jnp.full((_L,), 1e30, jnp.float32)
            zero = jnp.zeros((_L,), jnp.int32)
            carry = lax.fori_loop(0, _VPR // nch, merge4,
                                  (big, zero) * nch)
            while len(carry) > 2:
                nxt = []
                for q in range(0, len(carry), 4):
                    tvA, tiA, tvB, tiB = carry[q:q + 4]
                    rv = lax.rev(tvB, (0,))
                    ri = lax.rev(tiB, (0,))
                    sel = tvA <= rv
                    lo = jnp.minimum(tvA, rv)
                    li = jnp.where(sel, tiA, ri)
                    nxt += list(plsc.sort_key_val(lo, li))
                carry = nxt
            oval[r, :] = carry[0]
            oidx[r, :] = carry[1]
            return 0

        lax.fori_loop(0, _CHUNK, row_body, 0)
        pltpu.sync_copy(oval, val_hbm.at[pl.ds(row_base, _CHUNK)])
        pltpu.sync_copy(oidx, idx_hbm.at[pl.ds(row_base, _CHUNK)])
        return 0

    lax.fori_loop(0, _N_CHUNKS, chunk_body, 0)


def _sc_topk(d2):
    mesh = plsc.VectorSubcoreMesh(core_axis_name="c", subcore_axis_name="s")
    f = pl.kernel(
        _topk_body,
        out_type=(
            jax.ShapeDtypeStruct((_N, _TOPK), jnp.float32),
            jax.ShapeDtypeStruct((_N, _TOPK), jnp.int32),
        ),
        mesh=mesh,
        scratch_types=[
            pltpu.VMEM((_CHUNK, _N), jnp.float32),
            pltpu.VMEM((_CHUNK, _TOPK), jnp.float32),
            pltpu.VMEM((_CHUNK, _TOPK), jnp.int32),
            pltpu.VMEM((_L,), jnp.float32),
            pltpu.VMEM((_L,), jnp.int32),
            pltpu.VMEM((_L,), jnp.float32),
        ],
        compiler_params=pltpu.CompilerParams(needs_layout_passes=False),
    )
    return f(d2)


_BIG = 1e30


def _bf_body(ip_hbm, wT_hbm, dist_hbm, idx_res, w_res, dist_old, dist_new):
    wid = lax.axis_index("s") * 2 + lax.axis_index("c")
    lane = lax.iota(jnp.int32, _L)

    pltpu.sync_copy(ip_hbm, idx_res)
    pltpu.sync_copy(wT_hbm, w_res)

    def init_j(j, _):
        dist_old[pl.ds(j * _L, _L)] = jnp.full((_L,), INF, jnp.float32)
        return 0
    lax.fori_loop(0, _VPR, init_j, 0)
    dist_old[pl.ds((wid // _L) * _L, _L)] = jnp.where(
        lane == wid % _L, 0.0, INF)

    def copy_j(j, _):
        ds = pl.ds(j * _L, _L)
        dist_new[ds] = dist_old[ds]
        return 0
    lax.fori_loop(0, _VPR, copy_j, 0)

    def bf_cond(c):
        it, changed = c
        return (it < N_BF_ITERS) & (changed > 0)

    def bf_body(c):
        it, _ = c

        def j_body(j, pend):
            dsA = pl.ds(j * 2 * _L, _L)
            dsB = pl.ds(j * 2 * _L + _L, _L)
            mnA = dist_new[dsA]
            mnB = dist_new[dsB]
            doA = dist_old[dsA]
            doB = dist_old[dsB]
            for k in range(N_NEIGHBORS):
                v32 = idx_res[k, pl.ds(j * _L, _L)]
                ia = v32 & 0xFFFF
                ib = lax.shift_right_logical(v32, 16)
                wA = w_res[k, dsA]
                wB = w_res[k, dsB]
                mnA = jnp.minimum(mnA, plsc.load_gather(dist_old, [ia]) + wA)
                mnB = jnp.minimum(mnB, plsc.load_gather(dist_old, [ib]) + wB)
                candA = doA + wA
                candB = doB + wB
                lostA = candA < plsc.load_gather(dist_new, [ia])
                lostB = candB < plsc.load_gather(dist_new, [ib])
                plsc.store_scatter(dist_new, [ia], candA, mask=lostA)
                plsc.store_scatter(dist_new, [ib], candB, mask=lostB)
                stillA = candA < plsc.load_gather(dist_new, [ia])
                stillB = candB < plsc.load_gather(dist_new, [ib])
                pend = pend | stillA | stillB
            dist_new[dsA] = jnp.minimum(dist_new[dsA], mnA)
            dist_new[dsB] = jnp.minimum(dist_new[dsB], mnB)
            return pend
        pend = lax.fori_loop(0, _VPR // 2, j_body,
                             jnp.zeros((_L,), jnp.bool_))

        def commit(_):
            def diff_j(j, acc):
                ds = pl.ds(j * _L, _L)
                a = dist_new[ds]
                acc = jnp.maximum(acc, jnp.where(a != dist_old[ds], 1, 0))
                dist_old[ds] = a
                return acc
            accv = lax.fori_loop(0, _VPR, diff_j, jnp.zeros((_L,), jnp.int32))
            return it + 1, jnp.max(accv)

        def redo(_):
            return it, jnp.int32(1)

        return lax.cond(jnp.any(pend), redo, commit, 0)

    lax.while_loop(bf_cond, bf_body, (0, jnp.int32(1)))
    pltpu.sync_copy(dist_old, dist_hbm.at[wid])


def _sc_bf(knn_i_packed, knn_wT):
    mesh = plsc.VectorSubcoreMesh(core_axis_name="c", subcore_axis_name="s")
    f = pl.kernel(
        _bf_body,
        out_type=jax.ShapeDtypeStruct((N_SOURCES, _N), jnp.float32),
        mesh=mesh,
        scratch_types=[
            pltpu.VMEM((N_NEIGHBORS, _N // 2), jnp.int32),
            pltpu.VMEM((N_NEIGHBORS, _N), jnp.float32),
            pltpu.VMEM((_N,), jnp.float32),
            pltpu.VMEM((_N,), jnp.float32),
        ],
        compiler_params=pltpu.CompilerParams(needs_layout_passes=False,
                                             use_tc_tiling_on_sc=False),
    )
    return f(knn_i_packed, knn_wT)


def _sqrt_kernel(d2_blk, out):
    out[...] = jnp.sqrt(jnp.maximum(d2_blk[...], 0.0))


def _knn_sqrt(knn_d2):
    return pl.pallas_call(
        _sqrt_kernel,
        out_shape=jax.ShapeDtypeStruct(knn_d2.shape, jnp.float32),
    )(knn_d2)


def _loss_kernel(dist_blk, euc2_blk, out):
    dist = dist_blk[...]
    euc = jnp.sqrt(jnp.maximum(euc2_blk[...], 0.0))
    mask = (dist < INF * 0.5) & (euc > 1e-8)
    ratios = dist / jnp.maximum(euc, 1e-8)
    sq_err = jnp.where(mask, (ratios - TARGET_RATIO) ** 2, 0.0)
    cnt = jnp.maximum(jnp.sum(mask.astype(jnp.int32)), 1)
    loss = jnp.sum(sq_err) / cnt.astype(jnp.float32) * LAMBDA_REG
    out[...] = loss[None, None]


def _loss(dist, d2):
    return pl.pallas_call(
        _loss_kernel,
        grid=(1,),
        in_specs=[
            pl.BlockSpec((N_SOURCES, _N), lambda i: (0, 0)),
            pl.BlockSpec((N_SOURCES, _N), lambda i: (0, 0)),
        ],
        out_specs=pl.BlockSpec((1, 1), lambda i: (0, 0)),
        out_shape=jax.ShapeDtypeStruct((1, 1), jnp.float32),
    )(dist, d2)


def kernel(embeddings):
    x = lax.stop_gradient(embeddings)
    D2 = _pairwise_d2(x)
    knn_d2, knn_idx = _sc_topk(D2)
    knn_d = _knn_sqrt(knn_d2[:, 1:])
    knn_i = knn_idx[:, 1:]

    iT3 = knn_i.T.astype(jnp.int32).reshape(N_NEIGHBORS, _N // 32, 2, _L)
    ipacked = (iT3[:, :, 0, :] | (iT3[:, :, 1, :] << 16)).reshape(
        N_NEIGHBORS, _N // 2)
    dist = _sc_bf(ipacked, knn_d.T)
    loss = _loss(dist, D2[:N_SOURCES, :])
    return loss[0, 0]

# --- scband reference (transcript-rebuilt; emitter-appended) ---
"""Pipeline reference for scband-geodesic-ratio-regularizer-55972013802286 (READ-ONLY COPY).

The authoritative reference and input builder live on the scoring server;
editing this copy changes nothing except your own understanding.
"""

import jax, jax.numpy as jnp
import numpy as np

N_NEIGHBORS = 15
TARGET_RATIO = 1.8
LAMBDA_REG = 0.1
N_SOURCES = 32
N_BF_ITERS = 20
INF = 1e10


def setup_inputs(seed: int = 0) -> dict:
    key = jax.random.key(seed)
    embeddings = jax.random.normal(key, (4096, 128), dtype=jnp.float32)
    return {"embeddings": embeddings}


def _geodesic_loss(embeddings):
    # The torch module detaches embeddings (numpy path), so no grad flows.
    x = jax.lax.stop_gradient(embeddings)
    n = x.shape[0]
    # Pairwise Euclidean distances
    sq = jnp.sum(x * x, axis=1)
    D2 = sq[:, None] + sq[None, :] - 2.0 * (x @ x.T)
    D = jnp.sqrt(jnp.maximum(D2, 0.0))
    # kNN graph (exclude self, which is the 0-distance nearest)
    vals, idx = jax.lax.top_k(-D, N_NEIGHBORS + 1)
    knn_d = -vals[:, 1:]
    knn_i = idx[:, 1:]
    src = jnp.repeat(jnp.arange(n), N_NEIGHBORS)
    dst = knn_i.reshape(-1)
    w = knn_d.reshape(-1)
    # Symmetrize the kNN graph
    srcs = jnp.concatenate([src, dst])
    dsts = jnp.concatenate([dst, src])
    ws = jnp.concatenate([w, w])
    # Geodesic distances: Bellman-Ford relaxation from N_SOURCES landmark nodes
    sources = jnp.arange(N_SOURCES)
    dist0 = jnp.full((N_SOURCES, n), INF, dtype=jnp.float32)
    dist0 = dist0.at[jnp.arange(N_SOURCES), sources].set(0.0)

    def body(i, dist):
        cand = dist[:, srcs] + ws[None, :]  # (N_SOURCES, 2E)
        upd = jnp.full((n, N_SOURCES), INF, dtype=jnp.float32)
        upd = upd.at[dsts].min(cand.T)  # scatter-min over destination nodes
        return jnp.minimum(dist, upd.T)

    dist = jax.lax.fori_loop(0, N_BF_ITERS, body, dist0)
    euc = D[sources, :]  # (N_SOURCES, n)
    mask = (dist < INF * 0.5) & (euc > 1e-8)
    ratios = dist / jnp.maximum(euc, 1e-8)
    sq_err = jnp.where(mask, (ratios - TARGET_RATIO) ** 2, 0.0)
    loss = jnp.sum(sq_err) / jnp.maximum(jnp.sum(mask), 1)
    return loss * LAMBDA_REG


def reference(embeddings):
    return _geodesic_loss(embeddings)

if __name__ == "__main__":
    import jax
    _d = setup_inputs()
    print(jax.jit(kernel)(*tuple(_d.values())))

</pallas_src>

<mosaic_0001>
#map = affine_map<(d0, d1) -> (0, 0)>
module attributes {stable_mosaic.version = 14 : i64} {
  func.func @_topk_body(%arg0: i32, %arg1: i32, %arg2: memref<4096x4096xf32, #tpu.memory_space<hbm>>, %arg3: memref<4096x16xf32, #tpu.memory_space<hbm>>, %arg4: memref<4096x16xi32, #tpu.memory_space<hbm>>, %arg5: memref<8x4096xf32, #tpu.memory_space<vmem>>, %arg6: memref<8x16xf32, #tpu.memory_space<vmem>>, %arg7: memref<8x16xi32, #tpu.memory_space<vmem>>, %arg8: memref<16xf32, #tpu.memory_space<vmem>>, %arg9: memref<16xi32, #tpu.memory_space<vmem>>, %arg10: memref<16xf32, #tpu.memory_space<vmem>>) attributes {dimension_semantics = [#tpu.dimension_semantics<core_parallel>, #tpu.dimension_semantics<subcore_parallel>], iteration_bounds = array<i64: 2, 16>, scalar_prefetch = 0 : i64, scratch_operands = 6 : i64, tpu.core_type = #tpu.core_type<sc_vector_subcore>, window_params = [{transform_indices = #map}, {transform_indices = #map}, {transform_indices = #map}]} {
    %mul3A = arith.constant 2 : i32
    %mul3A_0 = arith.muli %arg1, %mul3A : i32
    %add3A = arith.addi %mul3A_0, %arg0 : i32
    %iota3A = tpu.iota {dimensions = array<i32: 0>} : vector<16xi32>
    %eq3A = arith.constant 15 : i32
    %eq3A_1 = vector.broadcast %eq3A : i32 to vector<16xi32>
    %eq3A_2 = arith.cmpi eq, %iota3A, %eq3A_1 : vector<16xi32>
    %scan3A = arith.constant 0 : i32
    %scan3A_3 = arith.constant 0 : i32
    %scan3A_4 = arith.constant 16 : i32
    %scan3A_5 = arith.addi %scan3A_3, %scan3A_4 : i32
    %scan3A_6 = arith.constant 1 : i32
    %scan3A_7 = scf.for %scan3A_9 = %scan3A_3 to %scan3A_5 step %scan3A_6 iter_args(%scan3A_10 = %scan3A) -> (i32)  : i32 {
      %mul3A_11 = arith.constant 128 : i32
      %mul3A_12 = arith.muli %add3A, %mul3A_11 : i32
      %mul3A_13 = arith.constant 8 : i32
      %mul3A_14 = arith.muli %scan3A_9, %mul3A_13 : i32
      %add3A_15 = arith.addi %mul3A_12, %mul3A_14 : i32
      "tpu.region"() ({
        %run_scoped3A = tpu.sem_alloc : memref<!tpu.dma_semaphore, #tpu.memory_space<semaphore_mem>>
        %dma_start3A = arith.constant 0 : i32
        %dma_start3A_24 = tpu.memref_slice %arg2[%add3A_15, %dma_start3A] : memref<4096x4096xf32, #tpu.memory_space<hbm>> -> memref<8x4096xf32, #tpu.memory_space<hbm>>
        %dma_start3A_25 = arith.constant 0 : i32
        %dma_start3A_26 = tpu.memref_slice %arg2[%add3A_15, %dma_start3A_25] : memref<4096x4096xf32, #tpu.memory_space<hbm>> -> memref<8x4096xf32, #tpu.memory_space<hbm>>
        tpu.enqueue_dma source(%dma_start3A_26 : memref<8x4096xf32, #tpu.memory_space<hbm>>) target(%arg5 : memref<8x4096xf32, #tpu.memory_space<vmem>>) target_semaphore(%run_scoped3A : memref<!tpu.dma_semaphore, #tpu.memory_space<semaphore_mem>>)
        %dma_wait3A = arith.constant 0 : i32
        %dma_wait3A_27 = tpu.memref_slice %arg2[%add3A_15, %dma_wait3A] : memref<4096x4096xf32, #tpu.memory_space<hbm>> -> memref<8x4096xf32, #tpu.memory_space<hbm>>
        %dma_wait3A_28 = arith.constant 0 : i32
        %dma_wait3A_29 = tpu.memref_slice %arg2[%add3A_15, %dma_wait3A_28] : memref<4096x4096xf32, #tpu.memory_space<hbm>> -> memref<8x4096xf32, #tpu.memory_space<hbm>>
        tpu.wait_dma2 semaphore(%run_scoped3A : memref<!tpu.dma_semaphore, #tpu.memory_space<semaphore_mem>>) src(%dma_wait3A_29 : memref<8x4096xf32, #tpu.memory_space<hbm>>) dst(%arg5 : memref<8x4096xf32, #tpu.memory_space<vmem>>)
        tpu.yield
      }) : () -> ()
      %scan3A_16 = arith.constant 0 : i32
      %scan3A_17 = arith.constant 0 : i32
      %scan3A_18 = arith.constant 8 : i32
      %scan3A_19 = arith.addi %scan3A_17, %scan3A_18 : i32
      %scan3A_20 = arith.constant 1 : i32
      %scan3A_21 = scf.for %scan3A_24 = %scan3A_17 to %scan3A_19 step %scan3A_20 iter_args(%scan3A_25 = %scan3A_16) -> (i32)  : i32 {
        %broadcast_in_dim3A = arith.constant 1.000000e+30 : f32
        %broadcast_in_dim3A_26 = vector.broadcast %broadcast_in_dim3A : f32 to vector<16xf32>
        %broadcast_in_dim3A_27 = arith.constant 0 : i32
        %broadcast_in_dim3A_28 = vector.broadcast %broadcast_in_dim3A_27 : i32 to vector<16xi32>
        %scan3A_29 = arith.constant 0 : i32
        %scan3A_30 = arith.constant 32 : i32
        %scan3A_31 = arith.addi %scan3A_29, %scan3A_30 : i32
        %scan3A_32 = arith.constant 1 : i32
        %scan3A_33:16 = scf.for %scan3A_155 = %scan3A_29 to %scan3A_31 step %scan3A_32 iter_args(%scan3A_156 = %broadcast_in_dim3A_26, %scan3A_157 = %broadcast_in_dim3A_28, %scan3A_158 = %broadcast_in_dim3A_26, %scan3A_159 = %broadcast_in_dim3A_28, %scan3A_160 = %broadcast_in_dim3A_26, %scan3A_161 = %broadcast_in_dim3A_28, %scan3A_162 = %broadcast_in_dim3A_26, %scan3A_163 = %broadcast_in_dim3A_28, %scan3A_164 = %broadcast_in_dim3A_26, %scan3A_165 = %broadcast_in_dim3A_28, %scan3A_166 = %broadcast_in_dim3A_26, %scan3A_167 = %broadcast_in_dim3A_28, %scan3A_168 = %broadcast_in_dim3A_26, %scan3A_169 = %broadcast_in_dim3A_28, %scan3A_170 = %broadcast_in_dim3A_26, %scan3A_171 = %broadcast_in_dim3A_28) -> (vector<16xf32>, vector<16xi32>, vector<16xf32>, vector<16xi32>, vector<16xf32>, vector<16xi32>, vector<16xf32>, vector<16xi32>, vector<16xf32>, vector<16xi32>, vector<16xf32>, vector<16xi32>, vector<16xf32>, vector<16xi32>, vector<16xf32>, vector<16xi32>)  : i32 {
          %mul3A_172 = arith.constant 8 : i32
          %mul3A_173 = arith.muli %scan3A_155, %mul3A_172 : i32
          %add3A_174 = arith.constant 0 : i32
          %add3A_175 = arith.addi %mul3A_173, %add3A_174 : i32
          %mul3A_176 = arith.constant 16 : i32
          %mul3A_177 = arith.muli %add3A_175, %mul3A_176 : i32
          %get3A = arith.index_cast %scan3A_24 : i32 to index
          %get3A_178 = arith.index_cast %mul3A_177 : i32 to index
          %get3A_179 = tpu.vector_load %arg5[%get3A, %get3A_178] {strides = array<i32>} : memref<8x4096xf32, #tpu.memory_space<vmem>>, vector<16xf32>,
          %add3A_180 = vector.broadcast %mul3A_177 : i32 to vector<16xi32>
          %add3A_181 = arith.addi %add3A_180, %iota3A : vector<16xi32>
          %masked_sort3A_182 = arith.constant dense<true> : vector<16xi1>
          %masked_sort3A_183, %masked_sort3A_184, %masked_sort3A_185 = tpu.sort %get3A_179, %add3A_181 masked %masked_sort3A_182 : (vector<16xf32>, vector<16xi32>, vector<16xi1>) -> (vector<16xi1>, vector<16xf32>, vector<16xi32>)
          %rev3A_186 = arith.constant 15 : i32
          %rev3A_187 = vector.broadcast %rev3A_186 : i32 to vector<16xi32>
          %rev3A_188 = tpu.iota {dimensions = array<i32: 0>} : vector<16xi32>
          %rev3A_189 = arith.subi %rev3A_187, %rev3A_188 : vector<16xi32>
          %rev3A_190 = tpu.dynamic_gather %scan3A_156[%rev3A_189] in [0] : vector<16xf32>, vector<16xi32> -> vector<16xf32>
          %rev3A_191 = arith.constant 15 : i32
          %rev3A_192 = vector.broadcast %rev3A_191 : i32 to vector<16xi32>
          %rev3A_193 = tpu.iota {dimensions = array<i32: 0>} : vector<16xi32>
          %rev3A_194 = arith.subi %rev3A_192, %rev3A_193 : vector<16xi32>
          %rev3A_195 = tpu.dynamic_gather %scan3A_157[%rev3A_194] in [0] : vector<16xi32>, vector<16xi32> -> vector<16xi32>
          %le3A_196 = arith.cmpf ole, %masked_sort3A_184, %rev3A_190 : vector<16xf32>
          %min3A_197 = arith.minimumf %masked_sort3A_184, %rev3A_190 : vector<16xf32>
          %select_n3A_198 = arith.select %le3A_196, %masked_sort3A_185, %rev3A_195 : vector<16xi1>, vector<16xi32>
          %masked_sort3A_199 = arith.constant dense<true> : vector<16xi1>
          %masked_sort3A_200, %masked_sort3A_201, %masked_sort3A_202 = tpu.sort %min3A_197, %select_n3A_198 masked %masked_sort3A_199 : (vector<16xf32>, vector<16xi32>, vector<16xi1>) -> (vector<16xi1>, vector<16xf32>, vector<16xi32>)
          %mul3A_203 = arith.constant 8 : i32
          %mul3A_204 = arith.muli %scan3A_155, %mul3A_203 : i32
          %add3A_205 = arith.constant 1 : i32
          %add3A_206 = arith.addi %mul3A_204, %add3A_205 : i32
          %mul3A_207 = arith.constant 16 : i32
          %mul3A_208 = arith.muli %add3A_206, %mul3A_207 : i32
          %get3A_209 = arith.index_cast %scan3A_24 : i32 to index
          %get3A_210 = arith.index_cast %mul3A_208 : i32 to index
          %get3A_211 = tpu.vector_load %arg5[%get3A_209, %get3A_210] {strides = array<i32>} : memref<8x4096xf32, #tpu.memory_space<vmem>>, vector<16xf32>,
          %add3A_212 = vector.broadcast %mul3A_208 : i32 to vector<16xi32>
          %add3A_213 = arith.addi %add3A_212, %iota3A : vector<16xi32>
          %masked_sort3A_214 = arith.constant dense<true> : vector<16xi1>
          %masked_sort3A_215, %masked_sort3A_216, %masked_sort3A_217 = tpu.sort %get3A_211, %add3A_213 masked %masked_sort3A_214 : (vector<16xf32>, vector<16xi32>, vector<16xi1>) -> (vector<16xi1>, vector<16xf32>, vector<16xi32>)
          %rev3A_218 = arith.constant 15 : i32
          %rev3A_219 = vector.broadcast %rev3A_218 : i32 to vector<16xi32>
          %rev3A_220 = tpu.iota {dimensions = array<i32: 0>} : vector<16xi32>
          %rev3A_221 = arith.subi %rev3A_219, %rev3A_220 : vector<16xi32>
          %rev3A_222 = tpu.dynamic_gather %scan3A_158[%rev3A_221] in [0] : vector<16xf32>, vector<16xi32> -> vector<16xf32>
          %rev3A_223 = arith.constant 15 : i32
          %rev3A_224 = vector.broadcast %rev3A_223 : i32 to vector<16xi32>
          %rev3A_225 = tpu.iota {dimensions = array<i32: 0>} : vector<16xi32>
          %rev3A_226 = arith.subi %rev3A_224, %rev3A_225 : vector<16xi32>
          %rev3A_227 = tpu.dynamic_gather %scan3A_159[%rev3A_226] in [0] : vector<16xi32>, vector<16xi32> -> vector<16xi32>
          %le3A_228 = arith.cmpf ole, %masked_sort3A_216, %rev3A_222 : vector<16xf32>
          %min3A_229 = arith.minimumf %masked_sort3A_216, %rev3A_222 : vector<16xf32>
          %select_n3A_230 = arith.select %le3A_228, %masked_sort3A_217, %rev3A_227 : vector<16xi1>, vector<16xi32>
          %masked_sort3A_231 = arith.constant dense<true> : vector<16xi1>
          %masked_sort3A_232, %masked_sort3A_233, %masked_sort3A_234 = tpu.sort %min3A_229, %select_n3A_230 masked %masked_sort3A_231 : (vector<16xf32>, vector<16xi32>, vector<16xi1>) -> (vector<16xi1>, vector<16xf32>, vector<16xi32>)
          %mul3A_235 = arith.constant 8 : i32
          %mul3A_236 = arith.muli %scan3A_155, %mul3A_235 : i32
          %add3A_237 = arith.constant 2 : i32
          %add3A_238 = arith.addi %mul3A_236, %add3A_237 : i32
          %mul3A_239 = arith.constant 16 : i32
          %mul3A_240 = arith.muli %add3A_238, %mul3A_239 : i32
          %get3A_241 = arith.index_cast %scan3A_24 : i32 to index
          %get3A_242 = arith.index_cast %mul3A_240 : i32 to index
          %get3A_243 = tpu.vector_load %arg5[%get3A_241, %get3A_242] {strides = array<i32>} : memref<8x4096xf32, #tpu.memory_space<vmem>>, vector<16xf32>,
          %add3A_244 = vector.broadcast %mul3A_240 : i32 to vector<16xi32>
          %add3A_245 = arith.addi %add3A_244, %iota3A : vector<16xi32>
          %masked_sort3A_246 = arith.constant dense<true> : vector<16xi1>
          %masked_sort3A_247, %masked_sort3A_248, %masked_sort3A_249 = tpu.sort %get3A_243, %add3A_245 masked %masked_sort3A_246 : (vector<16xf32>, vector<16xi32>, vector<16xi1>) -> (vector<16xi1>, vector<16xf32>, vector<16xi32>)
          %rev3A_250 = arith.constant 15 : i32
          %rev3A_251 = vector.broadcast %rev3A_250 : i32 to vector<16xi32>
          %rev3A_252 = tpu.iota {dimensions = array<i32: 0>} : vector<16xi32>
          %rev3A_253 = arith.subi %rev3A_251, %rev3A_252 : vector<16xi32>
          %rev3A_254 = tpu.dynamic_gather %scan3A_160[%rev3A_253] in [0] : vector<16xf32>, vector<16xi32> -> vector<16xf32>
          %rev3A_255 = arith.constant 15 : i32
          %rev3A_256 = vector.broadcast %rev3A_255 : i32 to vector<16xi32>
          %rev3A_257 = tpu.iota {dimensions = array<i32: 0>} : vector<16xi32>
          %rev3A_258 = arith.subi %rev3A_256, %rev3A_257 : vector<16xi32>
          %rev3A_259 = tpu.dynamic_gather %scan3A_161[%rev3A_258] in [0] : vector<16xi32>, vector<16xi32> -> vector<16xi32>
          %le3A_260 = arith.cmpf ole, %masked_sort3A_248, %rev3A_254 : vector<16xf32>
          %min3A_261 = arith.minimumf %masked_sort3A_248, %rev3A_254 : vector<16xf32>
          %select_n3A_262 = arith.select %le3A_260, %masked_sort3A_249, %rev3A_259 : vector<16xi1>, vector<16xi32>
          %masked_sort3A_263 = arith.constant dense<true> : vector<16xi1>
          %masked_sort3A_264, %masked_sort3A_265, %masked_sort3A_266 = tpu.sort %min3A_261, %select_n3A_262 masked %masked_sort3A_263 : (vector<16xf32>, vector<16xi32>, vector<16xi1>) -> (vector<16xi1>, vector<16xf32>, vector<16xi32>)
          %mul3A_267 = arith.constant 8 : i32
          %mul3A_268 = arith.muli %scan3A_155, %mul3A_267 : i32
          %add3A_269 = arith.constant 3 : i32
          %add3A_270 = arith.addi %mul3A_268, %add3A_269 : i32
          %mul3A_271 = arith.constant 16 : i32
          %mul3A_272 = arith.muli %add3A_270, %mul3A_271 : i32
          %get3A_273 = arith.index_cast %scan3A_24 : i32 to index
          %get3A_274 = arith.index_cast %mul3A_272 : i32 to index
          %get3A_275 = tpu.vector_load %arg5[%get3A_273, %get3A_274] {strides = array<i32>} : memref<8x4096xf32, #tpu.memory_space<vmem>>, vector<16xf32>,
          %add3A_276 = vector.broadcast %mul3A_272 : i32 to vector<16xi32>
          %add3A_277 = arith.addi %add3A_276, %iota3A : vector<16xi32>
          %masked_sort3A_278 = arith.constant dense<true> : vector<16xi1>
          %masked_sort3A_279, %masked_sort3A_280, %masked_sort3A_281 = tpu.sort %get3A_275, %add3A_277 masked %masked_sort3A_278 : (vector<16xf32>, vector<16xi32>, vector<16xi1>) -> (vector<16xi1>, vector<16xf32>, vector<16xi32>)
          %rev3A_282 = arith.constant 15 : i32
          %rev3A_283 = vector.broadcast %rev3A_282 : i32 to vector<16xi32>
          %rev3A_284 = tpu.iota {dimensions = array<i32: 0>} : vector<16xi32>
          %rev3A_285 = arith.subi %rev3A_283, %rev3A_284 : vector<16xi32>
          %rev3A_286 = tpu.dynamic_gather %scan3A_162[%rev3A_285] in [0] : vector<16xf32>, vector<16xi32> -> vector<16xf32>
          %rev3A_287 = arith.constant 15 : i32
          %rev3A_288 = vector.broadcast %rev3A_287 : i32 to vector<16xi32>
          %rev3A_289 = tpu.iota {dimensions = array<i32: 0>} : vector<16xi32>
          %rev3A_290 = arith.subi %rev3A_288, %rev3A_289 : vector<16xi32>
          %rev3A_291 = tpu.dynamic_gather %scan3A_163[%rev3A_290] in [0] : vector<16xi32>, vector<16xi32> -> vector<16xi32>
          %le3A_292 = arith.cmpf ole, %masked_sort3A_280, %rev3A_286 : vector<16xf32>
          %min3A_293 = arith.minimumf %masked_sort3A_280, %rev3A_286 : vector<16xf32>
          %select_n3A_294 = arith.select %le3A_292, %masked_sort3A_281, %rev3A_291 : vector<16xi1>, vector<16xi32>
          %masked_sort3A_295 = arith.constant dense<true> : vector<16xi1>
          %masked_sort3A_296, %masked_sort3A_297, %masked_sort3A_298 = tpu.sort %min3A_293, %select_n3A_294 masked %masked_sort3A_295 : (vector<16xf32>, vector<16xi32>, vector<16xi1>) -> (vector<16xi1>, vector<16xf32>, vector<16xi32>)
          %mul3A_299 = arith.constant 8 : i32
          %mul3A_300 = arith.muli %scan3A_155, %mul3A_299 : i32
          %add3A_301 = arith.constant 4 : i32
          %add3A_302 = arith.addi %mul3A_300, %add3A_301 : i32
          %mul3A_303 = arith.constant 16 : i32
          %mul3A_304 = arith.muli %add3A_302, %mul3A_303 : i32
          %get3A_305 = arith.index_cast %scan3A_24 : i32 to index
          %get3A_306 = arith.index_cast %mul3A_304 : i32 to index
          %get3A_307 = tpu.vector_load %arg5[%get3A_305, %get3A_306] {strides = array<i32>} : memref<8x4096xf32, #tpu.memory_space<vmem>>, vector<16xf32>,
          %add3A_308 = vector.broadcast %mul3A_304 : i32 to vector<16xi32>
          %add3A_309 = arith.addi %add3A_308, %iota3A : vector<16xi32>
          %masked_sort3A_310 = arith.constant dense<true> : vector<16xi1>
          %masked_sort3A_311, %masked_sort3A_312, %masked_sort3A_313 = tpu.sort %get3A_307, %add3A_309 masked %masked_sort3A_310 : (vector<16xf32>, vector<16xi32>, vector<16xi1>) -> (vector<16xi1>, vector<16xf32>, vector<16xi32>)
          %rev3A_314 = arith.constant 15 : i32
          %rev3A_315 = vector.broadcast %rev3A_314 : i32 to vector<16xi32>
          %rev3A_316 = tpu.iota {dimensions = array<i32: 0>} : vector<16xi32>
          %rev3A_317 = arith.subi %rev3A_315, %rev3A_316 : vector<16xi32>
          %rev3A_318 = tpu.dynamic_gather %scan3A_164[%rev3A_317] in [0] : vector<16xf32>, vector<16xi32> -> vector<16xf32>
          %rev3A_319 = arith.constant 15 : i32
          %rev3A_320 = vector.broadcast %rev3A_319 : i32 to vector<16xi32>
          %rev3A_321 = tpu.iota {dimensions = array<i32: 0>} : vector<16xi32>
          %rev3A_322 = arith.subi %rev3A_320, %rev3A_321 : vector<16xi32>
          %rev3A_323 = tpu.dynamic_gather %scan3A_165[%rev3A_322] in [0] : vector<16xi32>, vector<16xi32> -> vector<16xi32>
          %le3A_324 = arith.cmpf ole, %masked_sort3A_312, %rev3A_318 : vector<16xf32>
          %min3A_325 = arith.minimumf %masked_sort3A_312, %rev3A_318 : vector<16xf32>
          %select_n3A_326 = arith.select %le3A_324, %masked_sort3A_313, %rev3A_323 : vector<16xi1>, vector<16xi32>
          %masked_sort3A_327 = arith.constant dense<true> : vector<16xi1>
          %masked_sort3A_328, %masked_sort3A_329, %masked_sort3A_330 = tpu.sort %min3A_325, %select_n3A_326 masked %masked_sort3A_327 : (vector<16xf32>, vector<16xi32>, vector<16xi1>) -> (vector<16xi1>, vector<16xf32>, vector<16xi32>)
          %mul3A_331 = arith.constant 8 : i32
          %mul3A_332 = arith.muli %scan3A_155, %mul3A_331 : i32
          %add3A_333 = arith.constant 5 : i32
          %add3A_334 = arith.addi %mul3A_332, %add3A_333 : i32
          %mul3A_335 = arith.constant 16 : i32
          %mul3A_336 = arith.muli %add3A_334, %mul3A_335 : i32
          %get3A_337 = arith.index_cast %scan3A_24 : i32 to index
          %get3A_338 = arith.index_cast %mul3A_336 : i32 to index
          %get3A_339 = tpu.vector_load %arg5[%get3A_337, %get3A_338] {strides = array<i32>} : memref<8x4096xf32, #tpu.memory_space<vmem>>, vector<16xf32>,
          %add3A_340 = vector.broadcast %mul3A_336 : i32 to vector<16xi32>
          %add3A_341 = arith.addi %add3A_340, %iota3A : vector<16xi32>
          %masked_sort3A_342 = arith.constant dense<true> : vector<16xi1>
          %masked_sort3A_343, %masked_sort3A_344, %masked_sort3A_345 = tpu.sort %get3A_339, %add3A_341 masked %masked_sort3A_342 : (vector<16xf32>, vector<16xi32>, vector<16xi1>) -> (vector<16xi1>, vector<16xf32>, vector<16xi32>)
          %rev3A_346 = arith.constant 15 : i32
          %rev3A_347 = vector.broadcast %rev3A_346 : i32 to vector<16xi32>
          %rev3A_348 = tpu.iota {dimensions = array<i32: 0>} : vector<16xi32>
          %rev3A_349 = arith.subi %rev3A_347, %rev3A_348 : vector<16xi32>
          %rev3A_350 = tpu.dynamic_gather %scan3A_166[%rev3A_349] in [0] : vector<16xf32>, vector<16xi32> -> vector<16xf32>
          %rev3A_351 = arith.constant 15 : i32
          %rev3A_352 = vector.broadcast %rev3A_351 : i32 to vector<16xi32>
          %rev3A_353 = tpu.iota {dimensions = array<i32: 0>} : vector<16xi32>
          %rev3A_354 = arith.subi %rev3A_352, %rev3A_353 : vector<16xi32>
          %rev3A_355 = tpu.dynamic_gather %scan3A_167[%rev3A_354] in [0] : vector<16xi32>, vector<16xi32> -> vector<16xi32>
          %le3A_356 = arith.cmpf ole, %masked_sort3A_344, %rev3A_350 : vector<16xf32>
          %min3A_357 = arith.minimumf %masked_sort3A_344, %rev3A_350 : vector<16xf32>
          %select_n3A_358 = arith.select %le3A_356, %masked_sort3A_345, %rev3A_355 : vector<16xi1>, vector<16xi32>
          %masked_sort3A_359 = arith.constant dense<true> : vector<16xi1>
          %masked_sort3A_360, %masked_sort3A_361, %masked_sort3A_362 = tpu.sort %min3A_357, %select_n3A_358 masked %masked_sort3A_359 : (vector<16xf32>, vector<16xi32>, vector<16xi1>) -> (vector<16xi1>, vector<16xf32>, vector<16xi32>)
          %mul3A_363 = arith.constant 8 : i32
          %mul3A_364 = arith.muli %scan3A_155, %mul3A_363 : i32
          %add3A_365 = arith.constant 6 : i32
          %add3A_366 = arith.addi %mul3A_364, %add3A_365 : i32
          %mul3A_367 = arith.constant 16 : i32
          %mul3A_368 = arith.muli %add3A_366, %mul3A_367 : i32
          %get3A_369 = arith.index_cast %scan3A_24 : i32 to index
          %get3A_370 = arith.index_cast %mul3A_368 : i32 to index
          %get3A_371 = tpu.vector_load %arg5[%get3A_369, %get3A_370] {strides = array<i32>} : memref<8x4096xf32, #tpu.memory_space<vmem>>, vector<16xf32>,
          %add3A_372 = vector.broadcast %mul3A_368 : i32 to vector<16xi32>
          %add3A_373 = arith.addi %add3A_372, %iota3A : vector<16xi32>
          %masked_sort3A_374 = arith.constant dense<true> : vector<16xi1>
          %masked_sort3A_375, %masked_sort3A_376, %masked_sort3A_377 = tpu.sort %get3A_371, %add3A_373 masked %masked_sort3A_374 : (vector<16xf32>, vector<16xi32>, vector<16xi1>) -> (vector<16xi1>, vector<16xf32>, vector<16xi32>)
          %rev3A_378 = arith.constant 15 : i32
          %rev3A_379 = vector.broadcast %rev3A_378 : i32 to vector<16xi32>
          %rev3A_380 = tpu.iota {dimensions = array<i32: 0>} : vector<16xi32>
          %rev3A_381 = arith.subi %rev3A_379, %rev3A_380 : vector<16xi32>
          %rev3A_382 = tpu.dynamic_gather %scan3A_168[%rev3A_381] in [0] : vector<16xf32>, vector<16xi32> -> vector<16xf32>
          %rev3A_383 = arith.constant 15 : i32
          %rev3A_384 = vector.broadcast %rev3A_383 : i32 to vector<16xi32>
          %rev3A_385 = tpu.iota {dimensions = array<i32: 0>} : vector<16xi32>
          %rev3A_386 = arith.subi %rev3A_384, %rev3A_385 : vector<16xi32>
          %rev3A_387 = tpu.dynamic_gather %scan3A_169[%rev3A_386] in [0] : vector<16xi32>, vector<16xi32> -> vector<16xi32>
          %le3A_388 = arith.cmpf ole, %masked_sort3A_376, %rev3A_382 : vector<16xf32>
          %min3A_389 = arith.minimumf %masked_sort3A_376, %rev3A_382 : vector<16xf32>
          %select_n3A_390 = arith.select %le3A_388, %masked_sort3A_377, %rev3A_387 : vector<16xi1>, vector<16xi32>
          %masked_sort3A_391 = arith.constant dense<true> : vector<16xi1>
          %masked_sort3A_392, %masked_sort3A_393, %masked_sort3A_394 = tpu.sort %min3A_389, %select_n3A_390 masked %masked_sort3A_391 : (vector<16xf32>, vector<16xi32>, vector<16xi1>) -> (vector<16xi1>, vector<16xf32>, vector<16xi32>)
          %mul3A_395 = arith.constant 8 : i32
          %mul3A_396 = arith.muli %scan3A_155, %mul3A_395 : i32
          %add3A_397 = arith.constant 7 : i32
          %add3A_398 = arith.addi %mul3A_396, %add3A_397 : i32
          %mul3A_399 = arith.constant 16 : i32
          %mul3A_400 = arith.muli %add3A_398, %mul3A_399 : i32
          %get3A_401 = arith.index_cast %scan3A_24 : i32 to index
          %get3A_402 = arith.index_cast %mul3A_400 : i32 to index
          %get3A_403 = tpu.vector_load %arg5[%get3A_401, %get3A_402] {strides = array<i32>} : memref<8x4096xf32, #tpu.memory_space<vmem>>, vector<16xf32>,
          %add3A_404 = vector.broadcast %mul3A_400 : i32 to vector<16xi32>
          %add3A_405 = arith.addi %add3A_404, %iota3A : vector<16xi32>
          %masked_sort3A_406 = arith.constant dense<true> : vector<16xi1>
          %masked_sort3A_407, %masked_sort3A_408, %masked_sort3A_409 = tpu.sort %get3A_403, %add3A_405 masked %masked_sort3A_406 : (vector<16xf32>, vector<16xi32>, vector<16xi1>) -> (vector<16xi1>, vector<16xf32>, vector<16xi32>)
          %rev3A_410 = arith.constant 15 : i32
          %rev3A_411 = vector.broadcast %rev3A_410 : i32 to vector<16xi32>
          %rev3A_412 = tpu.iota {dimensions = array<i32: 0>} : vector<16xi32>
          %rev3A_413 = arith.subi %rev3A_411, %rev3A_412 : vector<16xi32>
          %rev3A_414 = tpu.dynamic_gather %scan3A_170[%rev3A_413] in [0] : vector<16xf32>, vector<16xi32> -> vector<16xf32>
          %rev3A_415 = arith.constant 15 : i32
          %rev3A_416 = vector.broadcast %rev3A_415 : i32 to vector<16xi32>
          %rev3A_417 = tpu.iota {dimensions = array<i32: 0>} : vector<16xi32>
          %rev3A_418 = arith.subi %rev3A_416, %rev3A_417 : vector<16xi32>
          %rev3A_419 = tpu.dynamic_gather %scan3A_171[%rev3A_418] in [0] : vector<16xi32>, vector<16xi32> -> vector<16xi32>
          %le3A_420 = arith.cmpf ole, %masked_sort3A_408, %rev3A_414 : vector<16xf32>
          %min3A_421 = arith.minimumf %masked_sort3A_408, %rev3A_414 : vector<16xf32>
          %select_n3A_422 = arith.select %le3A_420, %masked_sort3A_409, %rev3A_419 : vector<16xi1>, vector<16xi32>
          %masked_sort3A_423 = arith.constant dense<true> : vector<16xi1>
          %masked_sort3A_424, %masked_sort3A_425, %masked_sort3A_426 = tpu.sort %min3A_421, %select_n3A_422 masked %masked_sort3A_423 : (vector<16xf32>, vector<16xi32>, vector<16xi1>) -> (vector<16xi1>, vector<16xf32>, vector<16xi32>)
          scf.yield %masked_sort3A_201, %masked_sort3A_202, %masked_sort3A_233, %masked_sort3A_234, %masked_sort3A_265, %masked_sort3A_266, %masked_sort3A_297, %masked_sort3A_298, %masked_sort3A_329, %masked_sort3A_330, %masked_sort3A_361, %masked_sort3A_362, %masked_sort3A_393, %masked_sort3A_394, %masked_sort3A_425, %masked_sort3A_426 : vector<16xf32>, vector<16xi32>, vector<16xf32>, vector<16xi32>, vector<16xf32>, vector<16xi32>, vector<16xf32>, vector<16xi32>, vector<16xf32>, vector<16xi32>, vector<16xf32>, vector<16xi32>, vector<16xf32>, vector<16xi32>, vector<16xf32>, vector<16xi32>
        }
        %scan3A_34 = arith.constant 32 : i32
        %rev3A = arith.constant 15 : i32
        %rev3A_35 = vector.broadcast %rev3A : i32 to vector<16xi32>
        %rev3A_36 = tpu.iota {dimensions = array<i32: 0>} : vector<16xi32>
        %rev3A_37 = arith.subi %rev3A_35, %rev3A_36 : vector<16xi32>
        %rev3A_38 = tpu.dynamic_gather %scan3A_33#2[%rev3A_37] in [0] : vector<16xf32>, vector<16xi32> -> vector<16xf32>
        %rev3A_39 = arith.constant 15 : i32
        %rev3A_40 = vector.broadcast %rev3A_39 : i32 to vector<16xi32>
        %rev3A_41 = tpu.iota {dimensions = array<i32: 0>} : vector<16xi32>
        %rev3A_42 = arith.subi %rev3A_40, %rev3A_41 : vector<16xi32>
        %rev3A_43 = tpu.dynamic_gather %scan3A_33#3[%rev3A_42] in [0] : vector<16xi32>, vector<16xi32> -> vector<16xi32>
        %le3A = arith.cmpf ole, %scan3A_33#0, %rev3A_38 : vector<16xf32>
        %min3A = arith.minimumf %scan3A_33#0, %rev3A_38 : vector<16xf32>
        %select_n3A = arith.select %le3A, %scan3A_33#1, %rev3A_43 : vector<16xi1>, vector<16xi32>
        %masked_sort3A = arith.constant dense<true> : vector<16xi1>
        %masked_sort3A_44, %masked_sort3A_45, %masked_sort3A_46 = tpu.sort %min3A, %select_n3A masked %masked_sort3A : (vector<16xf32>, vector<16xi32>, vector<16xi1>) -> (vector<16xi1>, vector<16xf32>, vector<16xi32>)
        %rev3A_47 = arith.constant 15 : i32
        %rev3A_48 = vector.broadcast %rev3A_47 : i32 to vector<16xi32>
        %rev3A_49 = tpu.iota {dimensions = array<i32: 0>} : vector<16xi32>
        %rev3A_50 = arith.subi %rev3A_48, %rev3A_49 : vector<16xi32>
        %rev3A_51 = tpu.dynamic_gather %scan3A_33#6[%rev3A_50] in [0] : vector<16xf32>, vector<16xi32> -> vector<16xf32>
        %rev3A_52 = arith.constant 15 : i32
        %rev3A_53 = vector.broadcast %rev3A_52 : i32 to vector<16xi32>
        %rev3A_54 = tpu.iota {dimensions = array<i32: 0>} : vector<16xi32>
        %rev3A_55 = arith.subi %rev3A_53, %rev3A_54 : vector<16xi32>
        %rev3A_56 = tpu.dynamic_gather %scan3A_33#7[%rev3A_55] in [0] : vector<16xi32>, vector<16xi32> -> vector<16xi32>
        %le3A_57 = arith.cmpf ole, %scan3A_33#4, %rev3A_51 : vector<16xf32>
        %min3A_58 = arith.minimumf %scan3A_33#4, %rev3A_51 : vector<16xf32>
        %select_n3A_59 = arith.select %le3A_57, %scan3A_33#5, %rev3A_56 : vector<16xi1>, vector<16xi32>
        %masked_sort3A_60 = arith.constant dense<true> : vector<16xi1>
        %masked_sort3A_61, %masked_sort3A_62, %masked_sort3A_63 = tpu.sort %min3A_58, %select_n3A_59 masked %masked_sort3A_60 : (vector<16xf32>, vector<16xi32>, vector<16xi1>) -> (vector<16xi1>, vector<16xf32>, vector<16xi32>)
        %rev3A_64 = arith.constant 15 : i32
        %rev3A_65 = vector.broadcast %rev3A_64 : i32 to vector<16xi32>
        %rev3A_66 = tpu.iota {dimensions = array<i32: 0>} : vector<16xi32>
        %rev3A_67 = arith.subi %rev3A_65, %rev3A_66 : vector<16xi32>
        %rev3A_68 = tpu.dynamic_gather %scan3A_33#10[%rev3A_67] in [0] : vector<16xf32>, vector<16xi32> -> vector<16xf32>
        %rev3A_69 = arith.constant 15 : i32
        %rev3A_70 = vector.broadcast %rev3A_69 : i32 to vector<16xi32>
        %rev3A_71 = tpu.iota {dimensions = array<i32: 0>} : vector<16xi32>
        %rev3A_72 = arith.subi %rev3A_70, %rev3A_71 : vector<16xi32>
        %rev3A_73 = tpu.dynamic_gather %scan3A_33#11[%rev3A_72] in [0] : vector<16xi32>, vector<16xi32> -> vector<16xi32>
        %le3A_74 = arith.cmpf ole, %scan3A_33#8, %rev3A_68 : vector<16xf32>
        %min3A_75 = arith.minimumf %scan3A_33#8, %rev3A_68 : vector<16xf32>
        %select_n3A_76 = arith.select %le3A_74, %scan3A_33#9, %rev3A_73 : vector<16xi1>, vector<16xi32>
        %masked_sort3A_77 = arith.constant dense<true> : vector<16xi1>
        %masked_sort3A_78, %masked_sort3A_79, %masked_sort3A_80 = tpu.sort %min3A_75, %select_n3A_76 masked %masked_sort3A_77 : (vector<16xf32>, vector<16xi32>, vector<16xi1>) -> (vector<16xi1>, vector<16xf32>, vector<16xi32>)
        %rev3A_81 = arith.constant 15 : i32
        %rev3A_82 = vector.broadcast %rev3A_81 : i32 to vector<16xi32>
        %rev3A_83 = tpu.iota {dimensions = array<i32: 0>} : vector<16xi32>
        %rev3A_84 = arith.subi %rev3A_82, %rev3A_83 : vector<16xi32>
        %rev3A_85 = tpu.dynamic_gather %scan3A_33#14[%rev3A_84] in [0] : vector<16xf32>, vector<16xi32> -> vector<16xf32>
        %rev3A_86 = arith.constant 15 : i32
        %rev3A_87 = vector.broadcast %rev3A_86 : i32 to vector<16xi32>
        %rev3A_88 = tpu.iota {dimensions = array<i32: 0>} : vector<16xi32>
        %rev3A_89 = arith.subi %rev3A_87, %rev3A_88 : vector<16xi32>
        %rev3A_90 = tpu.dynamic_gather %scan3A_33#15[%rev3A_89] in [0] : vector<16xi32>, vector<16xi32> -> vector<16xi32>
        %le3A_91 = arith.cmpf ole, %scan3A_33#12, %rev3A_85 : vector<16xf32>
        %min3A_92 = arith.minimumf %scan3A_33#12, %rev3A_85 : vector<16xf32>
        %select_n3A_93 = arith.select %le3A_91, %scan3A_33#13, %rev3A_90 : vector<16xi1>, vector<16xi32>
        %masked_sort3A_94 = arith.constant dense<true> : vector<16xi1>
        %masked_sort3A_95, %masked_sort3A_96, %masked_sort3A_97 = tpu.sort %min3A_92, %select_n3A_93 masked %masked_sort3A_94 : (vector<16xf32>, vector<16xi32>, vector<16xi1>) -> (vector<16xi1>, vector<16xf32>, vector<16xi32>)
        %rev3A_98 = arith.constant 15 : i32
        %rev3A_99 = vector.broadcast %rev3A_98 : i32 to vector<16xi32>
        %rev3A_100 = tpu.iota {dimensions = array<i32: 0>} : vector<16xi32>
        %rev3A_101 = arith.subi %rev3A_99, %rev3A_100 : vector<16xi32>
        %rev3A_102 = tpu.dynamic_gather %masked_sort3A_62[%rev3A_101] in [0] : vector<16xf32>, vector<16xi32> -> vector<16xf32>
        %rev3A_103 = arith.constant 15 : i32
        %rev3A_104 = vector.broadcast %rev3A_103 : i32 to vector<16xi32>
        %rev3A_105 = tpu.iota {dimensions = array<i32: 0>} : vector<16xi32>
        %rev3A_106 = arith.subi %rev3A_104, %rev3A_105 : vector<16xi32>
        %rev3A_107 = tpu.dynamic_gather %masked_sort3A_63[%rev3A_106] in [0] : vector<16xi32>, vector<16xi32> -> vector<16xi32>
        %le3A_108 = arith.cmpf ole, %masked_sort3A_45, %rev3A_102 : vector<16xf32>
        %min3A_109 = arith.minimumf %masked_sort3A_45, %rev3A_102 : vector<16xf32>
        %select_n3A_110 = arith.select %le3A_108, %masked_sort3A_46, %rev3A_107 : vector<16xi1>, vector<16xi32>
        %masked_sort3A_111 = arith.constant dense<true> : vector<16xi1>
        %masked_sort3A_112, %masked_sort3A_113, %masked_sort3A_114 = tpu.sort %min3A_109, %select_n3A_110 masked %masked_sort3A_111 : (vector<16xf32>, vector<16xi32>, vector<16xi1>) -> (vector<16xi1>, vector<16xf32>, vector<16xi32>)
        %rev3A_115 = arith.constant 15 : i32
        %rev3A_116 = vector.broadcast %rev3A_115 : i32 to vector<16xi32>
        %rev3A_117 = tpu.iota {dimensions = array<i32: 0>} : vector<16xi32>
        %rev3A_118 = arith.subi %rev3A_116, %rev3A_117 : vector<16xi32>
        %rev3A_119 = tpu.dynamic_gather %masked_sort3A_96[%rev3A_118] in [0] : vector<16xf32>, vector<16xi32> -> vector<16xf32>
        %rev3A_120 = arith.constant 15 : i32
        %rev3A_121 = vector.broadcast %rev3A_120 : i32 to vector<16xi32>
        %rev3A_122 = tpu.iota {dimensions = array<i32: 0>} : vector<16xi32>
        %rev3A_123 = arith.subi %rev3A_121, %rev3A_122 : vector<16xi32>
        %rev3A_124 = tpu.dynamic_gather %masked_sort3A_97[%rev3A_123] in [0] : vector<16xi32>, vector<16xi32> -> vector<16xi32>
        %le3A_125 = arith.cmpf ole, %masked_sort3A_79, %rev3A_119 : vector<16xf32>
        %min3A_126 = arith.minimumf %masked_sort3A_79, %rev3A_119 : vector<16xf32>
        %select_n3A_127 = arith.select %le3A_125, %masked_sort3A_80, %rev3A_124 : vector<16xi1>, vector<16xi32>
        %masked_sort3A_128 = arith.constant dense<true> : vector<16xi1>
        %masked_sort3A_129, %masked_sort3A_130, %masked_sort3A_131 = tpu.sort %min3A_126, %select_n3A_127 masked %masked_sort3A_128 : (vector<16xf32>, vector<16xi32>, vector<16xi1>) -> (vector<16xi1>, vector<16xf32>, vector<16xi32>)
        %rev3A_132 = arith.constant 15 : i32
        %rev3A_133 = vector.broadcast %rev3A_132 : i32 to vector<16xi32>
        %rev3A_134 = tpu.iota {dimensions = array<i32: 0>} : vector<16xi32>
        %rev3A_135 = arith.subi %rev3A_133, %rev3A_134 : vector<16xi32>
        %rev3A_136 = tpu.dynamic_gather %masked_sort3A_130[%rev3A_135] in [0] : vector<16xf32>, vector<16xi32> -> vector<16xf32>
        %rev3A_137 = arith.constant 15 : i32
        %rev3A_138 = vector.broadcast %rev3A_137 : i32 to vector<16xi32>
        %rev3A_139 = tpu.iota {dimensions = array<i32: 0>} : vector<16xi32>
        %rev3A_140 = arith.subi %rev3A_138, %rev3A_139 : vector<16xi32>
        %rev3A_141 = tpu.dynamic_gather %masked_sort3A_131[%rev3A_140] in [0] : vector<16xi32>, vector<16xi32> -> vector<16xi32>
        %le3A_142 = arith.cmpf ole, %masked_sort3A_113, %rev3A_136 : vector<16xf32>
        %min3A_143 = arith.minimumf %masked_sort3A_113, %rev3A_136 : vector<16xf32>
        %select_n3A_144 = arith.select %le3A_142, %masked_sort3A_114, %rev3A_141 : vector<16xi1>, vector<16xi32>
        %masked_sort3A_145 = arith.constant dense<true> : vector<16xi1>
        %masked_sort3A_146, %masked_sort3A_147, %masked_sort3A_148 = tpu.sort %min3A_143, %select_n3A_144 masked %masked_sort3A_145 : (vector<16xf32>, vector<16xi32>, vector<16xi1>) -> (vector<16xi1>, vector<16xf32>, vector<16xi32>)
        %swap3A = arith.index_cast %scan3A_24 : i32 to index
        %swap3A_149 = arith.constant 0 : index
        %swap3A_150 = tpu.vector_load %arg6[%swap3A, %swap3A_149] {strides = array<i32>} : memref<8x16xf32, #tpu.memory_space<vmem>>, vector<16xf32>,
        tpu.vector_store %arg6[%swap3A, %swap3A_149], %masked_sort3A_147 {strides = array<i32>} : memref<8x16xf32, #tpu.memory_space<vmem>>, vector<16xf32>,
        %swap3A_151 = arith.index_cast %scan3A_24 : i32 to index
        %swap3A_152 = arith.constant 0 : index
        %swap3A_153 = tpu.vector_load %arg7[%swap3A_151, %swap3A_152] {strides = array<i32>} : memref<8x16xi32, #tpu.memory_space<vmem>>, vector<16xi32>,
        tpu.vector_store %arg7[%swap3A_151, %swap3A_152], %masked_sort3A_148 {strides = array<i32>} : memref<8x16xi32, #tpu.memory_space<vmem>>, vector<16xi32>,
        %scan3A_154 = arith.constant 0 : i32
        scf.yield %scan3A_154 : i32
      }
      %scan3A_22 = arith.constant 8 : i32
      "tpu.region"() ({
        %run_scoped3A = tpu.sem_alloc : memref<!tpu.dma_semaphore, #tpu.memory_space<semaphore_mem>>
        %dma_start3A = arith.constant 0 : i32
        %dma_start3A_24 = tpu.memref_slice %arg3[%add3A_15, %dma_start3A] : memref<4096x16xf32, #tpu.memory_space<hbm>> -> memref<8x16xf32, #tpu.memory_space<hbm>>
        %dma_start3A_25 = arith.constant 0 : i32
        %dma_start3A_26 = tpu.memref_slice %arg3[%add3A_15, %dma_start3A_25] : memref<4096x16xf32, #tpu.memory_space<hbm>> -> memref<8x16xf32, #tpu.memory_space<hbm>>
        tpu.enqueue_dma source(%arg6 : memref<8x16xf32, #tpu.memory_space<vmem>>) target(%dma_start3A_26 : memref<8x16xf32, #tpu.memory_space<hbm>>) target_semaphore(%run_scoped3A : memref<!tpu.dma_semaphore, #tpu.memory_space<semaphore_mem>>)
        %dma_wait3A = arith.constant 0 : i32
        %dma_wait3A_27 = tpu.memref_slice %arg3[%add3A_15, %dma_wait3A] : memref<4096x16xf32, #tpu.memory_space<hbm>> -> memref<8x16xf32, #tpu.memory_space<hbm>>
        %dma_wait3A_28 = arith.constant 0 : i32
        %dma_wait3A_29 = tpu.memref_slice %arg3[%add3A_15, %dma_wait3A_28] : memref<4096x16xf32, #tpu.memory_space<hbm>> -> memref<8x16xf32, #tpu.memory_space<hbm>>
        tpu.wait_dma2 semaphore(%run_scoped3A : memref<!tpu.dma_semaphore, #tpu.memory_space<semaphore_mem>>) src(%arg6 : memref<8x16xf32, #tpu.memory_space<vmem>>) dst(%dma_wait3A_29 : memref<8x16xf32, #tpu.memory_space<hbm>>)
        tpu.yield
      }) : () -> ()
      "tpu.region"() ({
        %run_scoped3A = tpu.sem_alloc : memref<!tpu.dma_semaphore, #tpu.memory_space<semaphore_mem>>
        %dma_start3A = arith.constant 0 : i32
        %dma_start3A_24 = tpu.memref_slice %arg4[%add3A_15, %dma_start3A] : memref<4096x16xi32, #tpu.memory_space<hbm>> -> memref<8x16xi32, #tpu.memory_space<hbm>>
        %dma_start3A_25 = arith.constant 0 : i32
        %dma_start3A_26 = tpu.memref_slice %arg4[%add3A_15, %dma_start3A_25] : memref<4096x16xi32, #tpu.memory_space<hbm>> -> memref<8x16xi32, #tpu.memory_space<hbm>>
        tpu.enqueue_dma source(%arg7 : memref<8x16xi32, #tpu.memory_space<vmem>>) target(%dma_start3A_26 : memref<8x16xi32, #tpu.memory_space<hbm>>) target_semaphore(%run_scoped3A : memref<!tpu.dma_semaphore, #tpu.memory_space<semaphore_mem>>)
        %dma_wait3A = arith.constant 0 : i32
        %dma_wait3A_27 = tpu.memref_slice %arg4[%add3A_15, %dma_wait3A] : memref<4096x16xi32, #tpu.memory_space<hbm>> -> memref<8x16xi32, #tpu.memory_space<hbm>>
        %dma_wait3A_28 = arith.constant 0 : i32
        %dma_wait3A_29 = tpu.memref_slice %arg4[%add3A_15, %dma_wait3A_28] : memref<4096x16xi32, #tpu.memory_space<hbm>> -> memref<8x16xi32, #tpu.memory_space<hbm>>
        tpu.wait_dma2 semaphore(%run_scoped3A : memref<!tpu.dma_semaphore, #tpu.memory_space<semaphore_mem>>) src(%arg7 : memref<8x16xi32, #tpu.memory_space<vmem>>) dst(%dma_wait3A_29 : memref<8x16xi32, #tpu.memory_space<hbm>>)
        tpu.yield
      }) : () -> ()
      %scan3A_23 = arith.constant 0 : i32
      scf.yield %scan3A_23 : i32
    }
    %scan3A_8 = arith.constant 16 : i32
    return
  }
}

#map = affine_map<(d0, d1) -> (0, 0)>
module attributes {stable_mosaic.version = 14 : i64} {
  func.func @_bf_body(%arg0: i32, %arg1: i32, %arg2: memref<15x2048xi32, #tpu.memory_space<hbm>>, %arg3: memref<15x4096xf32, #tpu.memory_space<hbm>>, %arg4: memref<32x4096xf32, #tpu.memory_space<hbm>>, %arg5: memref<15x2048xi32, #tpu.memory_space<vmem>>, %arg6: memref<15x4096xf32, #tpu.memory_space<vmem>>, %arg7: memref<4096xf32, #tpu.memory_space<vmem>>, %arg8: memref<4096xf32, #tpu.memory_space<vmem>>) attributes {dimension_semantics = [#tpu.dimension_semantics<core_parallel>, #tpu.dimension_semantics<subcore_parallel>], iteration_bounds = array<i64: 2, 16>, scalar_prefetch = 0 : i64, scratch_operands = 4 : i64, tpu.core_type = #tpu.core_type<sc_vector_subcore>, window_params = [{transform_indices = #map}, {transform_indices = #map}, {transform_indices = #map}]} {
    %mul3A = arith.constant 2 : i32
    %mul3A_0 = arith.muli %arg1, %mul3A : i32
    %add3A = arith.addi %mul3A_0, %arg0 : i32
    %iota3A = tpu.iota {dimensions = array<i32: 0>} : vector<16xi32>
    "tpu.region"() ({
      %run_scoped3A = tpu.sem_alloc : memref<!tpu.dma_semaphore, #tpu.memory_space<semaphore_mem>>
      tpu.enqueue_dma source(%arg2 : memref<15x2048xi32, #tpu.memory_space<hbm>>) target(%arg5 : memref<15x2048xi32, #tpu.memory_space<vmem>>) target_semaphore(%run_scoped3A : memref<!tpu.dma_semaphore, #tpu.memory_space<semaphore_mem>>)
      tpu.wait_dma2 semaphore(%run_scoped3A : memref<!tpu.dma_semaphore, #tpu.memory_space<semaphore_mem>>) src(%arg2 : memref<15x2048xi32, #tpu.memory_space<hbm>>) dst(%arg5 : memref<15x2048xi32, #tpu.memory_space<vmem>>)
      tpu.yield
    }) : () -> ()
    "tpu.region"() ({
      %run_scoped3A = tpu.sem_alloc : memref<!tpu.dma_semaphore, #tpu.memory_space<semaphore_mem>>
      tpu.enqueue_dma source(%arg3 : memref<15x4096xf32, #tpu.memory_space<hbm>>) target(%arg6 : memref<15x4096xf32, #tpu.memory_space<vmem>>) target_semaphore(%run_scoped3A : memref<!tpu.dma_semaphore, #tpu.memory_space<semaphore_mem>>)
      tpu.wait_dma2 semaphore(%run_scoped3A : memref<!tpu.dma_semaphore, #tpu.memory_space<semaphore_mem>>) src(%arg3 : memref<15x4096xf32, #tpu.memory_space<hbm>>) dst(%arg6 : memref<15x4096xf32, #tpu.memory_space<vmem>>)
      tpu.yield
    }) : () -> ()
    %scan3A = arith.constant 0 : i32
    %scan3A_1 = arith.constant 0 : i32
    %scan3A_2 = arith.constant 256 : i32
    %scan3A_3 = arith.addi %scan3A_1, %scan3A_2 : i32
    %scan3A_4 = arith.constant 1 : i32
    %scan3A_5 = scf.for %scan3A_55 = %scan3A_1 to %scan3A_3 step %scan3A_4 iter_args(%scan3A_56 = %scan3A) -> (i32)  : i32 {
      %broadcast_in_dim3A_57 = arith.constant 1.000000e+10 : f32
      %broadcast_in_dim3A_58 = vector.broadcast %broadcast_in_dim3A_57 : f32 to vector<16xf32>
      %mul3A_59 = arith.constant 16 : i32
      %mul3A_60 = arith.muli %scan3A_55, %mul3A_59 : i32
      %swap3A_61 = arith.index_cast %mul3A_60 : i32 to index
      %swap3A_62 = tpu.vector_load %arg7[%swap3A_61] {strides = array<i32>} : memref<4096xf32, #tpu.memory_space<vmem>>, vector<16xf32>,
      tpu.vector_store %arg7[%swap3A_61], %broadcast_in_dim3A_58 {strides = array<i32>} : memref<4096xf32, #tpu.memory_space<vmem>>, vector<16xf32>,
      %scan3A_63 = arith.constant 0 : i32
      scf.yield %scan3A_63 : i32
    }
    %scan3A_6 = arith.constant 256 : i32
    %jit3A = arith.constant 16 : i32
    %eq3A = arith.constant 0 : i32
    %eq3A_7 = arith.cmpi eq, %jit3A, %eq3A : i32
    %jit3A_8 = arith.constant 1 : i32
    %select_n3A = arith.select %eq3A_7, %jit3A_8, %jit3A : i32
    %rem3A = arith.remsi %add3A, %select_n3A : i32
    %ne3A = arith.constant 0 : i32
    %ne3A_9 = arith.cmpi ne, %rem3A, %ne3A : i32
    %lt3A = arith.constant 0 : i32
    %lt3A_10 = arith.cmpi slt, %rem3A, %lt3A : i32
    %lt3A_11 = arith.constant 0 : i32
    %lt3A_12 = arith.cmpi slt, %select_n3A, %lt3A_11 : i32
    %ne3A_13 = arith.xori %lt3A_10, %lt3A_12 : i1
    %and3A = arith.andi %ne3A_13, %ne3A_9 : i1
    %add3A_14 = arith.addi %rem3A, %select_n3A : i32
    %select_n3A_15 = arith.select %and3A, %add3A_14, %rem3A : i32
    %eq3A_16 = vector.broadcast %select_n3A_15 : i32 to vector<16xi32>
    %eq3A_17 = arith.cmpi eq, %iota3A, %eq3A_16 : vector<16xi32>
    %jit3A_18 = arith.constant 0.000000e+00 : f32
    %jit3A_19 = arith.constant 1.000000e+10 : f32
    %broadcast_in_dim3A = vector.broadcast %jit3A_18 : f32 to vector<16xf32>
    %broadcast_in_dim3A_20 = vector.broadcast %jit3A_19 : f32 to vector<16xf32>
    %select_n3A_21 = arith.select %eq3A_17, %broadcast_in_dim3A, %broadcast_in_dim3A_20 : vector<16xi1>, vector<16xf32>
    %jit3A_22 = arith.constant 16 : i32
    %div3A = arith.divsi %add3A, %jit3A_22 : i32
    %sign3A = arith.constant 0 : i32
    %sign3A_23 = arith.cmpi sgt, %add3A, %sign3A : i32
    %sign3A_24 = arith.extui %sign3A_23 : i1 to i32
    %sign3A_25 = arith.constant 0 : i32
    %sign3A_26 = arith.cmpi slt, %add3A, %sign3A_25 : i32
    %sign3A_27 = arith.extui %sign3A_26 : i1 to i32
    %sign3A_28 = arith.subi %sign3A_24, %sign3A_27 : i32
    %sign3A_29 = arith.constant 0 : i32
    %sign3A_30 = arith.cmpi sgt, %jit3A_22, %sign3A_29 : i32
    %sign3A_31 = arith.extui %sign3A_30 : i1 to i32
    %sign3A_32 = arith.constant 0 : i32
    %sign3A_33 = arith.cmpi slt, %jit3A_22, %sign3A_32 : i32
    %sign3A_34 = arith.extui %sign3A_33 : i1 to i32
    %sign3A_35 = arith.subi %sign3A_31, %sign3A_34 : i32
    %ne3A_36 = arith.cmpi ne, %sign3A_28, %sign3A_35 : i32
    %rem3A_37 = arith.remsi %add3A, %jit3A_22 : i32
    %ne3A_38 = arith.constant 0 : i32
    %ne3A_39 = arith.cmpi ne, %rem3A_37, %ne3A_38 : i32
    %and3A_40 = arith.andi %ne3A_36, %ne3A_39 : i1
    %sub3A = arith.constant 1 : i32
    %sub3A_41 = arith.subi %div3A, %sub3A : i32
    %select_n3A_42 = arith.select %and3A_40, %sub3A_41, %div3A : i32
    %mul3A_43 = arith.constant 16 : i32
    %mul3A_44 = arith.muli %select_n3A_42, %mul3A_43 : i32
    %swap3A = arith.index_cast %mul3A_44 : i32 to index
    %swap3A_45 = tpu.vector_load %arg7[%swap3A] {strides = array<i32>} : memref<4096xf32, #tpu.memory_space<vmem>>, vector<16xf32>,
    tpu.vector_store %arg7[%swap3A], %select_n3A_21 {strides = array<i32>} : memref<4096xf32, #tpu.memory_space<vmem>>, vector<16xf32>,
    %scan3A_46 = arith.constant 0 : i32
    %scan3A_47 = arith.constant 0 : i32
    %scan3A_48 = arith.constant 256 : i32
    %scan3A_49 = arith.addi %scan3A_47, %scan3A_48 : i32
    %scan3A_50 = arith.constant 1 : i32
    %scan3A_51 = scf.for %scan3A_55 = %scan3A_47 to %scan3A_49 step %scan3A_50 iter_args(%scan3A_56 = %scan3A_46) -> (i32)  : i32 {
      %mul3A_57 = arith.constant 16 : i32
      %mul3A_58 = arith.muli %scan3A_55, %mul3A_57 : i32
      %get3A = arith.index_cast %mul3A_58 : i32 to index
      %get3A_59 = tpu.vector_load %arg7[%get3A] {strides = array<i32>} : memref<4096xf32, #tpu.memory_space<vmem>>, vector<16xf32>,
      %swap3A_60 = arith.index_cast %mul3A_58 : i32 to index
      %swap3A_61 = tpu.vector_load %arg8[%swap3A_60] {strides = array<i32>} : memref<4096xf32, #tpu.memory_space<vmem>>, vector<16xf32>,
      tpu.vector_store %arg8[%swap3A_60], %get3A_59 {strides = array<i32>} : memref<4096xf32, #tpu.memory_space<vmem>>, vector<16xf32>,
      %scan3A_62 = arith.constant 0 : i32
      scf.yield %scan3A_62 : i32
    }
    %scan3A_52 = arith.constant 256 : i32
    %while3A = arith.constant 0 : i32
    %while3A_53 = arith.constant 1 : i32
    %while3A_54:2 = scf.while (%while3A_55 = %while3A, %while3A_56 = %while3A_53) : (i32, i32) -> (i32, i32) {
      %lt3A_57 = arith.constant 20 : i32
      %lt3A_58 = arith.cmpi slt, %while3A_55, %lt3A_57 : i32
      %gt3A = arith.constant 0 : i32
      %gt3A_59 = arith.cmpi sgt, %while3A_56, %gt3A : i32
      %and3A_60 = arith.andi %lt3A_58, %gt3A_59 : i1
      scf.condition(%and3A_60) %while3A_55, %while3A_56 : i32, i32
    } do {
    ^bb0(%while3A_55: i32, %while3A_56: i32):
      %broadcast_in_dim3A_57 = arith.constant false
      %broadcast_in_dim3A_58 = vector.broadcast %broadcast_in_dim3A_57 : i1 to vector<16xi1>
      %scan3A_59 = arith.constant 0 : i32
      %scan3A_60 = arith.constant 128 : i32
      %scan3A_61 = arith.addi %scan3A_59, %scan3A_60 : i32
      %scan3A_62 = arith.constant 1 : i32
      %scan3A_63 = scf.for %scan3A_78 = %scan3A_59 to %scan3A_61 step %scan3A_62 iter_args(%scan3A_79 = %broadcast_in_dim3A_58) -> (vector<16xi1>)  : i32 {
        %mul3A_80 = arith.constant 2 : i32
        %mul3A_81 = arith.muli %scan3A_78, %mul3A_80 : i32
        %mul3A_82 = arith.constant 16 : i32
        %mul3A_83 = arith.muli %mul3A_81, %mul3A_82 : i32
        %mul3A_84 = arith.constant 2 : i32
        %mul3A_85 = arith.muli %scan3A_78, %mul3A_84 : i32
        %mul3A_86 = arith.constant 16 : i32
        %mul3A_87 = arith.muli %mul3A_85, %mul3A_86 : i32
        %add3A_88 = arith.constant 16 : i32
        %add3A_89 = arith.addi %mul3A_87, %add3A_88 : i32
        %get3A = arith.index_cast %mul3A_83 : i32 to index
        %get3A_90 = tpu.vector_load %arg8[%get3A] {strides = array<i32>} : memref<4096xf32, #tpu.memory_space<vmem>>, vector<16xf32>,
        %get3A_91 = arith.index_cast %add3A_89 : i32 to index
        %get3A_92 = tpu.vector_load %arg8[%get3A_91] {strides = array<i32>} : memref<4096xf32, #tpu.memory_space<vmem>>, vector<16xf32>,
        %get3A_93 = arith.index_cast %mul3A_83 : i32 to index
        %get3A_94 = tpu.vector_load %arg7[%get3A_93] {strides = array<i32>} : memref<4096xf32, #tpu.memory_space<vmem>>, vector<16xf32>,
        %get3A_95 = arith.index_cast %add3A_89 : i32 to index
        %get3A_96 = tpu.vector_load %arg7[%get3A_95] {strides = array<i32>} : memref<4096xf32, #tpu.memory_space<vmem>>, vector<16xf32>,
        %mul3A_97 = arith.constant 16 : i32
        %mul3A_98 = arith.muli %scan3A_78, %mul3A_97 : i32
        %get3A_99 = arith.constant 0 : i32
        %get3A_100 = arith.index_cast %get3A_99 : i32 to index
        %get3A_101 = arith.index_cast %mul3A_98 : i32 to index
        %get3A_102 = tpu.vector_load %arg5[%get3A_100, %get3A_101] {strides = array<i32>} : memref<15x2048xi32, #tpu.memory_space<vmem>>, vector<16xi32>,
        %and3A_103 = arith.constant 65535 : i32
        %and3A_104 = vector.broadcast %and3A_103 : i32 to vector<16xi32>
        %and3A_105 = arith.andi %get3A_102, %and3A_104 : vector<16xi32>
        %shift_right_logical3A = arith.constant 16 : i32
        %shift_right_logical3A_106 = vector.broadcast %shift_right_logical3A : i32 to vector<16xi32>
        %shift_right_logical3A_107 = arith.shrui %get3A_102, %shift_right_logical3A_106 : vector<16xi32>
        %get3A_108 = arith.constant 0 : i32
        %get3A_109 = arith.index_cast %get3A_108 : i32 to index
        %get3A_110 = arith.index_cast %mul3A_83 : i32 to index
        %get3A_111 = tpu.vector_load %arg6[%get3A_109, %get3A_110] {strides = array<i32>} : memref<15x4096xf32, #tpu.memory_space<vmem>>, vector<16xf32>,
        %get3A_112 = arith.constant 0 : i32
        %get3A_113 = arith.index_cast %get3A_112 : i32 to index
        %get3A_114 = arith.index_cast %add3A_89 : i32 to index
        %get3A_115 = tpu.vector_load %arg6[%get3A_113, %get3A_114] {strides = array<i32>} : memref<15x4096xf32, #tpu.memory_space<vmem>>, vector<16xf32>,
        %gather3A = tpu.vector_load_idx %arg7[%and3A_105] : memref<4096xf32, #tpu.memory_space<vmem>>[vector<16xi32>], vector<16xf32>,
        %add3A_116 = arith.addf %gather3A, %get3A_111 : vector<16xf32>
        %min3A = arith.minimumf %get3A_90, %add3A_116 : vector<16xf32>
        %gather3A_117 = tpu.vector_load_idx %arg7[%shift_right_logical3A_107] : memref<4096xf32, #tpu.memory_space<vmem>>[vector<16xi32>], vector<16xf32>,
        %add3A_118 = arith.addf %gather3A_117, %get3A_115 : vector<16xf32>
        %min3A_119 = arith.minimumf %get3A_92, %add3A_118 : vector<16xf32>
        %add3A_120 = arith.addf %get3A_94, %get3A_111 : vector<16xf32>
        %add3A_121 = arith.addf %get3A_96, %get3A_115 : vector<16xf32>
        %gather3A_122 = tpu.vector_load_idx %arg8[%and3A_105] : memref<4096xf32, #tpu.memory_space<vmem>>[vector<16xi32>], vector<16xf32>,
        %lt3A_123 = arith.cmpf olt, %add3A_120, %gather3A_122 : vector<16xf32>
        %gather3A_124 = tpu.vector_load_idx %arg8[%shift_right_logical3A_107] : memref<4096xf32, #tpu.memory_space<vmem>>[vector<16xi32>], vector<16xf32>,
        %lt3A_125 = arith.cmpf olt, %add3A_121, %gather3A_124 : vector<16xf32>
        tpu.vector_store_idx %arg8[%and3A_105], %add3A_120 masked %lt3A_123 : memref<4096xf32, #tpu.memory_space<vmem>>[vector<16xi32>], vector<16xf32>, vector<16xi1>
        tpu.vector_store_idx %arg8[%shift_right_logical3A_107], %add3A_121 masked %lt3A_125 : memref<4096xf32, #tpu.memory_space<vmem>>[vector<16xi32>], vector<16xf32>, vector<16xi1>
        %gather3A_126 = tpu.vector_load_idx %arg8[%and3A_105] : memref<4096xf32, #tpu.memory_space<vmem>>[vector<16xi32>], vector<16xf32>,
        %lt3A_127 = arith.cmpf olt, %add3A_120, %gather3A_126 : vector<16xf32>
        %gather3A_128 = tpu.vector_load_idx %arg8[%shift_right_logical3A_107] : memref<4096xf32, #tpu.memory_space<vmem>>[vector<16xi32>], vector<16xf32>,
        %lt3A_129 = arith.cmpf olt, %add3A_121, %gather3A_128 : vector<16xf32>
        %or3A = arith.ori %scan3A_79, %lt3A_127 : vector<16xi1>
        %or3A_130 = arith.ori %or3A, %lt3A_129 : vector<16xi1>
        %mul3A_131 = arith.constant 16 : i32
        %mul3A_132 = arith.muli %scan3A_78, %mul3A_131 : i32
        %get3A_133 = arith.constant 1 : i32
        %get3A_134 = arith.index_cast %get3A_133 : i32 to index
        %get3A_135 = arith.index_cast %mul3A_132 : i32 to index
        %get3A_136 = tpu.vector_load %arg5[%get3A_134, %get3A_135] {strides = array<i32>} : memref<15x2048xi32, #tpu.memory_space<vmem>>, vector<16xi32>,
        %and3A_137 = arith.constant 65535 : i32
        %and3A_138 = vector.broadcast %and3A_137 : i32 to vector<16xi32>
        %and3A_139 = arith.andi %get3A_136, %and3A_138 : vector<16xi32>
        %shift_right_logical3A_140 = arith.constant 16 : i32
        %shift_right_logical3A_141 = vector.broadcast %shift_right_logical3A_140 : i32 to vector<16xi32>
        %shift_right_logical3A_142 = arith.shrui %get3A_136, %shift_right_logical3A_141 : vector<16xi32>
        %get3A_143 = arith.constant 1 : i32
        %get3A_144 = arith.index_cast %get3A_143 : i32 to index
        %get3A_145 = arith.index_cast %mul3A_83 : i32 to index
        %get3A_146 = tpu.vector_load %arg6[%get3A_144, %get3A_145] {strides = array<i32>} : memref<15x4096xf32, #tpu.memory_space<vmem>>, vector<16xf32>,
        %get3A_147 = arith.constant 1 : i32
        %get3A_148 = arith.index_cast %get3A_147 : i32 to index
        %get3A_149 = arith.index_cast %add3A_89 : i32 to index
        %get3A_150 = tpu.vector_load %arg6[%get3A_148, %get3A_149] {strides = array<i32>} : memref<15x4096xf32, #tpu.memory_space<vmem>>, vector<16xf32>,
        %gather3A_151 = tpu.vector_load_idx %arg7[%and3A_139] : memref<4096xf32, #tpu.memory_space<vmem>>[vector<16xi32>], vector<16xf32>,
        %add3A_152 = arith.addf %gather3A_151, %get3A_146 : vector<16xf32>
        %min3A_153 = arith.minimumf %min3A, %add3A_152 : vector<16xf32>
        %gather3A_154 = tpu.vector_load_idx %arg7[%shift_right_logical3A_142] : memref<4096xf32, #tpu.memory_space<vmem>>[vector<16xi32>], vector<16xf32>,
        %add3A_155 = arith.addf %gather3A_154, %get3A_150 : vector<16xf32>
        %min3A_156 = arith.minimumf %min3A_119, %add3A_155 : vector<16xf32>
        %add3A_157 = arith.addf %get3A_94, %get3A_146 : vector<16xf32>
        %add3A_158 = arith.addf %get3A_96, %get3A_150 : vector<16xf32>
        %gather3A_159 = tpu.vector_load_idx %arg8[%and3A_139] : memref<4096xf32, #tpu.memory_space<vmem>>[vector<16xi32>], vector<16xf32>,
        %lt3A_160 = arith.cmpf olt, %add3A_157, %gather3A_159 : vector<16xf32>
        %gather3A_161 = tpu.vector_load_idx %arg8[%shift_right_logical3A_142] : memref<4096xf32, #tpu.memory_space<vmem>>[vector<16xi32>], vector<16xf32>,
        %lt3A_162 = arith.cmpf olt, %add3A_158, %gather3A_161 : vector<16xf32>
        tpu.vector_store_idx %arg8[%and3A_139], %add3A_157 masked %lt3A_160 : memref<4096xf32, #tpu.memory_space<vmem>>[vector<16xi32>], vector<16xf32>, vector<16xi1>
        tpu.vector_store_idx %arg8[%shift_right_logical3A_142], %add3A_158 masked %lt3A_162 : memref<4096xf32, #tpu.memory_space<vmem>>[vector<16xi32>], vector<16xf32>, vector<16xi1>
        %gather3A_163 = tpu.vector_load_idx %arg8[%and3A_139] : memref<4096xf32, #tpu.memory_space<vmem>>[vector<16xi32>], vector<16xf32>,
        %lt3A_164 = arith.cmpf olt, %add3A_157, %gather3A_163 : vector<16xf32>
        %gather3A_165 = tpu.vector_load_idx %arg8[%shift_right_logical3A_142] : memref<4096xf32, #tpu.memory_space<vmem>>[vector<16xi32>], vector<16xf32>,
        %lt3A_166 = arith.cmpf olt, %add3A_158, %gather3A_165 : vector<16xf32>
        %or3A_167 = arith.ori %or3A_130, %lt3A_164 : vector<16xi1>
        %or3A_168 = arith.ori %or3A_167, %lt3A_166 : vector<16xi1>
        %mul3A_169 = arith.constant 16 : i32
        %mul3A_170 = arith.muli %scan3A_78, %mul3A_169 : i32
        %get3A_171 = arith.constant 2 : i32
        %get3A_172 = arith.index_cast %get3A_171 : i32 to index
        %get3A_173 = arith.index_cast %mul3A_170 : i32 to index
        %get3A_174 = tpu.vector_load %arg5[%get3A_172, %get3A_173] {strides = array<i32>} : memref<15x2048xi32, #tpu.memory_space<vmem>>, vector<16xi32>,
        %and3A_175 = arith.constant 65535 : i32
        %and3A_176 = vector.broadcast %and3A_175 : i32 to vector<16xi32>
        %and3A_177 = arith.andi %get3A_174, %and3A_176 : vector<16xi32>
        %shift_right_logical3A_178 = arith.constant 16 : i32
        %shift_right_logical3A_179 = vector.broadcast %shift_right_logical3A_178 : i32 to vector<16xi32>
        %shift_right_logical3A_180 = arith.shrui %get3A_174, %shift_right_logical3A_179 : vector<16xi32>
        %get3A_181 = arith.constant 2 : i32
        %get3A_182 = arith.index_cast %get3A_181 : i32 to index
        %get3A_183 = arith.index_cast %mul3A_83 : i32 to index
        %get3A_184 = tpu.vector_load %arg6[%get3A_182, %get3A_183] {strides = array<i32>} : memref<15x4096xf32, #tpu.memory_space<vmem>>, vector<16xf32>,
        %get3A_185 = arith.constant 2 : i32
        %get3A_186 = arith.index_cast %get3A_185 : i32 to index
        %get3A_187 = arith.index_cast %add3A_89 : i32 to index
        %get3A_188 = tpu.vector_load %arg6[%get3A_186, %get3A_187] {strides = array<i32>} : memref<15x4096xf32, #tpu.memory_space<vmem>>, vector<16xf32>,
        %gather3A_189 = tpu.vector_load_idx %arg7[%and3A_177] : memref<4096xf32, #tpu.memory_space<vmem>>[vector<16xi32>], vector<16xf32>,
        %add3A_190 = arith.addf %gather3A_189, %get3A_184 : vector<16xf32>
        %min3A_191 = arith.minimumf %min3A_153, %add3A_190 : vector<16xf32>
        %gather3A_192 = tpu.vector_load_idx %arg7[%shift_right_logical3A_180] : memref<4096xf32, #tpu.memory_space<vmem>>[vector<16xi32>], vector<16xf32>,
        %add3A_193 = arith.addf %gather3A_192, %get3A_188 : vector<16xf32>
        %min3A_194 = arith.minimumf %min3A_156, %add3A_193 : vector<16xf32>
        %add3A_195 = arith.addf %get3A_94, %get3A_184 : vector<16xf32>
        %add3A_196 = arith.addf %get3A_96, %get3A_188 : vector<16xf32>
        %gather3A_197 = tpu.vector_load_idx %arg8[%and3A_177] : memref<4096xf32, #tpu.memory_space<vmem>>[vector<16xi32>], vector<16xf32>,
        %lt3A_198 = arith.cmpf olt, %add3A_195, %gather3A_197 : vector<16xf32>
        %gather3A_199 = tpu.vector_load_idx %arg8[%shift_right_logical3A_180] : memref<4096xf32, #tpu.memory_space<vmem>>[vector<16xi32>], vector<16xf32>,
        %lt3A_200 = arith.cmpf olt, %add3A_196, %gather3A_199 : vector<16xf32>
        tpu.vector_store_idx %arg8[%and3A_177], %add3A_195 masked %lt3A_198 : memref<4096xf32, #tpu.memory_space<vmem>>[vector<16xi32>], vector<16xf32>, vector<16xi1>
        tpu.vector_store_idx %arg8[%shift_right_logical3A_180], %add3A_196 masked %lt3A_200 : memref<4096xf32, #tpu.memory_space<vmem>>[vector<16xi32>], vector<16xf32>, vector<16xi1>
        %gather3A_201 = tpu.vector_load_idx %arg8[%and3A_177] : memref<4096xf32, #tpu.memory_space<vmem>>[vector<16xi32>], vector<16xf32>,
        %lt3A_202 = arith.cmpf olt, %add3A_195, %gather3A_201 : vector<16xf32>
        %gather3A_203 = tpu.vector_load_idx %arg8[%shift_right_logical3A_180] : memref<4096xf32, #tpu.memory_space<vmem>>[vector<16xi32>], vector<16xf32>,
        %lt3A_204 = arith.cmpf olt, %add3A_196, %gather3A_203 : vector<16xf32>
        %or3A_205 = arith.ori %or3A_168, %lt3A_202 : vector<16xi1>
        %or3A_206 = arith.ori %or3A_205, %lt3A_204 : vector<16xi1>
        %mul3A_207 = arith.constant 16 : i32
        %mul3A_208 = arith.muli %scan3A_78, %mul3A_207 : i32
        %get3A_209 = arith.constant 3 : i32
        %get3A_210 = arith.index_cast %get3A_209 : i32 to index
        %get3A_211 = arith.index_cast %mul3A_208 : i32 to index
        %get3A_212 = tpu.vector_load %arg5[%get3A_210, %get3A_211] {strides = array<i32>} : memref<15x2048xi32, #tpu.memory_space<vmem>>, vector<16xi32>,
        %and3A_213 = arith.constant 65535 : i32
        %and3A_214 = vector.broadcast %and3A_213 : i32 to vector<16xi32>
        %and3A_215 = arith.andi %get3A_212, %and3A_214 : vector<16xi32>
        %shift_right_logical3A_216 = arith.constant 16 : i32
        %shift_right_logical3A_217 = vector.broadcast %shift_right_logical3A_216 : i32 to vector<16xi32>
        %shift_right_logical3A_218 = arith.shrui %get3A_212, %shift_right_logical3A_217 : vector<16xi32>
        %get3A_219 = arith.constant 3 : i32
        %get3A_220 = arith.index_cast %get3A_219 : i32 to index
        %get3A_221 = arith.index_cast %mul3A_83 : i32 to index
        %get3A_222 = tpu.vector_load %arg6[%get3A_220, %get3A_221] {strides = array<i32>} : memref<15x4096xf32, #tpu.memory_space<vmem>>, vector<16xf32>,
        %get3A_223 = arith.constant 3 : i32
        %get3A_224 = arith.index_cast %get3A_223 : i32 to index
        %get3A_225 = arith.index_cast %add3A_89 : i32 to index
        %get3A_226 = tpu.vector_load %arg6[%get3A_224, %get3A_225] {strides = array<i32>} : memref<15x4096xf32, #tpu.memory_space<vmem>>, vector<16xf32>,
        %gather3A_227 = tpu.vector_load_idx %arg7[%and3A_215] : memref<4096xf32, #tpu.memory_space<vmem>>[vector<16xi32>], vector<16xf32>,
        %add3A_228 = arith.addf %gather3A_227, %get3A_222 : vector<16xf32>
        %min3A_229 = arith.minimumf %min3A_191, %add3A_228 : vector<16xf32>
        %gather3A_230 = tpu.vector_load_idx %arg7[%shift_right_logical3A_218] : memref<4096xf32, #tpu.memory_space<vmem>>[vector<16xi32>], vector<16xf32>,
        %add3A_231 = arith.addf %gather3A_230, %get3A_226 : vector<16xf32>
        %min3A_232 = arith.minimumf %min3A_194, %add3A_231 : vector<16xf32>
        %add3A_233 = arith.addf %get3A_94, %get3A_222 : vector<16xf32>
        %add3A_234 = arith.addf %get3A_96, %get3A_226 : vector<16xf32>
        %gather3A_235 = tpu.vector_load_idx %arg8[%and3A_215] : memref<4096xf32, #tpu.memory_space<vmem>>[vector<16xi32>], vector<16xf32>,
        %lt3A_236 = arith.cmpf olt, %add3A_233, %gather3A_235 : vector<16xf32>
        %gather3A_237 = tpu.vector_load_idx %arg8[%shift_right_logical3A_218] : memref<4096xf32, #tpu.memory_space<vmem>>[vector<16xi32>], vector<16xf32>,
        %lt3A_238 = arith.cmpf olt, %add3A_234, %gather3A_237 : vector<16xf32>
        tpu.vector_store_idx %arg8[%and3A_215], %add3A_233 masked %lt3A_236 : memref<4096xf32, #tpu.memory_space<vmem>>[vector<16xi32>], vector<16xf32>, vector<16xi1>
        tpu.vector_store_idx %arg8[%shift_right_logical3A_218], %add3A_234 masked %lt3A_238 : memref<4096xf32, #tpu.memory_space<vmem>>[vector<16xi32>], vector<16xf32>, vector<16xi1>
        %gather3A_239 = tpu.vector_load_idx %arg8[%and3A_215] : memref<4096xf32, #tpu.memory_space<vmem>>[vector<16xi32>], vector<16xf32>,
        %lt3A_240 = arith.cmpf olt, %add3A_233, %gather3A_239 : vector<16xf32>
        %gather3A_241 = tpu.vector_load_idx %arg8[%shift_right_logical3A_218] : memref<4096xf32, #tpu.memory_space<vmem>>[vector<16xi32>], vector<16xf32>,
        %lt3A_242 = arith.cmpf olt, %add3A_234, %gather3A_241 : vector<16xf32>
        %or3A_243 = arith.ori %or3A_206, %lt3A_240 : vector<16xi1>
        %or3A_244 = arith.ori %or3A_243, %lt3A_242 : vector<16xi1>
        %mul3A_245 = arith.constant 16 : i32
        %mul3A_246 = arith.muli %scan3A_78, %mul3A_245 : i32
        %get3A_247 = arith.constant 4 : i32
        %get3A_248 = arith.index_cast %get3A_247 : i32 to index
        %get3A_249 = arith.index_cast %mul3A_246 : i32 to index
        %get3A_250 = tpu.vector_load %arg5[%get3A_248, %get3A_249] {strides = array<i32>} : memref<15x2048xi32, #tpu.memory_space<vmem>>, vector<16xi32>,
        %and3A_251 = arith.constant 65535 : i32
        %and3A_252 = vector.broadcast %and3A_251 : i32 to vector<16xi32>
        %and3A_253 = arith.andi %get3A_250, %and3A_252 : vector<16xi32>
        %shift_right_logical3A_254 = arith.constant 16 : i32
        %shift_right_logical3A_255 = vector.broadcast %shift_right_logical3A_254 : i32 to vector<16xi32>
        %shift_right_logical3A_256 = arith.shrui %get3A_250, %shift_right_logical3A_255 : vector<16xi32>
        %get3A_257 = arith.constant 4 : i32
        %get3A_258 = arith.index_cast %get3A_257 : i32 to index
        %get3A_259 = arith.index_cast %mul3A_83 : i32 to index
        %get3A_260 = tpu.vector_load %arg6[%get3A_258, %get3A_259] {strides = array<i32>} : memref<15x4096xf32, #tpu.memory_space<vmem>>, vector<16xf32>,
        %get3A_261 = arith.constant 4 : i32
        %get3A_262 = arith.index_cast %get3A_261 : i32 to index
        %get3A_263 = arith.index_cast %add3A_89 : i32 to index
        %get3A_264 = tpu.vector_load %arg6[%get3A_262, %get3A_263] {strides = array<i32>} : memref<15x4096xf32, #tpu.memory_space<vmem>>, vector<16xf32>,
        %gather3A_265 = tpu.vector_load_idx %arg7[%and3A_253] : memref<4096xf32, #tpu.memory_space<vmem>>[vector<16xi32>], vector<16xf32>,
        %add3A_266 = arith.addf %gather3A_265, %get3A_260 : vector<16xf32>
        %min3A_267 = arith.minimumf %min3A_229, %add3A_266 : vector<16xf32>
        %gather3A_268 = tpu.vector_load_idx %arg7[%shift_right_logical3A_256] : memref<4096xf32, #tpu.memory_space<vmem>>[vector<16xi32>], vector<16xf32>,
        %add3A_269 = arith.addf %gather3A_268, %get3A_264 : vector<16xf32>
        %min3A_270 = arith.minimumf %min3A_232, %add3A_269 : vector<16xf32>
        %add3A_271 = arith.addf %get3A_94, %get3A_260 : vector<16xf32>
        %add3A_272 = arith.addf %get3A_96, %get3A_264 : vector<16xf32>
        %gather3A_273 = tpu.vector_load_idx %arg8[%and3A_253] : memref<4096xf32, #tpu.memory_space<vmem>>[vector<16xi32>], vector<16xf32>,
        %lt3A_274 = arith.cmpf olt, %add3A_271, %gather3A_273 : vector<16xf32>
        %gather3A_275 = tpu.vector_load_idx %arg8[%shift_right_logical3A_256] : memref<4096xf32, #tpu.memory_space<vmem>>[vector<16xi32>], vector<16xf32>,
        %lt3A_276 = arith.cmpf olt, %add3A_272, %gather3A_275 : vector<16xf32>
        tpu.vector_store_idx %arg8[%and3A_253], %add3A_271 masked %lt3A_274 : memref<4096xf32, #tpu.memory_space<vmem>>[vector<16xi32>], vector<16xf32>, vector<16xi1>
        tpu.vector_store_idx %arg8[%shift_right_logical3A_256], %add3A_272 masked %lt3A_276 : memref<4096xf32, #tpu.memory_space<vmem>>[vector<16xi32>], vector<16xf32>, vector<16xi1>
        %gather3A_277 = tpu.vector_load_idx %arg8[%and3A_253] : memref<4096xf32, #tpu.memory_space<vmem>>[vector<16xi32>], vector<16xf32>,
        %lt3A_278 = arith.cmpf olt, %add3A_271, %gather3A_277 : vector<16xf32>
        %gather3A_279 = tpu.vector_load_idx %arg8[%shift_right_logical3A_256] : memref<4096xf32, #tpu.memory_space<vmem>>[vector<16xi32>], vector<16xf32>,
        %lt3A_280 = arith.cmpf olt, %add3A_272, %gather3A_279 : vector<16xf32>
        %or3A_281 = arith.ori %or3A_244, %lt3A_278 : vector<16xi1>
        %or3A_282 = arith.ori %or3A_281, %lt3A_280 : vector<16xi1>
        %mul3A_283 = arith.constant 16 : i32
        %mul3A_284 = arith.muli %scan3A_78, %mul3A_283 : i32
        %get3A_285 = arith.constant 5 : i32
        %get3A_286 = arith.index_cast %get3A_285 : i32 to index
        %get3A_287 = arith.index_cast %mul3A_284 : i32 to index
        %get3A_288 = tpu.vector_load %arg5[%get3A_286, %get3A_287] {strides = array<i32>} : memref<15x2048xi32, #tpu.memory_space<vmem>>, vector<16xi32>,
        %and3A_289 = arith.constant 65535 : i32
        %and3A_290 = vector.broadcast %and3A_289 : i32 to vector<16xi32>
        %and3A_291 = arith.andi %get3A_288, %and3A_290 : vector<16xi32>
        %shift_right_logical3A_292 = arith.constant 16 : i32
        %shift_right_logical3A_293 = vector.broadcast %shift_right_logical3A_292 : i32 to vector<16xi32>
        %shift_right_logical3A_294 = arith.shrui %get3A_288, %shift_right_logical3A_293 : vector<16xi32>
        %get3A_295 = arith.constant 5 : i32
        %get3A_296 = arith.index_cast %get3A_295 : i32 to index
        %get3A_297 = arith.index_cast %mul3A_83 : i32 to index
        %get3A_298 = tpu.vector_load %arg6[%get3A_296, %get3A_297] {strides = array<i32>} : memref<15x4096xf32, #tpu.memory_space<vmem>>, vector<16xf32>,
        %get3A_299 = arith.constant 5 : i32
        %get3A_300 = arith.index_cast %get3A_299 : i32 to index
        %get3A_301 = arith.index_cast %add3A_89 : i32 to index
        %get3A_302 = tpu.vector_load %arg6[%get3A_300, %get3A_301] {strides = array<i32>} : memref<15x4096xf32, #tpu.memory_space<vmem>>, vector<16xf32>,
        %gather3A_303 = tpu.vector_load_idx %arg7[%and3A_291] : memref<4096xf32, #tpu.memory_space<vmem>>[vector<16xi32>], vector<16xf32>,
        %add3A_304 = arith.addf %gather3A_303, %get3A_298 : vector<16xf32>
        %min3A_305 = arith.minimumf %min3A_267, %add3A_304 : vector<16xf32>
        %gather3A_306 = tpu.vector_load_idx %arg7[%shift_right_logical3A_294] : memref<4096xf32, #tpu.memory_space<vmem>>[vector<16xi32>], vector<16xf32>,
        %add3A_307 = arith.addf %gather3A_306, %get3A_302 : vector<16xf32>
        %min3A_308 = arith.minimumf %min3A_270, %add3A_307 : vector<16xf32>
        %add3A_309 = arith.addf %get3A_94, %get3A_298 : vector<16xf32>
        %add3A_310 = arith.addf %get3A_96, %get3A_302 : vector<16xf32>
        %gather3A_311 = tpu.vector_load_idx %arg8[%and3A_291] : memref<4096xf32, #tpu.memory_space<vmem>>[vector<16xi32>], vector<16xf32>,
        %lt3A_312 = arith.cmpf olt, %add3A_309, %gather3A_311 : vector<16xf32>
        %gather3A_313 = tpu.vector_load_idx %arg8[%shift_right_logical3A_294] : memref<4096xf32, #tpu.memory_space<vmem>>[vector<16xi32>], vector<16xf32>,
        %lt3A_314 = arith.cmpf olt, %add3A_310, %gather3A_313 : vector<16xf32>
        tpu.vector_store_idx %arg8[%and3A_291], %add3A_309 masked %lt3A_312 : memref<4096xf32, #tpu.memory_space<vmem>>[vector<16xi32>], vector<16xf32>, vector<16xi1>
        tpu.vector_store_idx %arg8[%shift_right_logical3A_294], %add3A_310 masked %lt3A_314 : memref<4096xf32, #tpu.memory_space<vmem>>[vector<16xi32>], vector<16xf32>, vector<16xi1>
        %gather3A_315 = tpu.vector_load_idx %arg8[%and3A_291] : memref<4096xf32, #tpu.memory_space<vmem>>[vector<16xi32>], vector<16xf32>,
        %lt3A_316 = arith.cmpf olt, %add3A_309, %gather3A_315 : vector<16xf32>
        %gather3A_317 = tpu.vector_load_idx %arg8[%shift_right_logical3A_294] : memref<4096xf32, #tpu.memory_space<vmem>>[vector<16xi32>], vector<16xf32>,
        %lt3A_318 = arith.cmpf olt, %add3A_310, %gather3A_317 : vector<16xf32>
        %or3A_319 = arith.ori %or3A_282, %lt3A_316 : vector<16xi1>
        %or3A_320 = arith.ori %or3A_319, %lt3A_318 : vector<16xi1>
        %mul3A_321 = arith.constant 16 : i32
        %mul3A_322 = arith.muli %scan3A_78, %mul3A_321 : i32
        %get3A_323 = arith.constant 6 : i32
        %get3A_324 = arith.index_cast %get3A_323 : i32 to index
        %get3A_325 = arith.index_cast %mul3A_322 : i32 to index
        %get3A_326 = tpu.vector_load %arg5[%get3A_324, %get3A_325] {strides = array<i32>} : memref<15x2048xi32, #tpu.memory_space<vmem>>, vector<16xi32>,
        %and3A_327 = arith.constant 65535 : i32
        %and3A_328 = vector.broadcast %and3A_327 : i32 to vector<16xi32>
        %and3A_329 = arith.andi %get3A_326, %and3A_328 : vector<16xi32>
        %shift_right_logical3A_330 = arith.constant 16 : i32
        %shift_right_logical3A_331 = vector.broadcast %shift_right_logical3A_330 : i32 to vector<16xi32>
        %shift_right_logical3A_332 = arith.shrui %get3A_326, %shift_right_logical3A_331 : vector<16xi32>
        %get3A_333 = arith.constant 6 : i32
        %get3A_334 = arith.index_cast %get3A_333 : i32 to index
        %get3A_335 = arith.index_cast %mul3A_83 : i32 to index
        %get3A_336 = tpu.vector_load %arg6[%get3A_334, %get3A_335] {strides = array<i32>} : memref<15x4096xf32, #tpu.memory_space<vmem>>, vector<16xf32>,
        %get3A_337 = arith.constant 6 : i32
        %get3A_338 = arith.index_cast %get3A_337 : i32 to index
        %get3A_339 = arith.index_cast %add3A_89 : i32 to index
        %get3A_340 = tpu.vector_load %arg6[%get3A_338, %get3A_339] {strides = array<i32>} : memref<15x4096xf32, #tpu.memory_space<vmem>>, vector<16xf32>,
        %gather3A_341 = tpu.vector_load_idx %arg7[%and3A_329] : memref<4096xf32, #tpu.memory_space<vmem>>[vector<16xi32>], vector<16xf32>,
        %add3A_342 = arith.addf %gather3A_341, %get3A_336 : vector<16xf32>
        %min3A_343 = arith.minimumf %min3A_305, %add3A_342 : vector<16xf32>
        %gather3A_344 = tpu.vector_load_idx %arg7[%shift_right_logical3A_332] : memref<4096xf32, #tpu.memory_space<vmem>>[vector<16xi32>], vector<16xf32>,
        %add3A_345 = arith.addf %gather3A_344, %get3A_340 : vector<16xf32>
        %min3A_346 = arith.minimumf %min3A_308, %add3A_345 : vector<16xf32>
        %add3A_347 = arith.addf %get3A_94, %get3A_336 : vector<16xf32>
        %add3A_348 = arith.addf %get3A_96, %get3A_340 : vector<16xf32>
        %gather3A_349 = tpu.vector_load_idx %arg8[%and3A_329] : memref<4096xf32, #tpu.memory_space<vmem>>[vector<16xi32>], vector<16xf32>,
        %lt3A_350 = arith.cmpf olt, %add3A_347, %gather3A_349 : vector<16xf32>
        %gather3A_351 = tpu.vector_load_idx %arg8[%shift_right_logical3A_332] : memref<4096xf32, #tpu.memory_space<vmem>>[vector<16xi32>], vector<16xf32>,
        %lt3A_352 = arith.cmpf olt, %add3A_348, %gather3A_351 : vector<16xf32>
        tpu.vector_store_idx %arg8[%and3A_329], %add3A_347 masked %lt3A_350 : memref<4096xf32, #tpu.memory_space<vmem>>[vector<16xi32>], vector<16xf32>, vector<16xi1>
        tpu.vector_store_idx %arg8[%shift_right_logical3A_332], %add3A_348 masked %lt3A_352 : memref<4096xf32, #tpu.memory_space<vmem>>[vector<16xi32>], vector<16xf32>, vector<16xi1>
        %gather3A_353 = tpu.vector_load_idx %arg8[%and3A_329] : memref<4096xf32, #tpu.memory_space<vmem>>[vector<16xi32>], vector<16xf32>,
        %lt3A_354 = arith.cmpf olt, %add3A_347, %gather3A_353 : vector<16xf32>
        %gather3A_355 = tpu.vector_load_idx %arg8[%shift_right_logical3A_332] : memref<4096xf32, #tpu.memory_space<vmem>>[vector<16xi32>], vector<16xf32>,
        %lt3A_356 = arith.cmpf olt, %add3A_348, %gather3A_355 : vector<16xf32>
        %or3A_357 = arith.ori %or3A_320, %lt3A_354 : vector<16xi1>
        %or3A_358 = arith.ori %or3A_357, %lt3A_356 : vector<16xi1>
        %mul3A_359 = arith.constant 16 : i32
        %mul3A_360 = arith.muli %scan3A_78, %mul3A_359 : i32
        %get3A_361 = arith.constant 7 : i32
        %get3A_362 = arith.index_cast %get3A_361 : i32 to index
        %get3A_363 = arith.index_cast %mul3A_360 : i32 to index
        %get3A_364 = tpu.vector_load %arg5[%get3A_362, %get3A_363] {strides = array<i32>} : memref<15x2048xi32, #tpu.memory_space<vmem>>, vector<16xi32>,
        %and3A_365 = arith.constant 65535 : i32
        %and3A_366 = vector.broadcast %and3A_365 : i32 to vector<16xi32>
        %and3A_367 = arith.andi %get3A_364, %and3A_366 : vector<16xi32>
        %shift_right_logical3A_368 = arith.constant 16 : i32
        %shift_right_logical3A_369 = vector.broadcast %shift_right_logical3A_368 : i32 to vector<16xi32>
        %shift_right_logical3A_370 = arith.shrui %get3A_364, %shift_right_logical3A_369 : vector<16xi32>
        %get3A_371 = arith.constant 7 : i32
        %get3A_372 = arith.index_cast %get3A_371 : i32 to index
        %get3A_373 = arith.index_cast %mul3A_83 : i32 to index
        %get3A_374 = tpu.vector_load %arg6[%get3A_372, %get3A_373] {strides = array<i32>} : memref<15x4096xf32, #tpu.memory_space<vmem>>, vector<16xf32>,
        %get3A_375 = arith.constant 7 : i32
        %get3A_376 = arith.index_cast %get3A_375 : i32 to index
        %get3A_377 = arith.index_cast %add3A_89 : i32 to index
        %get3A_378 = tpu.vector_load %arg6[%get3A_376, %get3A_377] {strides = array<i32>} : memref<15x4096xf32, #tpu.memory_space<vmem>>, vector<16xf32>,
        %gather3A_379 = tpu.vector_load_idx %arg7[%and3A_367] : memref<4096xf32, #tpu.memory_space<vmem>>[vector<16xi32>], vector<16xf32>,
        %add3A_380 = arith.addf %gather3A_379, %get3A_374 : vector<16xf32>
        %min3A_381 = arith.minimumf %min3A_343, %add3A_380 : vector<16xf32>
        %gather3A_382 = tpu.vector_load_idx %arg7[%shift_right_logical3A_370] : memref<4096xf32, #tpu.memory_space<vmem>>[vector<16xi32>], vector<16xf32>,
        %add3A_383 = arith.addf %gather3A_382, %get3A_378 : vector<16xf32>
        %min3A_384 = arith.minimumf %min3A_346, %add3A_383 : vector<16xf32>
        %add3A_385 = arith.addf %get3A_94, %get3A_374 : vector<16xf32>
        %add3A_386 = arith.addf %get3A_96, %get3A_378 : vector<16xf32>
        %gather3A_387 = tpu.vector_load_idx %arg8[%and3A_367] : memref<4096xf32, #tpu.memory_space<vmem>>[vector<16xi32>], vector<16xf32>,
        %lt3A_388 = arith.cmpf olt, %add3A_385, %gather3A_387 : vector<16xf32>
        %gather3A_389 = tpu.vector_load_idx %arg8[%shift_right_logical3A_370] : memref<4096xf32, #tpu.memory_space<vmem>>[vector<16xi32>], vector<16xf32>,
        %lt3A_390 = arith.cmpf olt, %add3A_386, %gather3A_389 : vector<16xf32>
        tpu.vector_store_idx %arg8[%and3A_367], %add3A_385 masked %lt3A_388 : memref<4096xf32, #tpu.memory_space<vmem>>[vector<16xi32>], vector<16xf32>, vector<16xi1>
        tpu.vector_store_idx %arg8[%shift_right_logical3A_370], %add3A_386 masked %lt3A_390 : memref<4096xf32, #tpu.memory_space<vmem>>[vector<16xi32>], vector<16xf32>, vector<16xi1>
        %gather3A_391 = tpu.vector_load_idx %arg8[%and3A_367] : memref<4096xf32, #tpu.memory_space<vmem>>[vector<16xi32>], vector<16xf32>,
        %lt3A_392 = arith.cmpf olt, %add3A_385, %gather3A_391 : vector<16xf32>
        %gather3A_393 = tpu.vector_load_idx %arg8[%shift_right_logical3A_370] : memref<4096xf32, #tpu.memory_space<vmem>>[vector<16xi32>], vector<16xf32>,
        %lt3A_394 = arith.cmpf olt, %add3A_386, %gather3A_393 : vector<16xf32>
        %or3A_395 = arith.ori %or3A_358, %lt3A_392 : vector<16xi1>
        %or3A_396 = arith.ori %or3A_395, %lt3A_394 : vector<16xi1>
        %mul3A_397 = arith.constant 16 : i32
        %mul3A_398 = arith.muli %scan3A_78, %mul3A_397 : i32
        %get3A_399 = arith.constant 8 : i32
        %get3A_400 = arith.index_cast %get3A_399 : i32 to index
        %get3A_401 = arith.index_cast %mul3A_398 : i32 to index
        %get3A_402 = tpu.vector_load %arg5[%get3A_400, %get3A_401] {strides = array<i32>} : memref<15x2048xi32, #tpu.memory_space<vmem>>, vector<16xi32>,
        %and3A_403 = arith.constant 65535 : i32
        %and3A_404 = vector.broadcast %and3A_403 : i32 to vector<16xi32>
        %and3A_405 = arith.andi %get3A_402, %and3A_404 : vector<16xi32>
        %shift_right_logical3A_406 = arith.constant 16 : i32
        %shift_right_logical3A_407 = vector.broadcast %shift_right_logical3A_406 : i32 to vector<16xi32>
        %shift_right_logical3A_408 = arith.shrui %get3A_402, %shift_right_logical3A_407 : vector<16xi32>
        %get3A_409 = arith.constant 8 : i32
        %get3A_410 = arith.index_cast %get3A_409 : i32 to index
        %get3A_411 = arith.index_cast %mul3A_83 : i32 to index
        %get3A_412 = tpu.vector_load %arg6[%get3A_410, %get3A_411] {strides = array<i32>} : memref<15x4096xf32, #tpu.memory_space<vmem>>, vector<16xf32>,
        %get3A_413 = arith.constant 8 : i32
        %get3A_414 = arith.index_cast %get3A_413 : i32 to index
        %get3A_415 = arith.index_cast %add3A_89 : i32 to index
        %get3A_416 = tpu.vector_load %arg6[%get3A_414, %get3A_415] {strides = array<i32>} : memref<15x4096xf32, #tpu.memory_space<vmem>>, vector<16xf32>,
        %gather3A_417 = tpu.vector_load_idx %arg7[%and3A_405] : memref<4096xf32, #tpu.memory_space<vmem>>[vector<16xi32>], vector<16xf32>,
        %add3A_418 = arith.addf %gather3A_417, %get3A_412 : vector<16xf32>
        %min3A_419 = arith.minimumf %min3A_381, %add3A_418 : vector<16xf32>
        %gather3A_420 = tpu.vector_load_idx %arg7[%shift_right_logical3A_408] : memref<4096xf32, #tpu.memory_space<vmem>>[vector<16xi32>], vector<16xf32>,
        %add3A_421 = arith.addf %gather3A_420, %get3A_416 : vector<16xf32>
        %min3A_422 = arith.minimumf %min3A_384, %add3A_421 : vector<16xf32>
        %add3A_423 = arith.addf %get3A_94, %get3A_412 : vector<16xf32>
        %add3A_424 = arith.addf %get3A_96, %get3A_416 : vector<16xf32>
        %gather3A_425 = tpu.vector_load_idx %arg8[%and3A_405] : memref<4096xf32, #tpu.memory_space<vmem>>[vector<16xi32>], vector<16xf32>,
        %lt3A_426 = arith.cmpf olt, %add3A_423, %gather3A_425 : vector<16xf32>
        %gather3A_427 = tpu.vector_load_idx %arg8[%shift_right_logical3A_408] : memref<4096xf32, #tpu.memory_space<vmem>>[vector<16xi32>], vector<16xf32>,
        %lt3A_428 = arith.cmpf olt, %add3A_424, %gather3A_427 : vector<16xf32>
        tpu.vector_store_idx %arg8[%and3A_405], %add3A_423 masked %lt3A_426 : memref<4096xf32, #tpu.memory_space<vmem>>[vector<16xi32>], vector<16xf32>, vector<16xi1>
        tpu.vector_store_idx %arg8[%shift_right_logical3A_408], %add3A_424 masked %lt3A_428 : memref<4096xf32, #tpu.memory_space<vmem>>[vector<16xi32>], vector<16xf32>, vector<16xi1>
        %gather3A_429 = tpu.vector_load_idx %arg8[%and3A_405] : memref<4096xf32, #tpu.memory_space<vmem>>[vector<16xi32>], vector<16xf32>,
        %lt3A_430 = arith.cmpf olt, %add3A_423, %gather3A_429 : vector<16xf32>
        %gather3A_431 = tpu.vector_load_idx %arg8[%shift_right_logical3A_408] : memref<4096xf32, #tpu.memory_space<vmem>>[vector<16xi32>], vector<16xf32>,
        %lt3A_432 = arith.cmpf olt, %add3A_424, %gather3A_431 : vector<16xf32>
        %or3A_433 = arith.ori %or3A_396, %lt3A_430 : vector<16xi1>
        %or3A_434 = arith.ori %or3A_433, %lt3A_432 : vector<16xi1>
        %mul3A_435 = arith.constant 16 : i32
        %mul3A_436 = arith.muli %scan3A_78, %mul3A_435 : i32
        %get3A_437 = arith.constant 9 : i32
        %get3A_438 = arith.index_cast %get3A_437 : i32 to index
        %get3A_439 = arith.index_cast %mul3A_436 : i32 to index
        %get3A_440 = tpu.vector_load %arg5[%get3A_438, %get3A_439] {strides = array<i32>} : memref<15x2048xi32, #tpu.memory_space<vmem>>, vector<16xi32>,
        %and3A_441 = arith.constant 65535 : i32
        %and3A_442 = vector.broadcast %and3A_441 : i32 to vector<16xi32>
        %and3A_443 = arith.andi %get3A_440, %and3A_442 : vector<16xi32>
        %shift_right_logical3A_444 = arith.constant 16 : i32
        %shift_right_logical3A_445 = vector.broadcast %shift_right_logical3A_444 : i32 to vector<16xi32>
        %shift_right_logical3A_446 = arith.shrui %get3A_440, %shift_right_logical3A_445 : vector<16xi32>
        %get3A_447 = arith.constant 9 : i32
        %get3A_448 = arith.index_cast %get3A_447 : i32 to index
        %get3A_449 = arith.index_cast %mul3A_83 : i32 to index
        %get3A_450 = tpu.vector_load %arg6[%get3A_448, %get3A_449] {strides = array<i32>} : memref<15x4096xf32, #tpu.memory_space<vmem>>, vector<16xf32>,
        %get3A_451 = arith.constant 9 : i32
        %get3A_452 = arith.index_cast %get3A_451 : i32 to index
        %get3A_453 = arith.index_cast %add3A_89 : i32 to index
        %get3A_454 = tpu.vector_load %arg6[%get3A_452, %get3A_453] {strides = array<i32>} : memref<15x4096xf32, #tpu.memory_space<vmem>>, vector<16xf32>,
        %gather3A_455 = tpu.vector_load_idx %arg7[%and3A_443] : memref<4096xf32, #tpu.memory_space<vmem>>[vector<16xi32>], vector<16xf32>,
        %add3A_456 = arith.addf %gather3A_455, %get3A_450 : vector<16xf32>
        %min3A_457 = arith.minimumf %min3A_419, %add3A_456 : vector<16xf32>
        %gather3A_458 = tpu.vector_load_idx %arg7[%shift_right_logical3A_446] : memref<4096xf32, #tpu.memory_space<vmem>>[vector<16xi32>], vector<16xf32>,
        %add3A_459 = arith.addf %gather3A_458, %get3A_454 : vector<16xf32>
        %min3A_460 = arith.minimumf %min3A_422, %add3A_459 : vector<16xf32>
        %add3A_461 = arith.addf %get3A_94, %get3A_450 : vector<16xf32>
        %add3A_462 = arith.addf %get3A_96, %get3A_454 : vector<16xf32>
        %gather3A_463 = tpu.vector_load_idx %arg8[%and3A_443] : memref<4096xf32, #tpu.memory_space<vmem>>[vector<16xi32>], vector<16xf32>,
        %lt3A_464 = arith.cmpf olt, %add3A_461, %gather3A_463 : vector<16xf32>
        %gather3A_465 = tpu.vector_load_idx %arg8[%shift_right_logical3A_446] : memref<4096xf32, #tpu.memory_space<vmem>>[vector<16xi32>], vector<16xf32>,
        %lt3A_466 = arith.cmpf olt, %add3A_462, %gather3A_465 : vector<16xf32>
        tpu.vector_store_idx %arg8[%and3A_443], %add3A_461 masked %lt3A_464 : memref<4096xf32, #tpu.memory_space<vmem>>[vector<16xi32>], vector<16xf32>, vector<16xi1>
        tpu.vector_store_idx %arg8[%shift_right_logical3A_446], %add3A_462 masked %lt3A_466 : memref<4096xf32, #tpu.memory_space<vmem>>[vector<16xi32>], vector<16xf32>, vector<16xi1>
        %gather3A_467 = tpu.vector_load_idx %arg8[%and3A_443] : memref<4096xf32, #tpu.memory_space<vmem>>[vector<16xi32>], vector<16xf32>,
        %lt3A_468 = arith.cmpf olt, %add3A_461, %gather3A_467 : vector<16xf32>
        %gather3A_469 = tpu.vector_load_idx %arg8[%shift_right_logical3A_446] : memref<4096xf32, #tpu.memory_space<vmem>>[vector<16xi32>], vector<16xf32>,
        %lt3A_470 = arith.cmpf olt, %add3A_462, %gather3A_469 : vector<16xf32>
        %or3A_471 = arith.ori %or3A_434, %lt3A_468 : vector<16xi1>
        %or3A_472 = arith.ori %or3A_471, %lt3A_470 : vector<16xi1>
        %mul3A_473 = arith.constant 16 : i32
        %mul3A_474 = arith.muli %scan3A_78, %mul3A_473 : i32
        %get3A_475 = arith.constant 10 : i32
        %get3A_476 = arith.index_cast %get3A_475 : i32 to index
        %get3A_477 = arith.index_cast %mul3A_474 : i32 to index
        %get3A_478 = tpu.vector_load %arg5[%get3A_476, %get3A_477] {strides = array<i32>} : memref<15x2048xi32, #tpu.memory_space<vmem>>, vector<16xi32>,
        %and3A_479 = arith.constant 65535 : i32
        %and3A_480 = vector.broadcast %and3A_479 : i32 to vector<16xi32>
        %and3A_481 = arith.andi %get3A_478, %and3A_480 : vector<16xi32>
        %shift_right_logical3A_482 = arith.constant 16 : i32
        %shift_right_logical3A_483 = vector.broadcast %shift_right_logical3A_482 : i32 to vector<16xi32>
        %shift_right_logical3A_484 = arith.shrui %get3A_478, %shift_right_logical3A_483 : vector<16xi32>
        %get3A_485 = arith.constant 10 : i32
        %get3A_486 = arith.index_cast %get3A_485 : i32 to index
        %get3A_487 = arith.index_cast %mul3A_83 : i32 to index
        %get3A_488 = tpu.vector_load %arg6[%get3A_486, %get3A_487] {strides = array<i32>} : memref<15x4096xf32, #tpu.memory_space<vmem>>, vector<16xf32>,
        %get3A_489 = arith.constant 10 : i32
        %get3A_490 = arith.index_cast %get3A_489 : i32 to index
        %get3A_491 = arith.index_cast %add3A_89 : i32 to index
        %get3A_492 = tpu.vector_load %arg6[%get3A_490, %get3A_491] {strides = array<i32>} : memref<15x4096xf32, #tpu.memory_space<vmem>>, vector<16xf32>,
        %gather3A_493 = tpu.vector_load_idx %arg7[%and3A_481] : memref<4096xf32, #tpu.memory_space<vmem>>[vector<16xi32>], vector<16xf32>,
        %add3A_494 = arith.addf %gather3A_493, %get3A_488 : vector<16xf32>
        %min3A_495 = arith.minimumf %min3A_457, %add3A_494 : vector<16xf32>
        %gather3A_496 = tpu.vector_load_idx %arg7[%shift_right_logical3A_484] : memref<4096xf32, #tpu.memory_space<vmem>>[vector<16xi32>], vector<16xf32>,
        %add3A_497 = arith.addf %gather3A_496, %get3A_492 : vector<16xf32>
        %min3A_498 = arith.minimumf %min3A_460, %add3A_497 : vector<16xf32>
        %add3A_499 = arith.addf %get3A_94, %get3A_488 : vector<16xf32>
        %add3A_500 = arith.addf %get3A_96, %get3A_492 : vector<16xf32>
        %gather3A_501 = tpu.vector_load_idx %arg8[%and3A_481] : memref<4096xf32, #tpu.memory_space<vmem>>[vector<16xi32>], vector<16xf32>,
        %lt3A_502 = arith.cmpf olt, %add3A_499, %gather3A_501 : vector<16xf32>
        %gather3A_503 = tpu.vector_load_idx %arg8[%shift_right_logical3A_484] : memref<4096xf32, #tpu.memory_space<vmem>>[vector<16xi32>], vector<16xf32>,
        %lt3A_504 = arith.cmpf olt, %add3A_500, %gather3A_503 : vector<16xf32>
        tpu.vector_store_idx %arg8[%and3A_481], %add3A_499 masked %lt3A_502 : memref<4096xf32, #tpu.memory_space<vmem>>[vector<16xi32>], vector<16xf32>, vector<16xi1>
        tpu.vector_store_idx %arg8[%shift_right_logical3A_484], %add3A_500 masked %lt3A_504 : memref<4096xf32, #tpu.memory_space<vmem>>[vector<16xi32>], vector<16xf32>, vector<16xi1>
        %gather3A_505 = tpu.vector_load_idx %arg8[%and3A_481] : memref<4096xf32, #tpu.memory_space<vmem>>[vector<16xi32>], vector<16xf32>,
        %lt3A_506 = arith.cmpf olt, %add3A_499, %gather3A_505 : vector<16xf32>
        %gather3A_507 = tpu.vector_load_idx %arg8[%shift_right_logical3A_484] : memref<4096xf32, #tpu.memory_space<vmem>>[vector<16xi32>], vector<16xf32>,
        %lt3A_508 = arith.cmpf olt, %add3A_500, %gather3A_507 : vector<16xf32>
        %or3A_509 = arith.ori %or3A_472, %lt3A_506 : vector<16xi1>
        %or3A_510 = arith.ori %or3A_509, %lt3A_508 : vector<16xi1>
        %mul3A_511 = arith.constant 16 : i32
        %mul3A_512 = arith.muli %scan3A_78, %mul3A_511 : i32
        %get3A_513 = arith.constant 11 : i32
        %get3A_514 = arith.index_cast %get3A_513 : i32 to index
        %get3A_515 = arith.index_cast %mul3A_512 : i32 to index
        %get3A_516 = tpu.vector_load %arg5[%get3A_514, %get3A_515] {strides = array<i32>} : memref<15x2048xi32, #tpu.memory_space<vmem>>, vector<16xi32>,
        %and3A_517 = arith.constant 65535 : i32
        %and3A_518 = vector.broadcast %and3A_517 : i32 to vector<16xi32>
        %and3A_519 = arith.andi %get3A_516, %and3A_518 : vector<16xi32>
        %shift_right_logical3A_520 = arith.constant 16 : i32
        %shift_right_logical3A_521 = vector.broadcast %shift_right_logical3A_520 : i32 to vector<16xi32>
        %shift_right_logical3A_522 = arith.shrui %get3A_516, %shift_right_logical3A_521 : vector<16xi32>
        %get3A_523 = arith.constant 11 : i32
        %get3A_524 = arith.index_cast %get3A_523 : i32 to index
        %get3A_525 = arith.index_cast %mul3A_83 : i32 to index
        %get3A_526 = tpu.vector_load %arg6[%get3A_524, %get3A_525] {strides = array<i32>} : memref<15x4096xf32, #tpu.memory_space<vmem>>, vector<16xf32>,
        %get3A_527 = arith.constant 11 : i32
        %get3A_528 = arith.index_cast %get3A_527 : i32 to index
        %get3A_529 = arith.index_cast %add3A_89 : i32 to index
        %get3A_530 = tpu.vector_load %arg6[%get3A_528, %get3A_529] {strides = array<i32>} : memref<15x4096xf32, #tpu.memory_space<vmem>>, vector<16xf32>,
        %gather3A_531 = tpu.vector_load_idx %arg7[%and3A_519] : memref<4096xf32, #tpu.memory_space<vmem>>[vector<16xi32>], vector<16xf32>,
        %add3A_532 = arith.addf %gather3A_531, %get3A_526 : vector<16xf32>
        %min3A_533 = arith.minimumf %min3A_495, %add3A_532 : vector<16xf32>
        %gather3A_534 = tpu.vector_load_idx %arg7[%shift_right_logical3A_522] : memref<4096xf32, #tpu.memory_space<vmem>>[vector<16xi32>], vector<16xf32>,
        %add3A_535 = arith.addf %gather3A_534, %get3A_530 : vector<16xf32>
        %min3A_536 = arith.minimumf %min3A_498, %add3A_535 : vector<16xf32>
        %add3A_537 = arith.addf %get3A_94, %get3A_526 : vector<16xf32>
        %add3A_538 = arith.addf %get3A_96, %get3A_530 : vector<16xf32>
        %gather3A_539 = tpu.vector_load_idx %arg8[%and3A_519] : memref<4096xf32, #tpu.memory_space<vmem>>[vector<16xi32>], vector<16xf32>,
        %lt3A_540 = arith.cmpf olt, %add3A_537, %gather3A_539 : vector<16xf32>
        %gather3A_541 = tpu.vector_load_idx %arg8[%shift_right_logical3A_522] : memref<4096xf32, #tpu.memory_space<vmem>>[vector<16xi32>], vector<16xf32>,
        %lt3A_542 = arith.cmpf olt, %add3A_538, %gather3A_541 : vector<16xf32>
        tpu.vector_store_idx %arg8[%and3A_519], %add3A_537 masked %lt3A_540 : memref<4096xf32, #tpu.memory_space<vmem>>[vector<16xi32>], vector<16xf32>, vector<16xi1>
        tpu.vector_store_idx %arg8[%shift_right_logical3A_522], %add3A_538 masked %lt3A_542 : memref<4096xf32, #tpu.memory_space<vmem>>[vector<16xi32>], vector<16xf32>, vector<16xi1>
        %gather3A_543 = tpu.vector_load_idx %arg8[%and3A_519] : memref<4096xf32, #tpu.memory_space<vmem>>[vector<16xi32>], vector<16xf32>,
        %lt3A_544 = arith.cmpf olt, %add3A_537, %gather3A_543 : vector<16xf32>
        %gather3A_545 = tpu.vector_load_idx %arg8[%shift_right_logical3A_522] : memref<4096xf32, #tpu.memory_space<vmem>>[vector<16xi32>], vector<16xf32>,
        %lt3A_546 = arith.cmpf olt, %add3A_538, %gather3A_545 : vector<16xf32>
        %or3A_547 = arith.ori %or3A_510, %lt3A_544 : vector<16xi1>
        %or3A_548 = arith.ori %or3A_547, %lt3A_546 : vector<16xi1>
        %mul3A_549 = arith.constant 16 : i32
        %mul3A_550 = arith.muli %scan3A_78, %mul3A_549 : i32
        %get3A_551 = arith.constant 12 : i32
        %get3A_552 = arith.index_cast %get3A_551 : i32 to index
        %get3A_553 = arith.index_cast %mul3A_550 : i32 to index
        %get3A_554 = tpu.vector_load %arg5[%get3A_552, %get3A_553] {strides = array<i32>} : memref<15x2048xi32, #tpu.memory_space<vmem>>, vector<16xi32>,
        %and3A_555 = arith.constant 65535 : i32
        %and3A_556 = vector.broadcast %and3A_555 : i32 to vector<16xi32>
        %and3A_557 = arith.andi %get3A_554, %and3A_556 : vector<16xi32>
        %shift_right_logical3A_558 = arith.constant 16 : i32
        %shift_right_logical3A_559 = vector.broadcast %shift_right_logical3A_558 : i32 to vector<16xi32>
        %shift_right_logical3A_560 = arith.shrui %get3A_554, %shift_right_logical3A_559 : vector<16xi32>
        %get3A_561 = arith.constant 12 : i32
        %get3A_562 = arith.index_cast %get3A_561 : i32 to index
        %get3A_563 = arith.index_cast %mul3A_83 : i32 to index
        %get3A_564 = tpu.vector_load %arg6[%get3A_562, %get3A_563] {strides = array<i32>} : memref<15x4096xf32, #tpu.memory_space<vmem>>, vector<16xf32>,
        %get3A_565 = arith.constant 12 : i32
        %get3A_566 = arith.index_cast %get3A_565 : i32 to index
        %get3A_567 = arith.index_cast %add3A_89 : i32 to index
        %get3A_568 = tpu.vector_load %arg6[%get3A_566, %get3A_567] {strides = array<i32>} : memref<15x4096xf32, #tpu.memory_space<vmem>>, vector<16xf32>,
        %gather3A_569 = tpu.vector_load_idx %arg7[%and3A_557] : memref<4096xf32, #tpu.memory_space<vmem>>[vector<16xi32>], vector<16xf32>,
        %add3A_570 = arith.addf %gather3A_569, %get3A_564 : vector<16xf32>
        %min3A_571 = arith.minimumf %min3A_533, %add3A_570 : vector<16xf32>
        %gather3A_572 = tpu.vector_load_idx %arg7[%shift_right_logical3A_560] : memref<4096xf32, #tpu.memory_space<vmem>>[vector<16xi32>], vector<16xf32>,
        %add3A_573 = arith.addf %gather3A_572, %get3A_568 : vector<16xf32>
        %min3A_574 = arith.minimumf %min3A_536, %add3A_573 : vector<16xf32>
        %add3A_575 = arith.addf %get3A_94, %get3A_564 : vector<16xf32>
        %add3A_576 = arith.addf %get3A_96, %get3A_568 : vector<16xf32>
        %gather3A_577 = tpu.vector_load_idx %arg8[%and3A_557] : memref<4096xf32, #tpu.memory_space<vmem>>[vector<16xi32>], vector<16xf32>,
        %lt3A_578 = arith.cmpf olt, %add3A_575, %gather3A_577 : vector<16xf32>
        %gather3A_579 = tpu.vector_load_idx %arg8[%shift_right_logical3A_560] : memref<4096xf32, #tpu.memory_space<vmem>>[vector<16xi32>], vector<16xf32>,
        %lt3A_580 = arith.cmpf olt, %add3A_576, %gather3A_579 : vector<16xf32>
        tpu.vector_store_idx %arg8[%and3A_557], %add3A_575 masked %lt3A_578 : memref<4096xf32, #tpu.memory_space<vmem>>[vector<16xi32>], vector<16xf32>, vector<16xi1>
        tpu.vector_store_idx %arg8[%shift_right_logical3A_560], %add3A_576 masked %lt3A_580 : memref<4096xf32, #tpu.memory_space<vmem>>[vector<16xi32>], vector<16xf32>, vector<16xi1>
        %gather3A_581 = tpu.vector_load_idx %arg8[%and3A_557] : memref<4096xf32, #tpu.memory_space<vmem>>[vector<16xi32>], vector<16xf32>,
        %lt3A_582 = arith.cmpf olt, %add3A_575, %gather3A_581 : vector<16xf32>
        %gather3A_583 = tpu.vector_load_idx %arg8[%shift_right_logical3A_560] : memref<4096xf32, #tpu.memory_space<vmem>>[vector<16xi32>], vector<16xf32>,
        %lt3A_584 = arith.cmpf olt, %add3A_576, %gather3A_583 : vector<16xf32>
        %or3A_585 = arith.ori %or3A_548, %lt3A_582 : vector<16xi1>
        %or3A_586 = arith.ori %or3A_585, %lt3A_584 : vector<16xi1>
        %mul3A_587 = arith.constant 16 : i32
        %mul3A_588 = arith.muli %scan3A_78, %mul3A_587 : i32
        %get3A_589 = arith.constant 13 : i32
        %get3A_590 = arith.index_cast %get3A_589 : i32 to index
        %get3A_591 = arith.index_cast %mul3A_588 : i32 to index
        %get3A_592 = tpu.vector_load %arg5[%get3A_590, %get3A_591] {strides = array<i32>} : memref<15x2048xi32, #tpu.memory_space<vmem>>, vector<16xi32>,
        %and3A_593 = arith.constant 65535 : i32
        %and3A_594 = vector.broadcast %and3A_593 : i32 to vector<16xi32>
        %and3A_595 = arith.andi %get3A_592, %and3A_594 : vector<16xi32>
        %shift_right_logical3A_596 = arith.constant 16 : i32
        %shift_right_logical3A_597 = vector.broadcast %shift_right_logical3A_596 : i32 to vector<16xi32>
        %shift_right_logical3A_598 = arith.shrui %get3A_592, %shift_right_logical3A_597 : vector<16xi32>
        %get3A_599 = arith.constant 13 : i32
        %get3A_600 = arith.index_cast %get3A_599 : i32 to index
        %get3A_601 = arith.index_cast %mul3A_83 : i32 to index
        %get3A_602 = tpu.vector_load %arg6[%get3A_600, %get3A_601] {strides = array<i32>} : memref<15x4096xf32, #tpu.memory_space<vmem>>, vector<16xf32>,
        %get3A_603 = arith.constant 13 : i32
        %get3A_604 = arith.index_cast %get3A_603 : i32 to index
        %get3A_605 = arith.index_cast %add3A_89 : i32 to index
        %get3A_606 = tpu.vector_load %arg6[%get3A_604, %get3A_605] {strides = array<i32>} : memref<15x4096xf32, #tpu.memory_space<vmem>>, vector<16xf32>,
        %gather3A_607 = tpu.vector_load_idx %arg7[%and3A_595] : memref<4096xf32, #tpu.memory_space<vmem>>[vector<16xi32>], vector<16xf32>,
        %add3A_608 = arith.addf %gather3A_607, %get3A_602 : vector<16xf32>
        %min3A_609 = arith.minimumf %min3A_571, %add3A_608 : vector<16xf32>
        %gather3A_610 = tpu.vector_load_idx %arg7[%shift_right_logical3A_598] : memref<4096xf32, #tpu.memory_space<vmem>>[vector<16xi32>], vector<16xf32>,
        %add3A_611 = arith.addf %gather3A_610, %get3A_606 : vector<16xf32>
        %min3A_612 = arith.minimumf %min3A_574, %add3A_611 : vector<16xf32>
        %add3A_613 = arith.addf %get3A_94, %get3A_602 : vector<16xf32>
        %add3A_614 = arith.addf %get3A_96, %get3A_606 : vector<16xf32>
        %gather3A_615 = tpu.vector_load_idx %arg8[%and3A_595] : memref<4096xf32, #tpu.memory_space<vmem>>[vector<16xi32>], vector<16xf32>,
        %lt3A_616 = arith.cmpf olt, %add3A_613, %gather3A_615 : vector<16xf32>
        %gather3A_617 = tpu.vector_load_idx %arg8[%shift_right_logical3A_598] : memref<4096xf32, #tpu.memory_space<vmem>>[vector<16xi32>], vector<16xf32>,
        %lt3A_618 = arith.cmpf olt, %add3A_614, %gather3A_617 : vector<16xf32>
        tpu.vector_store_idx %arg8[%and3A_595], %add3A_613 masked %lt3A_616 : memref<4096xf32, #tpu.memory_space<vmem>>[vector<16xi32>], vector<16xf32>, vector<16xi1>
        tpu.vector_store_idx %arg8[%shift_right_logical3A_598], %add3A_614 masked %lt3A_618 : memref<4096xf32, #tpu.memory_space<vmem>>[vector<16xi32>], vector<16xf32>, vector<16xi1>
        %gather3A_619 = tpu.vector_load_idx %arg8[%and3A_595] : memref<4096xf32, #tpu.memory_space<vmem>>[vector<16xi32>], vector<16xf32>,
        %lt3A_620 = arith.cmpf olt, %add3A_613, %gather3A_619 : vector<16xf32>
        %gather3A_621 = tpu.vector_load_idx %arg8[%shift_right_logical3A_598] : memref<4096xf32, #tpu.memory_space<vmem>>[vector<16xi32>], vector<16xf32>,
        %lt3A_622 = arith.cmpf olt, %add3A_614, %gather3A_621 : vector<16xf32>
        %or3A_623 = arith.ori %or3A_586, %lt3A_620 : vector<16xi1>
        %or3A_624 = arith.ori %or3A_623, %lt3A_622 : vector<16xi1>
        %mul3A_625 = arith.constant 16 : i32
        %mul3A_626 = arith.muli %scan3A_78, %mul3A_625 : i32
        %get3A_627 = arith.constant 14 : i32
        %get3A_628 = arith.index_cast %get3A_627 : i32 to index
        %get3A_629 = arith.index_cast %mul3A_626 : i32 to index
        %get3A_630 = tpu.vector_load %arg5[%get3A_628, %get3A_629] {strides = array<i32>} : memref<15x2048xi32, #tpu.memory_space<vmem>>, vector<16xi32>,
        %and3A_631 = arith.constant 65535 : i32
        %and3A_632 = vector.broadcast %and3A_631 : i32 to vector<16xi32>
        %and3A_633 = arith.andi %get3A_630, %and3A_632 : vector<16xi32>
        %shift_right_logical3A_634 = arith.constant 16 : i32
        %shift_right_logical3A_635 = vector.broadcast %shift_right_logical3A_634 : i32 to vector<16xi32>
        %shift_right_logical3A_636 = arith.shrui %get3A_630, %shift_right_logical3A_635 : vector<16xi32>
        %get3A_637 = arith.constant 14 : i32
        %get3A_638 = arith.index_cast %get3A_637 : i32 to index
        %get3A_639 = arith.index_cast %mul3A_83 : i32 to index
        %get3A_640 = tpu.vector_load %arg6[%get3A_638, %get3A_639] {strides = array<i32>} : memref<15x4096xf32, #tpu.memory_space<vmem>>, vector<16xf32>,
        %get3A_641 = arith.constant 14 : i32
        %get3A_642 = arith.index_cast %get3A_641 : i32 to index
        %get3A_643 = arith.index_cast %add3A_89 : i32 to index
        %get3A_644 = tpu.vector_load %arg6[%get3A_642, %get3A_643] {strides = array<i32>} : memref<15x4096xf32, #tpu.memory_space<vmem>>, vector<16xf32>,
        %gather3A_645 = tpu.vector_load_idx %arg7[%and3A_633] : memref<4096xf32, #tpu.memory_space<vmem>>[vector<16xi32>], vector<16xf32>,
        %add3A_646 = arith.addf %gather3A_645, %get3A_640 : vector<16xf32>
        %min3A_647 = arith.minimumf %min3A_609, %add3A_646 : vector<16xf32>
        %gather3A_648 = tpu.vector_load_idx %arg7[%shift_right_logical3A_636] : memref<4096xf32, #tpu.memory_space<vmem>>[vector<16xi32>], vector<16xf32>,
        %add3A_649 = arith.addf %gather3A_648, %get3A_644 : vector<16xf32>
        %min3A_650 = arith.minimumf %min3A_612, %add3A_649 : vector<16xf32>
        %add3A_651 = arith.addf %get3A_94, %get3A_640 : vector<16xf32>
        %add3A_652 = arith.addf %get3A_96, %get3A_644 : vector<16xf32>
        %gather3A_653 = tpu.vector_load_idx %arg8[%and3A_633] : memref<4096xf32, #tpu.memory_space<vmem>>[vector<16xi32>], vector<16xf32>,
        %lt3A_654 = arith.cmpf olt, %add3A_651, %gather3A_653 : vector<16xf32>
        %gather3A_655 = tpu.vector_load_idx %arg8[%shift_right_logical3A_636] : memref<4096xf32, #tpu.memory_space<vmem>>[vector<16xi32>], vector<16xf32>,
        %lt3A_656 = arith.cmpf olt, %add3A_652, %gather3A_655 : vector<16xf32>
        tpu.vector_store_idx %arg8[%and3A_633], %add3A_651 masked %lt3A_654 : memref<4096xf32, #tpu.memory_space<vmem>>[vector<16xi32>], vector<16xf32>, vector<16xi1>
        tpu.vector_store_idx %arg8[%shift_right_logical3A_636], %add3A_652 masked %lt3A_656 : memref<4096xf32, #tpu.memory_space<vmem>>[vector<16xi32>], vector<16xf32>, vector<16xi1>
        %gather3A_657 = tpu.vector_load_idx %arg8[%and3A_633] : memref<4096xf32, #tpu.memory_space<vmem>>[vector<16xi32>], vector<16xf32>,
        %lt3A_658 = arith.cmpf olt, %add3A_651, %gather3A_657 : vector<16xf32>
        %gather3A_659 = tpu.vector_load_idx %arg8[%shift_right_logical3A_636] : memref<4096xf32, #tpu.memory_space<vmem>>[vector<16xi32>], vector<16xf32>,
        %lt3A_660 = arith.cmpf olt, %add3A_652, %gather3A_659 : vector<16xf32>
        %or3A_661 = arith.ori %or3A_624, %lt3A_658 : vector<16xi1>
        %or3A_662 = arith.ori %or3A_661, %lt3A_660 : vector<16xi1>
        %get3A_663 = arith.index_cast %mul3A_83 : i32 to index
        %get3A_664 = tpu.vector_load %arg8[%get3A_663] {strides = array<i32>} : memref<4096xf32, #tpu.memory_space<vmem>>, vector<16xf32>,
        %min3A_665 = arith.minimumf %get3A_664, %min3A_647 : vector<16xf32>
        %swap3A_666 = arith.index_cast %mul3A_83 : i32 to index
        %swap3A_667 = tpu.vector_load %arg8[%swap3A_666] {strides = array<i32>} : memref<4096xf32, #tpu.memory_space<vmem>>, vector<16xf32>,
        tpu.vector_store %arg8[%swap3A_666], %min3A_665 {strides = array<i32>} : memref<4096xf32, #tpu.memory_space<vmem>>, vector<16xf32>,
        %get3A_668 = arith.index_cast %add3A_89 : i32 to index
        %get3A_669 = tpu.vector_load %arg8[%get3A_668] {strides = array<i32>} : memref<4096xf32, #tpu.memory_space<vmem>>, vector<16xf32>,
        %min3A_670 = arith.minimumf %get3A_669, %min3A_650 : vector<16xf32>
        %swap3A_671 = arith.index_cast %add3A_89 : i32 to index
        %swap3A_672 = tpu.vector_load %arg8[%swap3A_671] {strides = array<i32>} : memref<4096xf32, #tpu.memory_space<vmem>>, vector<16xf32>,
        tpu.vector_store %arg8[%swap3A_671], %min3A_670 {strides = array<i32>} : memref<4096xf32, #tpu.memory_space<vmem>>, vector<16xf32>,
        scf.yield %or3A_662 : vector<16xi1>
      }
      %scan3A_64 = arith.constant 128 : i32
      %reduce_or3A = arith.constant 1.000000e+00 : f32
      %reduce_or3A_65 = arith.constant 0.000000e+00 : f32
      %reduce_or3A_66 = vector.broadcast %reduce_or3A : f32 to vector<16xf32>
      %reduce_or3A_67 = vector.broadcast %reduce_or3A_65 : f32 to vector<16xf32>
      %reduce_or3A_68 = arith.select %scan3A_63, %reduce_or3A_66, %reduce_or3A_67 : vector<16xi1>, vector<16xf32>
      %reduce_or3A_69 = arith.constant true
      %reduce_or3A_70 = vector.broadcast %reduce_or3A_69 : i1 to vector<16xi1>
      %reduce_or3A_71 = tpu.scan <max>, %reduce_or3A_68 masked %reduce_or3A_70 : vector<16xf32>, vector<16xi1> -> vector<16xf32>
      %reduce_or3A_72 = vector.extract %reduce_or3A_71[15] : f32 from vector<16xf32>
      %reduce_or3A_73 = arith.constant 0.000000e+00 : f32
      %reduce_or3A_74 = arith.cmpf ogt, %reduce_or3A_72, %reduce_or3A_73 : f32
      %convert_element_type3A = arith.extui %reduce_or3A_74 : i1 to i32
      %cond3A = arith.constant 0 : i32
      %cond3A_75 = arith.constant 0 : i32
      %cond3A_76 = arith.cmpi ne, %convert_element_type3A, %cond3A_75 : i32
      %cond3A_77:2 = scf.if %cond3A_76 -> (i32, i32) {
        %cond3A_78 = arith.constant 1 : i32
        scf.yield %while3A_55, %cond3A_78 : i32, i32
      } else {
        %broadcast_in_dim3A_78 = arith.constant 0 : i32
        %broadcast_in_dim3A_79 = vector.broadcast %broadcast_in_dim3A_78 : i32 to vector<16xi32>
        %scan3A_80 = arith.constant 0 : i32
        %scan3A_81 = arith.constant 256 : i32
        %scan3A_82 = arith.addi %scan3A_80, %scan3A_81 : i32
        %scan3A_83 = arith.constant 1 : i32
        %scan3A_84 = scf.for %scan3A_95 = %scan3A_80 to %scan3A_82 step %scan3A_83 iter_args(%scan3A_96 = %broadcast_in_dim3A_79) -> (vector<16xi32>)  : i32 {
          %mul3A_97 = arith.constant 16 : i32
          %mul3A_98 = arith.muli %scan3A_95, %mul3A_97 : i32
          %get3A = arith.index_cast %mul3A_98 : i32 to index
          %get3A_99 = tpu.vector_load %arg8[%get3A] {strides = array<i32>} : memref<4096xf32, #tpu.memory_space<vmem>>, vector<16xf32>,
          %get3A_100 = arith.index_cast %mul3A_98 : i32 to index
          %get3A_101 = tpu.vector_load %arg7[%get3A_100] {strides = array<i32>} : memref<4096xf32, #tpu.memory_space<vmem>>, vector<16xf32>,
          %ne3A_102 = arith.cmpf one, %get3A_99, %get3A_101 : vector<16xf32>
          %jit3A_103 = arith.constant 1 : i32
          %jit3A_104 = arith.constant 0 : i32
          %broadcast_in_dim3A_105 = vector.broadcast %jit3A_103 : i32 to vector<16xi32>
          %broadcast_in_dim3A_106 = vector.broadcast %jit3A_104 : i32 to vector<16xi32>
          %select_n3A_107 = arith.select %ne3A_102, %broadcast_in_dim3A_105, %broadcast_in_dim3A_106 : vector<16xi1>, vector<16xi32>
          %max3A = arith.maxsi %scan3A_96, %select_n3A_107 : vector<16xi32>
          %swap3A_108 = arith.index_cast %mul3A_98 : i32 to index
          %swap3A_109 = tpu.vector_load %arg7[%swap3A_108] {strides = array<i32>} : memref<4096xf32, #tpu.memory_space<vmem>>, vector<16xf32>,
          tpu.vector_store %arg7[%swap3A_108], %get3A_99 {strides = array<i32>} : memref<4096xf32, #tpu.memory_space<vmem>>, vector<16xf32>,
          scf.yield %max3A : vector<16xi32>
        }
        %scan3A_85 = arith.constant 256 : i32
        %add3A_86 = arith.constant 1 : i32
        %add3A_87 = arith.addi %while3A_55, %add3A_86 : i32
        %reduce_max3A = arith.constant true
        %reduce_max3A_88 = vector.broadcast %reduce_max3A : i1 to vector<16xi1>
        %reduce_max3A_89 = arith.constant -2147483648 : i32
        %reduce_max3A_90 = vector.broadcast %reduce_max3A_89 : i32 to vector<16xi32>
        %reduce_max3A_91 = arith.xori %scan3A_84, %reduce_max3A_90 : vector<16xi32>
        %reduce_max3A_92 = tpu.scan <max>, %reduce_max3A_91 masked %reduce_max3A_88 : vector<16xi32>, vector<16xi1> -> vector<16xi32>
        %reduce_max3A_93 = arith.xori %reduce_max3A_92, %reduce_max3A_90 : vector<16xi32>
        %reduce_max3A_94 = vector.extract %reduce_max3A_93[15] : i32 from vector<16xi32>
        scf.yield %add3A_87, %reduce_max3A_94 : i32, i32
      }
      scf.yield %cond3A_77#0, %cond3A_77#1 : i32, i32
    }
    "tpu.region"() ({
      %run_scoped3A = tpu.sem_alloc : memref<!tpu.dma_semaphore, #tpu.memory_space<semaphore_mem>>
      %dma_start3A = arith.constant 0 : i32
      %dma_start3A_55 = tpu.memref_slice %arg4[%add3A, %dma_start3A] : memref<32x4096xf32, #tpu.memory_space<hbm>> -> memref<1x4096xf32, #tpu.memory_space<hbm>>
      %dma_start3A_56 = tpu.memref_squeeze %dma_start3A_55 : memref<1x4096xf32, #tpu.memory_space<hbm>> -> memref<4096xf32, #tpu.memory_space<hbm>>
      %dma_start3A_57 = arith.constant 0 : i32
      %dma_start3A_58 = tpu.memref_slice %arg4[%add3A, %dma_start3A_57] : memref<32x4096xf32, #tpu.memory_space<hbm>> -> memref<1x4096xf32, #tpu.memory_space<hbm>>
      %dma_start3A_59 = tpu.memref_squeeze %dma_start3A_58 : memref<1x4096xf32, #tpu.memory_space<hbm>> -> memref<4096xf32, #tpu.memory_space<hbm>>
      tpu.enqueue_dma source(%arg7 : memref<4096xf32, #tpu.memory_space<vmem>>) target(%dma_start3A_59 : memref<4096xf32, #tpu.memory_space<hbm>>) target_semaphore(%run_scoped3A : memref<!tpu.dma_semaphore, #tpu.memory_space<semaphore_mem>>)
      %dma_wait3A = arith.constant 0 : i32
      %dma_wait3A_60 = tpu.memref_slice %arg4[%add3A, %dma_wait3A] : memref<32x4096xf32, #tpu.memory_space<hbm>> -> memref<1x4096xf32, #tpu.memory_space<hbm>>
      %dma_wait3A_61 = tpu.memref_squeeze %dma_wait3A_60 : memref<1x4096xf32, #tpu.memory_space<hbm>> -> memref<4096xf32, #tpu.memory_space<hbm>>
      %dma_wait3A_62 = arith.constant 0 : i32
      %dma_wait3A_63 = tpu.memref_slice %arg4[%add3A, %dma_wait3A_62] : memref<32x4096xf32, #tpu.memory_space<hbm>> -> memref<1x4096xf32, #tpu.memory_space<hbm>>
      %dma_wait3A_64 = tpu.memref_squeeze %dma_wait3A_63 : memref<1x4096xf32, #tpu.memory_space<hbm>> -> memref<4096xf32, #tpu.memory_space<hbm>>
      tpu.wait_dma2 semaphore(%run_scoped3A : memref<!tpu.dma_semaphore, #tpu.memory_space<semaphore_mem>>) src(%arg7 : memref<4096xf32, #tpu.memory_space<vmem>>) dst(%dma_wait3A_64 : memref<4096xf32, #tpu.memory_space<hbm>>)
      tpu.yield
    }) : () -> ()
    return
  }
}

module attributes {stable_mosaic.version = 14 : i64} {
  func.func @_d2_kernel(%arg0: i32, %arg1: memref<256x128xf32, #tpu.memory_space<vmem>>, %arg2: memref<128x4096xf32, #tpu.memory_space<vmem>>, %arg3: memref<1x256xf32, #tpu.memory_space<vmem>>, %arg4: memref<1x4096xf32, #tpu.memory_space<vmem>>, %arg5: memref<256x4096xf32, #tpu.memory_space<vmem>>) attributes {dimension_semantics = [#tpu.dimension_semantics<arbitrary>], iteration_bounds = array<i64: 16>, scalar_prefetch = 0 : i64, scratch_operands = 0 : i64, tpu.core_type = #tpu.core_type<tc>, window_params = [{transform_indices = @transform_0, window_bounds = array<i64: 256, 128>}, {pipeline_mode = #tpu.pipeline_mode<synchronous>, transform_indices = @transform_1, window_bounds = array<i64: 128, 4096>}, {transform_indices = @transform_2, window_bounds = array<i64: 1, 256>}, {pipeline_mode = #tpu.pipeline_mode<synchronous>, transform_indices = @transform_3, window_bounds = array<i64: 1, 4096>}, {transform_indices = @transform_4, window_bounds = array<i64: 256, 4096>}]} {
    %get3A = arith.constant 0 : index
    %get3A_0 = arith.constant 0 : index
    %get3A_1 = vector.load %arg1[%get3A, %get3A_0] : memref<256x128xf32, #tpu.memory_space<vmem>>, vector<256x128xf32>
    %get3A_2 = arith.constant 0 : index
    %get3A_3 = arith.constant 0 : index
    %get3A_4 = vector.load %arg2[%get3A_2, %get3A_3] : memref<128x4096xf32, #tpu.memory_space<vmem>>, vector<128x4096xf32>
    %dot_general3A = arith.constant dense<0.000000e+00> : vector<256x4096xf32>
    %dot_general3A_5 = tpu.matmul %get3A_1, %get3A_4, %dot_general3A {dimension_numbers = #tpu.dot_dimension_numbers<[1], [0], [0], [1], [0, 0, 1, 1], [], []>, transpose_lhs_hint = false} : vector<256x128xf32>, vector<128x4096xf32>, vector<256x4096xf32> -> vector<256x4096xf32>
    %get3A_6 = arith.constant 0 : index
    %get3A_7 = arith.constant 0 : index
    %get3A_8 = vector.load %arg3[%get3A_6, %get3A_7] : memref<1x256xf32, #tpu.memory_space<vmem>>, vector<1x256xf32>
    %transpose3A = tpu.transpose %get3A_8, [1, 0] : vector<1x256xf32> -> vector<256x1xf32>
    %get3A_9 = arith.constant 0 : index
    %get3A_10 = arith.constant 0 : index
    %get3A_11 = vector.load %arg4[%get3A_9, %get3A_10] : memref<1x4096xf32, #tpu.memory_space<vmem>>, vector<1x4096xf32>
    %add3A = vector.broadcast %transpose3A : vector<256x1xf32> to vector<256x4096xf32>
    %add3A_12 = vector.broadcast %get3A_11 : vector<1x4096xf32> to vector<256x4096xf32>
    %add3A_13 = arith.addf %add3A, %add3A_12 : vector<256x4096xf32>
    %mul3A = arith.constant 2.000000e+00 : f32
    %mul3A_14 = vector.broadcast %mul3A : f32 to vector<256x4096xf32>
    %mul3A_15 = arith.mulf %mul3A_14, %dot_general3A_5 : vector<256x4096xf32>
    %sub3A = arith.subf %add3A_13, %mul3A_15 : vector<256x4096xf32>
    %swap3A = arith.constant 0 : index
    %swap3A_16 = arith.constant 0 : index
    %swap3A_17 = vector.load %arg5[%swap3A, %swap3A_16] : memref<256x4096xf32, #tpu.memory_space<vmem>>, vector<256x4096xf32>
    tpu.vector_store %arg5[%swap3A, %swap3A_16], %sub3A {strides = array<i32>} : memref<256x4096xf32, #tpu.memory_space<vmem>>, vector<256x4096xf32>,
    return
  }
  func.func @transform_0(%arg0: i32) -> (i32, i32) {
    %c0_i32 = arith.constant 0 : i32
    %c0_i32_0 = arith.constant 0 : i32
    return %arg0, %c0_i32 : i32, i32
  }
  func.func @transform_1(%arg0: i32) -> (i32, i32) {
    %c0_i32 = arith.constant 0 : i32
    %c0_i32_0 = arith.constant 0 : i32
    %c0_i32_1 = arith.constant 0 : i32
    return %c0_i32, %c0_i32_0 : i32, i32
  }
  func.func @transform_2(%arg0: i32) -> (i32, i32) {
    %c0_i32 = arith.constant 0 : i32
    %c0_i32_0 = arith.constant 0 : i32
    return %c0_i32, %arg0 : i32, i32
  }
  func.func @transform_3(%arg0: i32) -> (i32, i32) {
    %c0_i32 = arith.constant 0 : i32
    %c0_i32_0 = arith.constant 0 : i32
    %c0_i32_1 = arith.constant 0 : i32
    return %c0_i32, %c0_i32_0 : i32, i32
  }
  func.func @transform_4(%arg0: i32) -> (i32, i32) {
    %c0_i32 = arith.constant 0 : i32
    %c0_i32_0 = arith.constant 0 : i32
    return %arg0, %c0_i32 : i32, i32
  }
}

module attributes {stable_mosaic.version = 14 : i64} {
  func.func @_sqrt_kernel(%arg0: memref<4096x15xf32, #tpu.memory_space<vmem>>, %arg1: memref<4096x15xf32, #tpu.memory_space<vmem>>) attributes {dimension_semantics = [], scalar_prefetch = 0 : i64, scratch_operands = 0 : i64, tpu.core_type = #tpu.core_type<tc>} {
    %get3A = arith.constant 0 : index
    %get3A_0 = arith.constant 0 : index
    %get3A_1 = vector.load %arg0[%get3A, %get3A_0] : memref<4096x15xf32, #tpu.memory_space<vmem>>, vector<4096x15xf32>
    %max3A = arith.constant 0.000000e+00 : f32
    %max3A_2 = vector.broadcast %max3A : f32 to vector<4096x15xf32>
    %max3A_3 = arith.maximumf %get3A_1, %max3A_2 : vector<4096x15xf32>
    %sqrt3A = math.sqrt %max3A_3 : vector<4096x15xf32>
    %swap3A = arith.constant 0 : index
    %swap3A_4 = arith.constant 0 : index
    %swap3A_5 = vector.load %arg1[%swap3A, %swap3A_4] : memref<4096x15xf32, #tpu.memory_space<vmem>>, vector<4096x15xf32>
    tpu.vector_store %arg1[%swap3A, %swap3A_4], %sqrt3A {strides = array<i32>} : memref<4096x15xf32, #tpu.memory_space<vmem>>, vector<4096x15xf32>,
    return
  }
}

module attributes {stable_mosaic.version = 14 : i64} {
  func.func @_loss_kernel(%arg0: i32, %arg1: memref<32x4096xf32, #tpu.memory_space<vmem>>, %arg2: memref<32x4096xf32, #tpu.memory_space<vmem>>, %arg3: memref<1x1xf32, #tpu.memory_space<vmem>>) attributes {dimension_semantics = [#tpu.dimension_semantics<arbitrary>], iteration_bounds = array<i64: 1>, scalar_prefetch = 0 : i64, scratch_operands = 0 : i64, tpu.core_type = #tpu.core_type<tc>, window_params = [{pipeline_mode = #tpu.pipeline_mode<synchronous>, transform_indices = @transform_0, window_bounds = array<i64: 32, 4096>}, {pipeline_mode = #tpu.pipeline_mode<synchronous>, transform_indices = @transform_1, window_bounds = array<i64: 32, 4096>}, {pipeline_mode = #tpu.pipeline_mode<synchronous>, transform_indices = @transform_2, window_bounds = array<i64: 1, 1>}]} {
    %get3A = arith.constant 0 : index
    %get3A_0 = arith.constant 0 : index
    %get3A_1 = vector.load %arg1[%get3A, %get3A_0] : memref<32x4096xf32, #tpu.memory_space<vmem>>, vector<32x4096xf32>
    %get3A_2 = arith.constant 0 : index
    %get3A_3 = arith.constant 0 : index
    %get3A_4 = vector.load %arg2[%get3A_2, %get3A_3] : memref<32x4096xf32, #tpu.memory_space<vmem>>, vector<32x4096xf32>
    %max3A = arith.constant 0.000000e+00 : f32
    %max3A_5 = vector.broadcast %max3A : f32 to vector<32x4096xf32>
    %max3A_6 = arith.maximumf %get3A_4, %max3A_5 : vector<32x4096xf32>
    %sqrt3A = math.sqrt %max3A_6 : vector<32x4096xf32>
    %lt3A = arith.constant 5.000000e+09 : f32
    %lt3A_7 = vector.broadcast %lt3A : f32 to vector<32x4096xf32>
    %lt3A_8 = arith.cmpf olt, %get3A_1, %lt3A_7 : vector<32x4096xf32>
    %gt3A = arith.constant 9.99999993E-9 : f32
    %gt3A_9 = vector.broadcast %gt3A : f32 to vector<32x4096xf32>
    %gt3A_10 = arith.cmpf ogt, %sqrt3A, %gt3A_9 : vector<32x4096xf32>
    %and3A = arith.andi %lt3A_8, %gt3A_10 : vector<32x4096xi1>
    %max3A_11 = arith.constant 9.99999993E-9 : f32
    %max3A_12 = vector.broadcast %max3A_11 : f32 to vector<32x4096xf32>
    %max3A_13 = arith.maximumf %sqrt3A, %max3A_12 : vector<32x4096xf32>
    %div3A = arith.divf %get3A_1, %max3A_13 : vector<32x4096xf32>
    %sub3A = arith.constant 1.800000e+00 : f32
    %sub3A_14 = vector.broadcast %sub3A : f32 to vector<32x4096xf32>
    %sub3A_15 = arith.subf %div3A, %sub3A_14 : vector<32x4096xf32>
    %integer_pow3A = arith.mulf %sub3A_15, %sub3A_15 : vector<32x4096xf32>
    %jit3A = arith.constant 0.000000e+00 : f32
    %broadcast_in_dim3A = vector.broadcast %jit3A : f32 to vector<32x4096xf32>
    %select_n3A = arith.select %and3A, %integer_pow3A, %broadcast_in_dim3A : vector<32x4096xi1>, vector<32x4096xf32>
    %convert_element_type3A = arith.extui %and3A : vector<32x4096xi1> to vector<32x4096xi32>
    %reduce_sum3A = vector.shape_cast %convert_element_type3A : vector<32x4096xi32> to vector<1x32x4096xi32>
    %reduce_sum3A_16 = arith.constant dense<0> : vector<1xi32>
    %reduce_sum3A_17 = vector.multi_reduction <add>, %reduce_sum3A, %reduce_sum3A_16 [1, 2] : vector<1x32x4096xi32> to vector<1xi32>
    %reduce_sum3A_18 = vector.shape_cast %reduce_sum3A_17 : vector<1xi32> to vector<1x1x1xi32>
    %reduce_sum3A_19 = vector.extract %reduce_sum3A_18[0, 0, 0] : i32 from vector<1x1x1xi32>
    %max3A_20 = arith.constant 1 : i32
    %max3A_21 = arith.maxsi %reduce_sum3A_19, %max3A_20 : i32
    %reduce_sum3A_22 = vector.shape_cast %select_n3A : vector<32x4096xf32> to vector<1x32x4096xf32>
    %reduce_sum3A_23 = arith.constant dense<0.000000e+00> : vector<1xf32>
    %reduce_sum3A_24 = vector.multi_reduction <add>, %reduce_sum3A_22, %reduce_sum3A_23 [1, 2] : vector<1x32x4096xf32> to vector<1xf32>
    %reduce_sum3A_25 = vector.shape_cast %reduce_sum3A_24 : vector<1xf32> to vector<1x1x1xf32>
    %reduce_sum3A_26 = vector.extract %reduce_sum3A_25[0, 0, 0] : f32 from vector<1x1x1xf32>
    %convert_element_type3A_27 = arith.sitofp %max3A_21 : i32 to f32
    %div3A_28 = arith.divf %reduce_sum3A_26, %convert_element_type3A_27 : f32
    %mul3A = arith.constant 1.000000e-01 : f32
    %mul3A_29 = arith.mulf %div3A_28, %mul3A : f32
    %broadcast_in_dim3A_30 = vector.broadcast %mul3A_29 : f32 to vector<1x1xf32>
    %swap3A = arith.constant 0 : index
    %swap3A_31 = arith.constant 0 : index
    %swap3A_32 = vector.load %arg3[%swap3A, %swap3A_31] : memref<1x1xf32, #tpu.memory_space<vmem>>, vector<1x1xf32>
    tpu.vector_store %arg3[%swap3A, %swap3A_31], %broadcast_in_dim3A_30 {strides = array<i32>} : memref<1x1xf32, #tpu.memory_space<vmem>>, vector<1x1xf32>,
    return
  }
  func.func @transform_0(%arg0: i32) -> (i32, i32) {
    %c0_i32 = arith.constant 0 : i32
    %c0_i32_0 = arith.constant 0 : i32
    %c0_i32_1 = arith.constant 0 : i32
    return %c0_i32, %c0_i32_0 : i32, i32
  }
  func.func @transform_1(%arg0: i32) -> (i32, i32) {
    %c0_i32 = arith.constant 0 : i32
    %c0_i32_0 = arith.constant 0 : i32
    %c0_i32_1 = arith.constant 0 : i32
    return %c0_i32, %c0_i32_0 : i32, i32
  }
  func.func @transform_2(%arg0: i32) -> (i32, i32) {
    %c0_i32 = arith.constant 0 : i32
    %c0_i32_0 = arith.constant 0 : i32
    %c0_i32_1 = arith.constant 0 : i32
    return %c0_i32, %c0_i32_0 : i32, i32
  }
}

</mosaic_0001>

<sc_bundles>
// kernel: kernel.10.cloned.1.call-start
scs
__scs_entry_jumppad:
0x0: {  	(pc) =	sbr.rel $0x88, $3  }
0x1: {  	(tag) =	ssettag $0x0;
	lr =	simm.s32 $0x1  }
0x2: {  	[smem:$0x3FA0] =	sst lr;
	_ =	strace $0xD0000000  }
0x3: {  	_ = 	snop  }
0x4: {  	_ = 	snop  }
0x5: {  	_ = 	snop  }
0x6: {  	_ = 	snop  }
0x7: {  	_ = 	snop  }
__scs_overlays_trampoline_lowered:
0x8: {  	[smem:$0x3FAF] =	sst s0  }
0x9: {  	[smem:$0x3FB0] =	sst s1  }
0xa: {  	[smem:$0x3FB1] =	sst s2  }
0xb: {  	[smem:$0x3FB2] =	sst s3  }
0xc: {  	[smem:$0x3FB3] =	sst s4  }
0xd: {  	[smem:$0x3FB4] =	sst s5  }
0xe: {  	[smem:$0x3FB5] =	sst s6  }
0xf: {  	[smem:$0x3FB6] =	sst s7  }
0x10: {  	[smem:$0x3FB7] =	sst s8  }
0x11: {  	[smem:$0x3FB8] =	sst s9;
	s0 =	simm.s32 @!p0 $0x0  }
0x12: {  	s1 =	sld [smem:$0x3F9E];
	s0 =	simm.s32 @p0 $0x1  }
0x13: {  	[smem:$0x3FB9] =	sst s0;
	s0 =	simm.s32 @!p1 $0x0  }
0x14: {  	s2 =	sld [smem:$0x3F9D];
	s0 =	simm.s32 @p1 $0x1  }
0x15: {  	[smem:$0x3FBA] =	sst s0;
	s0 =	simm.s32 @!p2 $0x0  }
0x16: {  	s3 =	sld [smem:$0x3FDB];
	s0 =	simm.s32 @p2 $0x1  }
0x17: {  	s4 =	simm.s32 $0x1BF5;
	[smem:$0x3FBC] =	sst s0  }
0x18: {  	s0 =	sld [smem:$0x3F9F];
	_ =	swait.ge [sflag:s4], $0x0  }
0x19: {  	s7 =	sld [smem:$0x3FA0]  }
0x1a: {  	s8 =	sadd.s32 $0xFFFFE003, lr  }
0x1b: {  	s9 =	sadd.s32 $0xFFFFFEF7, lr;
	s5 =	simm.s32 $0xFFFFFFFF;
	p2 =	slt.u32 s8, $0xFFFFF086  }
0x1c: {  	p1 =	slt.u32 s9, $0xF7A;
	s5 =	simm.s32 @!p2 $0x0  }
0x1d: {  	s5 =	simm.s32 @p1 $0x1;
	p0 =	seq.s32 s7, s2  }
0x1e: {  	s7 =	smul.u32 @!p0 $0xF7A, s2;
	p2 =	seq.s32 @!p0 s5, $0x0  }
0x1f: {  	s9 =	smul.u32 $0xF7A, s1;
	s8 =	simm.s32 @!p0 $0x1BF5;
	p2 =	por !p2, p0  }
0x20: {  	[sflag:s8] =	ssyncset.s32 @!p0 $0xFFFFF086;
	s6 =	sadd.s32 @!p0 s3, s7;
	s7 =	simm.s32 @!p0 $0x108  }
0x21: {  	s3 =	sadd.s32 s3, s9;
	s6 =	sadd.s32 @!p0 $0x88, s6;
	s7 =	simm.s32 @p2 $0x1082  }
0x22: {  	[simem:s7], [sflag:s8] =	dma.local @!p0 [hbm:s6], $0xF7A  }
0x23: {  	s9 =	sor.u32 $0xD0000000, s2;
	s6 =	simm.s32 $0x108;
	_ =	swait.ge @!p0 [sflag:s8], $0x0  }
0x24: {  	s3 =	sadd.s32 $0x88, s3;
	s6 =	simm.s32 @!p1 $0x1082;
	[sflag:s4] =	ssyncset.s32 $0xFFFFF086  }
0x25: {  	[simem:s6], [sflag:s4] =	dma.local [hbm:s3], $0xF7A  }
0x26: {  	[smem:$0x3FA0] =	sst s1;
	(tag) =	ssettag s2;
	_ =	strace s9  }
0x27: {  	s1 =	sld [smem:$0x3FB0]  }
0x28: {  	s2 =	sld [smem:$0x3FB1]  }
0x29: {  	s4 =	sld [smem:$0x3FB3]  }
0x2a: {  	p0 =	seq.s32 s5, $0x0;
	s5 =	sld [smem:$0x3FB4]  }
0x2b: {  	s6 =	sld [smem:$0x3FB5]  }
0x2c: {  	s7 =	sld [smem:$0x3FB6]  }
0x2d: {  	s3 =	simm.s32 $0x108;
	s8 =	sld [smem:$0x3FB7]  }
0x2e: {  	s3 =	simm.s32 @!p0 $0x1082;
	s9 =	sld [smem:$0x3FB8]  }
0x2f: {  	lr =	sadd.s32 s0, s3;
	s0 =	sld [smem:$0x3FAF]  }
0x30: {  	s3 =	sld [smem:$0x3FB2]  }
0x31: {  	[smem:$0x3FBB] =	sst s10  }
0x32: {  	s10 =	sld [smem:$0x3FB9];
	_ =	sdelay $0x3  }
0x33: {  	p0 =	seq.s32 s10, $0x1;
	s10 =	sld [smem:$0x3FBB];
	_ =	sdelay $0x3  }
0x34: {  	[smem:$0x3FBB] =	sst s10  }
0x35: {  	s10 =	sld [smem:$0x3FBA];
	_ =	sdelay $0x3  }
0x36: {  	p1 =	seq.s32 s10, $0x1;
	s10 =	sld [smem:$0x3FBB];
	_ =	sdelay $0x3  }
0x37: {  	[smem:$0x3FBB] =	sst s10  }
0x38: {  	s10 =	sld [smem:$0x3FBC]  }
0x39: {  	_ = 	snop;
	(pc) =	sbr.ind lr, $3  }
0x3a: {  	_ = 	snop  }
0x3b: {  	_ = 	snop  }
0x3c: {  	p2 =	seq.s32 s10, $0x1;
	s10 =	sld [smem:$0x3FBB]  }
0x3d: {  	_ =	shalt  }
0x3e: {  	_ =	shalt  }
0x3f: {  	_ =	shalt  }
0x40: {  	_ =	shalt  }
0x41: {  	_ =	shalt  }
0x42: {  	_ =	shalt  }
0x43: {  	_ =	shalt  }
0x44: {  	_ =	shalt  }
0x45: {  	_ =	shalt  }
0x46: {  	_ =	shalt  }
0x47: {  	_ =	shalt  }
0x48: {  	_ =	shalt  }
0x49: {  	_ =	shalt  }
0x4a: {  	_ =	shalt  }
0x4b: {  	_ =	shalt  }
0x4c: {  	_ =	shalt  }
0x4d: {  	_ =	shalt  }
0x4e: {  	_ =	shalt  }
0x4f: {  	_ =	shalt  }
0x50: {  	_ =	shalt  }
0x51: {  	_ =	shalt  }
0x52: {  	_ =	shalt  }
0x53: {  	_ =	shalt  }
0x54: {  	_ =	shalt  }
0x55: {  	_ =	shalt  }
0x56: {  	_ =	shalt  }
0x57: {  	_ =	shalt  }
0x58: {  	_ =	shalt  }
0x59: {  	_ =	shalt  }
0x5a: {  	_ =	shalt  }
0x5b: {  	_ =	shalt  }
0x5c: {  	_ =	shalt  }
0x5d: {  	_ =	shalt  }
0x5e: {  	_ =	shalt  }
0x5f: {  	_ =	shalt  }
0x60: {  	_ =	shalt  }
0x61: {  	_ =	shalt  }
0x62: {  	_ =	shalt  }
0x63: {  	_ =	shalt  }
0x64: {  	_ =	shalt  }
0x65: {  	_ =	shalt  }
0x66: {  	_ =	shalt  }
0x67: {  	_ =	shalt  }
0x68: {  	_ =	shalt  }
0x69: {  	_ =	shalt  }
0x6a: {  	_ =	shalt  }
0x6b: {  	_ =	shalt  }
0x6c: {  	_ =	shalt  }
0x6d: {  	_ =	shalt  }
0x6e: {  	_ =	shalt  }
0x6f: {  	_ =	shalt  }
0x70: {  	_ =	shalt  }
0x71: {  	_ =	shalt  }
0x72: {  	_ =	shalt  }
0x73: {  	_ =	shalt  }
0x74: {  	_ =	shalt  }
0x75: {  	_ =	shalt  }
0x76: {  	_ =	shalt  }
0x77: {  	_ =	shalt  }
0x78: {  	_ =	shalt  }
0x79: {  	_ =	shalt  }
0x7a: {  	_ =	shalt  }
0x7b: {  	_ =	shalt  }
0x7c: {  	_ =	shalt  }
0x7d: {  	_ =	shalt  }
0x7e: {  	_ =	shalt  }
0x7f: {  	_ =	shalt  }
0x80: {  	_ =	shalt  }
0x81: {  	_ =	shalt  }
0x82: {  	_ =	shalt  }
0x83: {  	_ =	shalt  }
0x84: {  	_ =	shalt  }
0x85: {  	_ =	shalt  }
0x86: {  	_ =	shalt  }
0x87: {  	_ =	shalt  }
.Lfunc_end0:
.L_simem_size_0:
called_computation.1_lowered:
.L_overlay_start_0:
0x88: {  	s2 =	sld [smem:$0x3FD9]  }
0x89: {  	s3 =	sld [smem:$0x3FFE];
	_ =	sdelay $0x1  }
0x8a: {  	s1 =	srdreg.scid  }
0x8b: {  	s0 =	sand.u32 $0x1, s1  }
0x8c: {  	s16 =	sshll.u32 s0, $0xA;
	s2 =	sadd.s32 s3, s2  }
0x8d: {  	s2 =	sadd.s32 s2, s16  }
0x8e: {  	[smem:$0x3FC7] =	sst s2  }
0x8f: {  	_ = 	snop  }
0x90: {  	(tm) =	ssettm $0x1  }
0x91: {  	s17 =	sld [smem:$0x3FFB];
	_ =	sdelay $0x3  }
0x92: {  	_ =	strace s17  }
0x93: {  	s2 =	sld [smem:$0x3FFC];
	_ =	sdelay $0x3  }
0x94: {  	_ =	strace s2  }
0x95: {  	s2 =	sld [smem:$0x3FFD];
	_ =	sdelay $0x3  }
0x96: {  	_ =	strace s2  }
0x97: {  	_ =	strace $0x8FFFFFFF  }
0x98: {  	s18 =	sld [smem:$0x3FDB];
	_ =	sdelay $0x1  }
0x99: {  	s19 =	simm.s32 $_scs_section_size  }
0x9a: {  	s4 =	simm.s32 $_size__tile_overlayer_lowered;
	s5 =	simm.s32 $_tile_overlayer_lowered  }
0x9b: {  	s22 =	simm.s32 $0x1BFF;
	s21 =	sshll.u32 s5, $0x1;
	s2 =	sadd.s32 s19, s18  }
0x9c: {  	s6 =	simm.s32 $0x0;
	s20 =	sshll.u32 s4, $0x1;
	s4 =	sadd.s32 s21, s2  }
0x9d: {  	[timem:s6], [sflag:s22] =	dma.local [hbm:s4], s20  }
0x9e: {  	_ =	swait.ge [sflag:s22], s20  }
0x9f: {  	s3 =	ssub.s32 $0x0, s20;
	[sflag:s22] =	ssyncset.done $0x0  }
0xa0: {  	[sflag:s22] =	ssyncadd.s32 s3;
	_ =	sdelay $0x1  }
0xa1: {  	s23 =	simm.s32 $0x1B8B  }
0xa2: {  	_ =	swait.ge [sflag:s23], $0x1  }
0xa3: {  	[sflag:s23] =	ssyncset.done $0x0  }
0xa4: {  	s25 =	simm.s32 $0x1B8E;
	s24 =	sld [smem:$0x3FFE];
	[sflag:s23] =	ssyncadd.s32 $0xFFFFFFFF  }
0xa5: {  	s26 =	simm.s32 $execute0_lowered;
	[smem:$0x3FD2] =	sst s25  }
0xa6: {  	s4 =	sshll.u32 s26, $0x1;
	_ =	strace $0x80000049;
	[dreg:$0x1] =	wrdreg $0xFFFFFFFF  }
0xa7: {  	s28 =	simm.s32 $_size_execute0_lowered;
	s2 =	sadd.s32 s2, s4;
	[dreg:$0x0] =	wrdreg $0x0  }
0xa8: {  	s4 =	sshll.u32 s28, $0x1;
	[dreg:$0x2] =	wrdreg s2  }
0xa9: {  	[dreg:$0x3] =	wrdreg s4  }
0xaa: {  	[dreg:$0x4] =	wrdreg $0xC0  }
0xab: {  	_ =	task [dreg:s6], $0x5FFFF  }
0xac: {  	[dreg:$0x1] =	wrdreg $0xFFFFFFFF  }
0xad: {  	[dreg:$0x0] =	wrdreg $0x60  }
0xae: {  	[dreg:$0x2] =	wrdreg s24  }
0xaf: {  	[dreg:$0x3] =	wrdreg $0x9  }
0xb0: {  	_ =	task.clear_ibuf [dreg:s6], $0x4FFFF;
	_ =	strace $0x90000049  }
0xb1: {  	s29 =	simm.s32 $0x9;
	_ =	strace $0x8000004B  }
0xb2: {  	_ =	swait.ge [sflag:s29], $0x1  }
0xb3: {  	[sflag:s29] =	ssyncadd.s32 $0xFFFFFFFF  }
0xb4: {  	_ =	strace $0x9000004B  }
0xb5: {  	_ =	sfence  }
0xb6: {  	s30 =	sld [smem:$0x0];
	_ =	sdelay $0x2  }
0xb7: {  	s31 =	sshll.u32 s1, $0xD;
	s1 =	sshrl.u32 s1, $0x2  }
0xb8: {  	s3 =	sand.u32 $0x4000, s31;
	s1 =	sadd.s32 s1, s30  }
0xb9: {  	s0 =	sor.u32 s3, s0;
	s1 =	sshll.u32 s1, $0x11  }
0xba: {  	s0 =	sor.u32 s1, s0  }
0xbb: {  	s0 =	sadd.s32 $0x8F2B, s0  }
0xbc: {  	[sflag:s0] =	ssyncadd.remote.s32 $0x1  }
0xbd: {  	_ =	sfence.sel $0xFFFF  }
0xbe: {  	[dreg:$0x0] =	wrdreg $0xFFFFFFFF;
	(pc) =	sbr.abs _section_cstart, $3  }
0xbf: {  	[dreg:$0x1] =	wrdreg $0xFFFFFFFF  }
0xc0: {  	_ =	task.clear_ibuf [dreg:s6], $0x2FFFF;
	_ =	strace $0x9FFFFFFF  }
0xc1: {  	(tm) =	ssettm $0x7FFFFFFF  }
tec
execute0_lowered:
.L_overlay_start_1:
0x0: {  	(tag) =	ssettag $0x1  }
0x1: {  	s5 =	rddreg [dreg:$0x0]  }
0x2: {  	s0 =	rddreg [dreg:$0x1]  }
0x3: {  	s2 =	simm.s32 $0x0;
	s4 =	srdreg.scid;
	s1 =	stileid.u32  }
0x4: {  	s10 =	simm.s32 $0x16800;
	s11 =	simm.s32 $0x17800;
	s12 =	simm.s32 $0x0  }
0x5: {  	[smem:$0x7FF] =	sst s2;
	s6 =	sand.u32 $0x1, s4;
	s7 =	sshll.u32 s1, $0x1  }
0x6: {  	s3 =	sadd.s32 $0x200E00, s5;
	s4 =	sadd.s32 $0x201E00, s5;
	s7 =	sor.u32 s6, s7  }
.Ltmp0:
0x7: {  	s8 =	sshll.u32 s7, $0x9;
	s7 =	sand.u32 $0xF, s7;
	(pc) =	sbr.rel .LBB2_1-.Ltmp0, $4  }
0x8: {  	v1 =	vlaneseq.u32;
	s30 =	sshll.u32 s1, $0x3;
	_ =	strace $0x8000004A;
	s6 =	ssub.s32 $0x2, s6;
	v0 =	vmov s7  }
0x9: {  	s31 =	sand.u32 $0x40, s30;
	s9 =	sshrl.u32 s6, $0x1;
	s5 =	sadd.s32 s8, s5;
	vm0 =	veq.s32 v0, v1;
	v0 =	vimm.f32 $1.000000000e+10  }
0xa: {  	s6 =	ssub.s32 s6, s9;
	s7 =	simm.s32 $0x1;
	s8 =	simm.s32 $0x7800;
	v1 =	vsel vm0, $0x0, v0  }
0xb: {  	v12 =	vimm.s32 $0x0;
	s9 =	sshrl.u32 s31, $0x2;
	s5 =	sadd.s32 $0x203C00, s5;
	s6 =	smax.u32 s6, $0x1;
	vm0 =	vmxor vm0, vm0;
	[tilespmem:$0x1FFF0] =	vst v1  }
.LBB2_13:
0xc: {  	s12 =	sadd.s32 $0x1, s12  }
0xd: {  	p0 =	sne.s32 s12, s6  }
.Ltmp1:
0xe: {  	_ = 	snop;
	(pc) =	sbr.rel @!p0 .LBB2_14-.Ltmp1, $4  }
0xf: {  	[hbm4b:s5+s2] =	stream.linear.scatter [tilespmem:s10], [sflag:$0x1], $0x1000, $0x38;
	[tilespmem:$0x18800] =	vst v63  }
0x10: {  	_ =	swait.ge [sflag:s7], $0x1000  }
0x11: {  	[sflag:s7] =	ssyncset.done $0x0  }
0x12: {  	v0 =	vimm.f32 $1.000000000e+10;
	[sflag:s7] =	ssyncadd.s32 $0xFFFFF000  }
.LBB2_1:
0x13: {  	[tilespmem:s2], [sflag:$0x1] =	stream.linear.gather [hbm4b:s3+s2], $0x7800, $0x38;
	[tilespmem:$0x18800] =	vst v63  }
0x14: {  	_ =	swait.ge [sflag:s7], $0x7800  }
0x15: {  	[sflag:s7] =	ssyncset.done $0x0  }
0x16: {  	[sflag:s7] =	ssyncadd.s32 $0xFFFF8800  }
0x17: {  	[tilespmem:s8], [sflag:$0x1] =	stream.linear.gather [hbm4b:s4+s2], $0xF000, $0x38;
	[tilespmem:$0x18800] =	vst v63  }
0x18: {  	_ =	swait.ge [sflag:s7], $0xF000  }
0x19: {  	[sflag:s7] =	ssyncset.done $0x0  }
0x1a: {  	s13 =	simm.s32 $0x40;
	s14 =	simm.s32 $0x0;
	[sflag:s7] =	ssyncadd.s32 $0xFFFF1000  }
.LBB2_2:
0x1b: {  	p0 =	sne.s32 s13, $0x3FC0;
	[tilespmem:s14+$0x16800] =	vst v0;
	s14 =	smov.u32 s13;
	s13 =	sadd.s32 $0x40, s13  }
.Ltmp2:
0x1c: {  	(pc) =	sbr.rel @p0 .LBB2_2-.Ltmp2, $2  }
0x1d: {  	_ =	sdelay $0x2  }
0x1e: {  	s14 =	sshra.s32 s14, $0x2  }
0x1f: {  	[tilespmem:s14+$0x16800] =	vst v0;
	v0 =	vld [tilespmem:$0x1FFF0];
	_ =	sdelay $0x4  }
0x20: {  	s14 =	simm.s32 $0x0;
	[tilespmem:s9+$0x16800] =	vst v0  }
0x21: {  	s13 =	simm.s32 $0x0;
	s15 =	simm.s32 $0x40;
	v0 =	vld [tilespmem:s14+$0x16800]  }
.LBB2_4:
0x22: {  	p0 =	sne.s32 s15, $0x3FC0  }
.Ltmp3:
0x23: {  	_ = 	snop;
	(pc) =	sbr.rel @p0 .LBB2_4-.Ltmp3, $3  }
0x24: {  	_ =	sdelay $0x1  }
0x25: {  	[tilespmem:s14+$0x17800] =	vst v0;
	s14 =	sshra.s32 s15, $0x2;
	s15 =	sadd.s32 $0x40, s15  }
0x26: {  	v0 =	vld [tilespmem:s14+$0x16800]  }
.Ltmp4:
0x27: {  	_ = 	snop;
	(pc) =	sbr.rel .LBB2_6-.Ltmp4, $2  }
0x28: {  	_ =	sdelay $0x2  }
0x29: {  	[tilespmem:s14+$0x17800] =	vst v0  }
.LBB2_12:
0x2a: {  	p1 =	sgt.s32 s13, $0x13  }
0x2b: {  	p0 =	por p1, !p0  }
.Ltmp5:
0x2c: {  	_ = 	snop;
	(pc) =	sbr.rel @p0 .LBB2_13-.Ltmp5, $1  }
0x2d: {  	_ =	sdelay $0x3  }
.LBB2_6:
0x2e: {  	s14 =	simm.s32 $0x0;
	s15 =	simm.s32 $0x0;
	vm1 =	vmmov vm0  }
.LBB2_7:
0x2f: {  	v0 =	vld [tilespmem:s14+$0x0];
	_ =	sdelay $0x4  }
0x30: {  	s16 =	sshra.s32 s15, $0x2;
	v1 =	vand.u32 $0xFFFF, v0  }
0x31: {  	v15 =	vld [tilespmem:s16+$0x16800];
	v0 =	vshrl.u32 v0, $0x10  }
0x32: {  	v13 =	vld [tilespmem:s16+$0x16810]  }
0x33: {  	v5 =	vld [tilespmem:s16+$0x7800]  }
0x34: {  	v4 =	vld [tilespmem:s16+$0x7810]  }
0x35: {  	v2 =	vld.idx.msk [tilespmem:v1+s11+$0x0], $0xffff  }
0x36: {  	v3 =	vld.idx.msk [tilespmem:v0+s11+$0x0], $0xffff;
	_ =	sdelay $0x1  }
0x37: {  	v31 =	vadd.f32 v5, v15  }
0x38: {  	v32 =	vadd.f32 v4, v13  }
0x39: {  	vm2 =	vlt.f32 v31, v2  }
0x3a: {  	vm3 =	vlt.f32 v32, v3;
	_ =	sdelay $0x1  }
0x3b: {  	v21 =	vld [tilespmem:s16+$0x17800]  }
0x3c: {  	v22 =	vld [tilespmem:s16+$0x17810]  }
0x3d: {  	v23 =	vld.idx.msk [tilespmem:v1+s10+$0x0], $0xffff  }
0x3e: {  	v24 =	vld.idx.msk [tilespmem:v0+s10+$0x0], $0xffff;
	[tilespmem:v1+s11+$0x0] =	vst.idx.msk vm2, v31  }
0x3f: {  	[tilespmem:v0+s11+$0x0] =	vst.idx.msk vm3, v32  }
0x40: {  	v25 =	vld [tilespmem:s14+$0x800];
	_ =	sdelay $0x4  }
0x41: {  	v26 =	vand.u32 $0xFFFF, v25  }
0x42: {  	v2 =	vshrl.u32 v25, $0x10;
	_ =	sdelay $0x1  }
0x43: {  	v7 =	vld [tilespmem:s16+$0x8800]  }
0x44: {  	v6 =	vld [tilespmem:s16+$0x8810]  }
0x45: {  	v27 =	vld.idx.msk [tilespmem:v26+s11+$0x0], $0xffff  }
0x46: {  	v28 =	vld.idx.msk [tilespmem:v2+s11+$0x0], $0xffff;
	_ =	sdelay $0x1  }
0x47: {  	v39 =	vadd.f32 v7, v15  }
0x48: {  	v37 =	vadd.f32 v6, v13  }
0x49: {  	vm2 =	vlt.f32 v39, v27  }
0x4a: {  	vm3 =	vlt.f32 v37, v28;
	_ =	sdelay $0x1  }
0x4b: {  	v1 =	vld.idx.msk [tilespmem:v1+s11+$0x0], $0xffff  }
0x4c: {  	v0 =	vld.idx.msk [tilespmem:v0+s11+$0x0], $0xffff  }
0x4d: {  	v29 =	vld.idx.msk [tilespmem:v26+s10+$0x0], $0xffff  }
0x4e: {  	v30 =	vld.idx.msk [tilespmem:v2+s10+$0x0], $0xffff;
	[tilespmem:v26+s11+$0x0] =	vst.idx.msk vm2, v39  }
0x4f: {  	[tilespmem:v2+s11+$0x0] =	vst.idx.msk vm3, v37  }
0x50: {  	v33 =	vld [tilespmem:s14+$0x1000];
	_ =	sdelay $0x4  }
0x51: {  	v34 =	vand.u32 $0xFFFF, v33  }
0x52: {  	[tilespmem:$0x1FCB0] =	vst v0;
	v0 =	vshrl.u32 v33, $0x10;
	_ =	sdelay $0x1  }
0x53: {  	v35 =	vld [tilespmem:s16+$0x9800]  }
0x54: {  	v36 =	vld [tilespmem:s16+$0x9810]  }
0x55: {  	v38 =	vld.idx.msk [tilespmem:v34+s11+$0x0], $0xffff  }
0x56: {  	v40 =	vld.idx.msk [tilespmem:v0+s11+$0x0], $0xffff;
	_ =	sdelay $0x1  }
0x57: {  	v45 =	vadd.f32 v35, v15  }
0x58: {  	v44 =	vadd.f32 v36, v13  }
0x59: {  	vm2 =	vlt.f32 v45, v38  }
0x5a: {  	vm3 =	vlt.f32 v44, v40;
	_ =	sdelay $0x1  }
0x5b: {  	v3 =	vld.idx.msk [tilespmem:v26+s11+$0x0], $0xffff  }
0x5c: {  	v2 =	vld.idx.msk [tilespmem:v2+s11+$0x0], $0xffff  }
0x5d: {  	v41 =	vld.idx.msk [tilespmem:v34+s10+$0x0], $0xffff  }
0x5e: {  	v42 =	vld.idx.msk [tilespmem:v0+s10+$0x0], $0xffff;
	[tilespmem:v34+s11+$0x0] =	vst.idx.msk vm2, v45  }
0x5f: {  	[tilespmem:v0+s11+$0x0] =	vst.idx.msk vm3, v44  }
0x60: {  	v43 =	vld [tilespmem:s14+$0x1800];
	_ =	sdelay $0x4  }
0x61: {  	v46 =	vand.u32 $0xFFFF, v43  }
0x62: {  	[tilespmem:$0x1FCD0] =	vst v2;
	v2 =	vshrl.u32 v43, $0x10;
	_ =	sdelay $0x1  }
0x63: {  	v47 =	vld [tilespmem:s16+$0xA800]  }
0x64: {  	v48 =	vld [tilespmem:s16+$0xA810]  }
0x65: {  	v49 =	vld.idx.msk [tilespmem:v46+s11+$0x0], $0xffff  }
0x66: {  	v50 =	vld.idx.msk [tilespmem:v2+s11+$0x0], $0xffff;
	_ =	sdelay $0x1  }
0x67: {  	v53 =	vadd.f32 v47, v15  }
0x68: {  	v52 =	vadd.f32 v48, v13  }
0x69: {  	vm2 =	vlt.f32 v53, v49  }
0x6a: {  	vm3 =	vlt.f32 v52, v50;
	_ =	sdelay $0x1  }
0x6b: {  	[tilespmem:$0x1FCA0] =	vst v1;
	v1 =	vld.idx.msk [tilespmem:v34+s11+$0x0], $0xffff  }
0x6c: {  	v0 =	vld.idx.msk [tilespmem:v0+s11+$0x0], $0xffff  }
0x6d: {  	v55 =	vld.idx.msk [tilespmem:v46+s10+$0x0], $0xffff  }
0x6e: {  	v56 =	vld.idx.msk [tilespmem:v2+s10+$0x0], $0xffff;
	[tilespmem:v46+s11+$0x0] =	vst.idx.msk vm2, v53  }
0x6f: {  	[tilespmem:v2+s11+$0x0] =	vst.idx.msk vm3, v52  }
0x70: {  	v57 =	vld [tilespmem:s14+$0x2000];
	_ =	sdelay $0x4  }
0x71: {  	v58 =	vand.u32 $0xFFFF, v57  }
0x72: {  	v59 =	vshrl.u32 v57, $0x10;
	_ =	sdelay $0x1  }
0x73: {  	v11 =	vld [tilespmem:s16+$0xB800]  }
0x74: {  	v16 =	vld [tilespmem:s16+$0xB810]  }
0x75: {  	v17 =	vld.idx.msk [tilespmem:v58+s11+$0x0], $0xffff  }
0x76: {  	v18 =	vld.idx.msk [tilespmem:v59+s11+$0x0], $0xffff;
	_ =	sdelay $0x1  }
0x77: {  	v61 =	vadd.f32 v11, v15  }
0x78: {  	v60 =	vadd.f32 v16, v13  }
0x79: {  	vm2 =	vlt.f32 v61, v17  }
0x7a: {  	vm3 =	vlt.f32 v60, v18;
	_ =	sdelay $0x1  }
0x7b: {  	v19 =	vld.idx.msk [tilespmem:v46+s11+$0x0], $0xffff  }
0x7c: {  	[tilespmem:$0x1FDE0] =	vst v21;
	v20 =	vld.idx.msk [tilespmem:v2+s11+$0x0], $0xffff  }
0x7d: {  	[tilespmem:$0x1FE30] =	vst v22;
	v21 =	vld.idx.msk [tilespmem:v58+s10+$0x0], $0xffff  }
0x7e: {  	v22 =	vld.idx.msk [tilespmem:v59+s10+$0x0], $0xffff;
	[tilespmem:v58+s11+$0x0] =	vst.idx.msk vm2, v61  }
0x7f: {  	[tilespmem:v59+s11+$0x0] =	vst.idx.msk vm3, v60  }
0x80: {  	[tilespmem:$0x1FD90] =	vst v23;
	v23 =	vld [tilespmem:s14+$0x2800];
	_ =	sdelay $0x4  }
0x81: {  	[tilespmem:$0x1FDB0] =	vst v24;
	v24 =	vand.u32 $0xFFFF, v23  }
0x82: {  	v25 =	vshrl.u32 v23, $0x10;
	_ =	sdelay $0x1  }
0x83: {  	v26 =	vld [tilespmem:s16+$0xC800]  }
0x84: {  	v8 =	vld [tilespmem:s16+$0xC810]  }
0x85: {  	v27 =	vld.idx.msk [tilespmem:v24+s11+$0x0], $0xffff  }
0x86: {  	v28 =	vld.idx.msk [tilespmem:v25+s11+$0x0], $0xffff;
	_ =	sdelay $0x1  }
0x87: {  	[tilespmem:$0x1FCC0] =	vst v3;
	v3 =	vadd.f32 v26, v15  }
0x88: {  	[tilespmem:$0x1FCF0] =	vst v0;
	v0 =	vadd.f32 v8, v13  }
0x89: {  	vm2 =	vlt.f32 v3, v27  }
0x8a: {  	vm3 =	vlt.f32 v0, v28;
	_ =	sdelay $0x1  }
0x8b: {  	[tilespmem:$0x1FCE0] =	vst v1;
	v1 =	vld.idx.msk [tilespmem:v58+s11+$0x0], $0xffff  }
0x8c: {  	[tilespmem:$0x1FDD0] =	vst v29;
	v29 =	vld.idx.msk [tilespmem:v59+s11+$0x0], $0xffff  }
0x8d: {  	[tilespmem:$0x1FE00] =	vst v30;
	v30 =	vld.idx.msk [tilespmem:v24+s10+$0x0], $0xffff  }
0x8e: {  	v33 =	vld.idx.msk [tilespmem:v25+s10+$0x0], $0xffff;
	[tilespmem:v24+s11+$0x0] =	vst.idx.msk vm2, v3  }
0x8f: {  	[tilespmem:v25+s11+$0x0] =	vst.idx.msk vm3, v0  }
0x90: {  	v34 =	vld [tilespmem:s14+$0x3000];
	_ =	sdelay $0x4  }
0x91: {  	[tilespmem:$0x1FE10] =	vst v35;
	v35 =	vand.u32 $0xFFFF, v34  }
0x92: {  	[tilespmem:$0x1FD20] =	vst v1;
	v1 =	vshrl.u32 v34, $0x10;
	_ =	sdelay $0x1  }
0x93: {  	v9 =	vld [tilespmem:s16+$0xD800]  }
0x94: {  	[tilespmem:$0x1FE40] =	vst v36;
	v36 =	vld [tilespmem:s16+$0xD810]  }
0x95: {  	v38 =	vld.idx.msk [tilespmem:v35+s11+$0x0], $0xffff  }
0x96: {  	v40 =	vld.idx.msk [tilespmem:v1+s11+$0x0], $0xffff;
	_ =	sdelay $0x1  }
0x97: {  	v23 =	vadd.f32 v9, v15  }
0x98: {  	v18 =	vadd.f32 v36, v13  }
0x99: {  	vm2 =	vlt.f32 v23, v38  }
0x9a: {  	vm3 =	vlt.f32 v18, v40;
	_ =	sdelay $0x1  }
0x9b: {  	v2 =	vld.idx.msk [tilespmem:v24+s11+$0x0], $0xffff  }
0x9c: {  	[tilespmem:$0x1FE20] =	vst v41;
	v41 =	vld.idx.msk [tilespmem:v25+s11+$0x0], $0xffff  }
0x9d: {  	[tilespmem:$0x1FE50] =	vst v42;
	v42 =	vld.idx.msk [tilespmem:v35+s10+$0x0], $0xffff  }
0x9e: {  	v43 =	vld.idx.msk [tilespmem:v1+s10+$0x0], $0xffff;
	[tilespmem:v35+s11+$0x0] =	vst.idx.msk vm2, v23  }
0x9f: {  	[tilespmem:v1+s11+$0x0] =	vst.idx.msk vm3, v18  }
0xa0: {  	v46 =	vld [tilespmem:s14+$0x3800];
	_ =	sdelay $0x4  }
0xa1: {  	[tilespmem:$0x1FE60] =	vst v47;
	v47 =	vand.u32 $0xFFFF, v46  }
0xa2: {  	[tilespmem:$0x1FD40] =	vst v2;
	v2 =	vshrl.u32 v46, $0x10;
	_ =	sdelay $0x1  }
0xa3: {  	[tilespmem:$0x1FD50] =	vst v41;
	v41 =	vld [tilespmem:s16+$0xE800]  }
0xa4: {  	[tilespmem:$0x1FE70] =	vst v55;
	v55 =	vld [tilespmem:s16+$0xE810]  }
0xa5: {  	[tilespmem:$0x1FE90] =	vst v56;
	v56 =	vld.idx.msk [tilespmem:v47+s11+$0x0], $0xffff  }
0xa6: {  	v57 =	vld.idx.msk [tilespmem:v2+s11+$0x0], $0xffff;
	_ =	sdelay $0x1  }
0xa7: {  	[tilespmem:$0x1FF50] =	vst v43;
	v43 =	vadd.f32 v41, v15  }
0xa8: {  	[tilespmem:$0x1FF40] =	vst v36;
	v36 =	vadd.f32 v55, v13  }
0xa9: {  	vm2 =	vlt.f32 v43, v56  }
0xaa: {  	vm3 =	vlt.f32 v36, v57;
	_ =	sdelay $0x1  }
0xab: {  	[tilespmem:$0x1FDA0] =	vst v4;
	v4 =	vld.idx.msk [tilespmem:v35+s11+$0x0], $0xffff  }
0xac: {  	v1 =	vld.idx.msk [tilespmem:v1+s11+$0x0], $0xffff  }
0xad: {  	v58 =	vld.idx.msk [tilespmem:v47+s10+$0x0], $0xffff  }
0xae: {  	v59 =	vld.idx.msk [tilespmem:v2+s10+$0x0], $0xffff;
	[tilespmem:v47+s11+$0x0] =	vst.idx.msk vm2, v43  }
0xaf: {  	[tilespmem:v2+s11+$0x0] =	vst.idx.msk vm3, v36  }
0xb0: {  	v62 =	vld [tilespmem:s14+$0x4000];
	_ =	sdelay $0x4  }
0xb1: {  	v63 =	vand.u32 $0xFFFF, v62  }
0xb2: {  	[tilespmem:$0x1FD70] =	vst v1;
	v1 =	vshrl.u32 v62, $0x10;
	_ =	sdelay $0x1  }
0xb3: {  	v49 =	vld [tilespmem:s16+$0xF800]  }
0xb4: {  	[tilespmem:$0x1FE80] =	vst v48;
	v48 =	vld [tilespmem:s16+$0xF810]  }
0xb5: {  	[tilespmem:$0x1FD80] =	vst v5;
	v5 =	vld.idx.msk [tilespmem:v63+s11+$0x0], $0xffff  }
0xb6: {  	[tilespmem:$0x1FEA0] =	vst v11;
	v11 =	vld.idx.msk [tilespmem:v1+s11+$0x0], $0xffff;
	_ =	sdelay $0x1  }
0xb7: {  	[tilespmem:$0x1FF70] =	vst v55;
	v55 =	vadd.f32 v49, v15  }
0xb8: {  	v51 =	vadd.f32 v48, v13  }
0xb9: {  	vm2 =	vlt.f32 v55, v5  }
0xba: {  	vm3 =	vlt.f32 v51, v11;
	_ =	sdelay $0x1  }
0xbb: {  	[tilespmem:$0x1FF20] =	vst v9;
	v9 =	vld.idx.msk [tilespmem:v47+s11+$0x0], $0xffff  }
0xbc: {  	[tilespmem:$0x1FDF0] =	vst v6;
	v10 =	vld.idx.msk [tilespmem:v2+s11+$0x0], $0xffff  }
0xbd: {  	[tilespmem:$0x1FF00] =	vst v8;
	v6 =	vld.idx.msk [tilespmem:v63+s10+$0x0], $0xffff  }
0xbe: {  	v8 =	vld.idx.msk [tilespmem:v1+s10+$0x0], $0xffff;
	[tilespmem:v63+s11+$0x0] =	vst.idx.msk vm2, v55  }
0xbf: {  	[tilespmem:v1+s11+$0x0] =	vst.idx.msk vm3, v51  }
0xc0: {  	v11 =	vld [tilespmem:s14+$0x4800];
	_ =	sdelay $0x4  }
0xc1: {  	[tilespmem:$0x1FEC0] =	vst v16;
	v16 =	vand.u32 $0xFFFF, v11  }
0xc2: {  	v17 =	vshrl.u32 v11, $0x10;
	_ =	sdelay $0x1  }
0xc3: {  	v57 =	vld [tilespmem:s16+$0x10800]  }
0xc4: {  	v56 =	vld [tilespmem:s16+$0x10810]  }
0xc5: {  	v24 =	vld.idx.msk [tilespmem:v16+s11+$0x0], $0xffff  }
0xc6: {  	v25 =	vld.idx.msk [tilespmem:v17+s11+$0x0], $0xffff;
	_ =	sdelay $0x1  }
0xc7: {  	v54 =	vadd.f32 v57, v15  }
0xc8: {  	[tilespmem:$0x1FF80] =	vst v59;
	v59 =	vadd.f32 v56, v13  }
0xc9: {  	vm2 =	vlt.f32 v54, v24  }
0xca: {  	vm3 =	vlt.f32 v59, v25;
	_ =	sdelay $0x1  }
0xcb: {  	[tilespmem:$0x1FD60] =	vst v4;
	v4 =	vld.idx.msk [tilespmem:v63+s11+$0x0], $0xffff  }
0xcc: {  	v5 =	vld.idx.msk [tilespmem:v1+s11+$0x0], $0xffff  }
0xcd: {  	[tilespmem:$0x1FEE0] =	vst v26;
	v26 =	vld.idx.msk [tilespmem:v16+s10+$0x0], $0xffff  }
0xce: {  	v27 =	vld.idx.msk [tilespmem:v17+s10+$0x0], $0xffff;
	[tilespmem:v16+s11+$0x0] =	vst.idx.msk vm2, v54  }
0xcf: {  	[tilespmem:v17+s11+$0x0] =	vst.idx.msk vm3, v59  }
0xd0: {  	v28 =	vld [tilespmem:s14+$0x5000];
	_ =	sdelay $0x4  }
0xd1: {  	[tilespmem:$0x1FD30] =	vst v29;
	v29 =	vand.u32 $0xFFFF, v28  }
0xd2: {  	[tilespmem:$0x1FEF0] =	vst v30;
	v30 =	vshrl.u32 v28, $0x10;
	_ =	sdelay $0x1  }
0xd3: {  	v2 =	vld [tilespmem:s16+$0x11800]  }
0xd4: {  	v1 =	vld [tilespmem:s16+$0x11810]  }
0xd5: {  	v14 =	vld.idx.msk [tilespmem:v29+s11+$0x0], $0xffff  }
0xd6: {  	[tilespmem:$0x1FD10] =	vst v20;
	v20 =	vld.idx.msk [tilespmem:v30+s11+$0x0], $0xffff;
	_ =	sdelay $0x1  }
0xd7: {  	v62 =	vadd.f32 v2, v15  }
0xd8: {  	v63 =	vadd.f32 v1, v13  }
0xd9: {  	vm2 =	vlt.f32 v62, v14  }
0xda: {  	vm3 =	vlt.f32 v63, v20;
	_ =	sdelay $0x1  }
0xdb: {  	[tilespmem:$0x1FF60] =	vst v58;
	v58 =	vld.idx.msk [tilespmem:v16+s11+$0x0], $0xffff  }
0xdc: {  	v47 =	vld.idx.msk [tilespmem:v17+s11+$0x0], $0xffff  }
0xdd: {  	v46 =	vld.idx.msk [tilespmem:v29+s10+$0x0], $0xffff  }
0xde: {  	v50 =	vld.idx.msk [tilespmem:v30+s10+$0x0], $0xffff;
	[tilespmem:v29+s11+$0x0] =	vst.idx.msk vm2, v62  }
0xdf: {  	[tilespmem:v30+s11+$0x0] =	vst.idx.msk vm3, v63  }
0xe0: {  	v16 =	vld [tilespmem:s14+$0x5800];
	_ =	sdelay $0x4  }
0xe1: {  	[tilespmem:$0x1FFD0] =	vst v46;
	v46 =	vand.u32 $0xFFFF, v16  }
0xe2: {  	[tilespmem:$0x1FF90] =	vst v6;
	v6 =	vshrl.u32 v16, $0x10;
	_ =	sdelay $0x1  }
0xe3: {  	v14 =	vld [tilespmem:s16+$0x12800]  }
0xe4: {  	[tilespmem:$0x1FFA0] =	vst v8;
	v8 =	vld [tilespmem:s16+$0x12810]  }
0xe5: {  	v17 =	vld.idx.msk [tilespmem:v46+s11+$0x0], $0xffff  }
0xe6: {  	[tilespmem:$0x1FFB0] =	vst v26;
	v26 =	vld.idx.msk [tilespmem:v6+s11+$0x0], $0xffff;
	_ =	sdelay $0x1  }
0xe7: {  	[tilespmem:$0x1FF30] =	vst v42;
	v42 =	vadd.f32 v14, v15  }
0xe8: {  	v38 =	vadd.f32 v8, v13  }
0xe9: {  	vm2 =	vlt.f32 v42, v17  }
0xea: {  	vm3 =	vlt.f32 v38, v26;
	_ =	sdelay $0x1  }
0xeb: {  	[tilespmem:$0x1FF10] =	vst v33;
	v33 =	vld.idx.msk [tilespmem:v29+s11+$0x0], $0xffff  }
0xec: {  	[tilespmem:$0x1FFC0] =	vst v27;
	v27 =	vld.idx.msk [tilespmem:v30+s11+$0x0], $0xffff  }
0xed: {  	v11 =	vld.idx.msk [tilespmem:v46+s10+$0x0], $0xffff  }
0xee: {  	v20 =	vld.idx.msk [tilespmem:v6+s10+$0x0], $0xffff;
	[tilespmem:v46+s11+$0x0] =	vst.idx.msk vm2, v42  }
0xef: {  	[tilespmem:v6+s11+$0x0] =	vst.idx.msk vm3, v38  }
0xf0: {  	v28 =	vld [tilespmem:s14+$0x6000];
	_ =	sdelay $0x4  }
0xf1: {  	v24 =	vand.u32 $0xFFFF, v28  }
0xf2: {  	v25 =	vshrl.u32 v28, $0x10;
	_ =	sdelay $0x1  }
0xf3: {  	v30 =	vld [tilespmem:s16+$0x13800]  }
0xf4: {  	v26 =	vld [tilespmem:s16+$0x13810]  }
0xf5: {  	v29 =	vld.idx.msk [tilespmem:v24+s11+$0x0], $0xffff  }
0xf6: {  	[tilespmem:$0x1FFE0] =	vst v50;
	v50 =	vld.idx.msk [tilespmem:v25+s11+$0x0], $0xffff;
	_ =	sdelay $0x1  }
0xf7: {  	[tilespmem:$0x1FED0] =	vst v22;
	v22 =	vadd.f32 v30, v15  }
0xf8: {  	[tilespmem:$0x1FEB0] =	vst v21;
	v21 =	vadd.f32 v26, v13  }
0xf9: {  	vm2 =	vlt.f32 v22, v29  }
0xfa: {  	vm3 =	vlt.f32 v21, v50;
	_ =	sdelay $0x1  }
0xfb: {  	v28 =	vld.idx.msk [tilespmem:v46+s11+$0x0], $0xffff  }
0xfc: {  	[tilespmem:$0x1FDC0] =	vst v7;
	v7 =	vld.idx.msk [tilespmem:v25+s10+$0x0], $0xffff  }
0xfd: {  	v29 =	vld.idx.msk [tilespmem:v6+s11+$0x0], $0xffff  }
0xfe: {  	v6 =	vld.idx.msk [tilespmem:v24+s10+$0x0], $0xffff;
	[tilespmem:v24+s11+$0x0] =	vst.idx.msk vm2, v22  }
0xff: {  	[tilespmem:v25+s11+$0x0] =	vst.idx.msk vm3, v21  }
0x100: {  	v34 =	vld [tilespmem:s14+$0x6800];
	_ =	sdelay $0x4  }
0x101: {  	v17 =	vshrl.u32 v34, $0x10;
	_ =	sdelay $0x2  }
0x102: {  	v46 =	vld [tilespmem:s16+$0x14810];
	_ =	sdelay $0x1  }
0x103: {  	v35 =	vld.idx.msk [tilespmem:v17+s11+$0x0], $0xffff;
	_ =	sdelay $0x2  }
0x104: {  	v40 =	vadd.f32 v46, v13;
	_ =	sdelay $0x1  }
0x105: {  	vm3 =	vlt.f32 v40, v35;
	v35 =	vld [tilespmem:$0x1FCA0]  }
0x106: {  	[tilespmem:$0x1FD00] =	vst v19;
	v19 =	vand.u32 $0xFFFF, v34;
	_ =	sdelay $0x2  }
0x107: {  	v50 =	vld [tilespmem:s16+$0x14800]  }
0x108: {  	vm4 =	vlt.f32 v31, v35;
	v35 =	vld [tilespmem:$0x1FCB0]  }
0x109: {  	v34 =	vld.idx.msk [tilespmem:v19+s11+$0x0], $0xffff;
	_ =	sdelay $0x2  }
0x10a: {  	v16 =	vadd.f32 v50, v15  }
0x10b: {  	vm5 =	vlt.f32 v32, v35;
	v32 =	vld [tilespmem:$0x1FCC0]  }
0x10c: {  	vm2 =	vlt.f32 v16, v34;
	_ =	sdelay $0x1  }
0x10d: {  	v24 =	vld.idx.msk [tilespmem:v24+s11+$0x0], $0xffff  }
0x10e: {  	v25 =	vld.idx.msk [tilespmem:v25+s11+$0x0], $0xffff  }
0x10f: {  	vm6 =	vlt.f32 v39, v32;
	v39 =	vld [tilespmem:$0x1FCD0]  }
0x110: {  	v34 =	vld.idx.msk [tilespmem:v19+s10+$0x0], $0xffff  }
0x111: {  	v31 =	vld.idx.msk [tilespmem:v17+s10+$0x0], $0xffff;
	[tilespmem:v19+s11+$0x0] =	vst.idx.msk vm2, v16  }
0x112: {  	vm12 =	vlt.f32 v36, v10;
	v36 =	vld [tilespmem:$0x1FEE0];
	[tilespmem:v17+s11+$0x0] =	vst.idx.msk vm3, v40  }
0x113: {  	v32 =	vld [tilespmem:s14+$0x7000]  }
0x114: {  	vm2 =	vlt.f32 v37, v39;
	v37 =	vld [tilespmem:$0x1FCE0]  }
0x115: {  	v39 =	vld [tilespmem:$0x1FCF0]  }
0x116: {  	vm13 =	vlt.f32 v51, v5;
	v51 =	vld [tilespmem:$0x1FDB0]  }
0x117: {  	vm14 =	vlt.f32 v59, v47;
	v47 =	vld [tilespmem:$0x1FD80]  }
0x118: {  	v59 =	vld [tilespmem:$0x1FE10];
	v35 =	vand.u32 $0xFFFF, v32  }
0x119: {  	vm3 =	vlt.f32 v45, v37;
	v45 =	vld [tilespmem:$0x1FD10]  }
0x11a: {  	vm15 =	vlt.f32 v44, v39;
	v44 =	vld [tilespmem:$0x1FD00]  }
0x11b: {  	v37 =	vld [tilespmem:$0x1FD70]  }
0x11c: {  	vm7 =	vlt.f32 v22, v24;
	v24 =	vld [tilespmem:$0x1FE70];
	vm4 =	vmor vm4, vm5  }
0x11d: {  	vm4 =	vmor vm4, vm6;
	v39 =	vld.idx.msk [tilespmem:v35+s11+$0x0], $0xffff  }
0x11e: {  	vm2 =	vmor vm4, vm2;
	vm8 =	vlt.f32 v52, v45;
	v52 =	vld [tilespmem:$0x1FD20]  }
0x11f: {  	vm2 =	vmor vm2, vm3;
	vm3 =	vlt.f32 v53, v44;
	v53 =	vld [tilespmem:$0x1FD30]  }
0x120: {  	vm11 =	vlt.f32 v18, v37;
	v18 =	vld [tilespmem:s16+$0x15810]  }
0x121: {  	v44 =	vld.idx.msk [tilespmem:v19+s11+$0x0], $0xffff  }
0x122: {  	v45 =	vld.idx.msk [tilespmem:v17+s11+$0x0], $0xffff  }
0x123: {  	vm2 =	vmor vm2, vm15;
	v37 =	vld [tilespmem:$0x1FEF0]  }
0x124: {  	vm2 =	vmor vm2, vm3;
	vm9 =	vlt.f32 v60, v53;
	v60 =	vld [tilespmem:$0x1FD40]  }
0x125: {  	vm2 =	vmor vm2, vm8;
	vm8 =	vlt.f32 v21, v25;
	v25 =	vld [tilespmem:$0x1FE80]  }
0x126: {  	vm3 =	vlt.f32 v61, v52;
	v61 =	vld [tilespmem:$0x1FD50]  }
0x127: {  	v5 =	vadd.f32 v18, v13;
	v13 =	vld.idx.msk [tilespmem:v35+s10+$0x0], $0xffff  }
0x128: {  	v52 =	vld [tilespmem:$0x1FDC0]  }
0x129: {  	vm2 =	vmor vm2, vm3;
	vm3 =	vlt.f32 v3, v60;
	v3 =	vshrl.u32 v32, $0x10;
	v32 =	vld [tilespmem:$0x1FD60]  }
0x12a: {  	v53 =	vld [tilespmem:$0x1FDD0]  }
0x12b: {  	vm10 =	vlt.f32 v0, v61;
	v0 =	vld [tilespmem:s16+$0x15800]  }
0x12c: {  	vm2 =	vmor vm2, vm9;
	v60 =	vld [tilespmem:$0x1FE20]  }
0x12d: {  	v61 =	vld [tilespmem:$0x1FE30];
	vm2 =	vmor vm2, vm3  }
0x12e: {  	vm2 =	vmor vm2, vm10;
	vm3 =	vlt.f32 v23, v32;
	v23 =	vld [tilespmem:$0x1FE60]  }
0x12f: {  	v32 =	vld [tilespmem:$0x1FEC0];
	vm2 =	vmor vm2, vm3  }
0x130: {  	vm3 =	vlt.f32 v43, v9;
	v43 =	vld.idx.msk [tilespmem:v3+s11+$0x0], $0xffff;
	vm2 =	vmor vm2, vm11  }
0x131: {  	vm2 =	vmor vm2, vm3;
	vm3 =	vlt.f32 v55, v4;
	v4 =	vadd.f32 v0, v15;
	v15 =	vld [tilespmem:$0x1FD90]  }
0x132: {  	v55 =	vld [tilespmem:$0x1FDF0];
	vm2 =	vmor vm2, vm12  }
0x133: {  	vm2 =	vmor vm2, vm3;
	vm3 =	vlt.f32 v54, v58;
	v54 =	vld [tilespmem:$0x1FDE0]  }
0x134: {  	v58 =	vld [tilespmem:$0x1FE00]  }
0x135: {  	vm15 =	vlt.f32 v4, v39;
	v39 =	vld [tilespmem:$0x1FF10]  }
0x136: {  	vm2 =	vmor vm2, vm13;
	vm13 =	vlt.f32 v63, v27;
	v63 =	vld [tilespmem:$0x1FE50]  }
0x137: {  	v27 =	vld [tilespmem:$0x1FE90]  }
0x138: {  	vm12 =	vlt.f32 v5, v43;
	v43 =	vld [tilespmem:$0x1FF40]  }
0x139: {  	vm2 =	vmor vm2, vm3;
	vm3 =	vlt.f32 v62, v33;
	v62 =	vld [tilespmem:$0x1FE40]  }
0x13a: {  	v10 =	vadd.f32 v15, v47;
	v15 =	vld [tilespmem:$0x1FDA0]  }
0x13b: {  	v33 =	vld [tilespmem:$0x1FED0];
	vm2 =	vmor vm2, vm14  }
0x13c: {  	vm14 =	vlt.f32 v38, v29;
	v29 =	vld [tilespmem:$0x1FEB0];
	vm2 =	vmor vm2, vm3  }
0x13d: {  	v38 =	vld [tilespmem:$0x1FF00];
	vm3 =	vlt.f32 v42, v28;
	vm2 =	vmor vm2, vm13  }
0x13e: {  	v19 =	vadd.f32 v60, v59;
	v47 =	vld [tilespmem:$0x1FF70];
	v10 =	vmin.f32 v54, v10;
	vm3 =	vmor vm2, vm3  }
0x13f: {  	v28 =	vld [tilespmem:$0x1FEA0];
	vm2 =	vlt.f32 v16, v44;
	v16 =	vadd.f32 v53, v52;
	v15 =	vadd.f32 v51, v15  }
0x140: {  	v42 =	vld [tilespmem:$0x1FF30];
	v17 =	vadd.f32 v58, v55;
	vm4 =	vmor vm3, vm14;
	vm3 =	vlt.f32 v40, v45  }
0x141: {  	v40 =	vld [tilespmem:$0x1FF20];
	v10 =	vmin.f32 v10, v16;
	v16 =	vadd.f32 v63, v62;
	v15 =	vmin.f32 v61, v15  }
0x142: {  	v44 =	vld [tilespmem:$0x1FF50];
	v15 =	vmin.f32 v15, v17;
	v17 =	vadd.f32 v24, v23  }
0x143: {  	v51 =	vld [tilespmem:$0x1FF80];
	v10 =	vmin.f32 v10, v19;
	v15 =	vmin.f32 v15, v16;
	v16 =	vadd.f32 v27, v25  }
0x144: {  	v53 =	vld [tilespmem:$0x1FFA0];
	v19 =	vadd.f32 v29, v28;
	v10 =	vmin.f32 v10, v17;
	v17 =	vadd.f32 v33, v32  }
0x145: {  	v21 =	vadd.f32 v37, v36;
	v54 =	vld [tilespmem:$0x1FFB0];
	v15 =	vmin.f32 v15, v16;
	v16 =	vadd.f32 v39, v38  }
0x146: {  	v55 =	vld [tilespmem:$0x1FFC0];
	v10 =	vmin.f32 v10, v19;
	v15 =	vmin.f32 v15, v17;
	v17 =	vadd.f32 v42, v40  }
0x147: {  	v9 =	vld.idx.msk [tilespmem:v3+s10+$0x0], $0xffff;
	v10 =	vmin.f32 v10, v21;
	v15 =	vmin.f32 v15, v16;
	v16 =	vadd.f32 v44, v43  }
0x148: {  	v45 =	vld [tilespmem:$0x1FF60];
	v10 =	vmin.f32 v10, v17;
	v17 =	vadd.f32 v51, v47  }
0x149: {  	v11 =	vadd.f32 v11, v14;
	v52 =	vld [tilespmem:$0x1FF90];
	v15 =	vmin.f32 v15, v16;
	v16 =	vadd.f32 v53, v48  }
0x14a: {  	v8 =	vadd.f32 v20, v8;
	v15 =	vmin.f32 v15, v17;
	v17 =	vadd.f32 v54, v57;
	v57 =	vld [tilespmem:$0x1FFE0]  }
0x14b: {  	v7 =	vadd.f32 v7, v26;
	v15 =	vmin.f32 v15, v16;
	v16 =	vadd.f32 v55, v56;
	v56 =	vld [tilespmem:$0x1FFD0]  }
0x14c: {  	v6 =	vadd.f32 v6, v30;
	v59 =	vadd.f32 v34, v50  }
0x14d: {  	v0 =	vadd.f32 v13, v0;
	[tilespmem:v35+s11+$0x0] =	vst.idx.msk vm15, v4;
	v19 =	vadd.f32 v45, v41  }
0x14e: {  	[tilespmem:v3+s11+$0x0] =	vst.idx.msk vm12, v5;
	vm4 =	vmor vm4, vm7;
	v62 =	vadd.f32 v9, v18;
	v21 =	vadd.f32 v52, v49  }
0x14f: {  	v58 =	vld.idx.msk [tilespmem:v35+s11+$0x0], $0xffff;
	vm4 =	vmor vm4, vm8;
	v10 =	vmin.f32 v10, v19;
	v1 =	vadd.f32 v57, v1  }
0x150: {  	v3 =	vld.idx.msk [tilespmem:v3+s11+$0x0], $0xffff;
	v10 =	vmin.f32 v10, v21;
	v14 =	vmin.f32 v15, v16;
	v2 =	vadd.f32 v56, v2  }
0x151: {  	v13 =	vld [tilespmem:s16+$0x17810];
	v61 =	vadd.f32 v31, v46;
	v10 =	vmin.f32 v10, v17;
	v1 =	vmin.f32 v14, v1  }
0x152: {  	v60 =	vld [tilespmem:s16+$0x17800];
	vm2 =	vmor vm4, vm2;
	v2 =	vmin.f32 v10, v2;
	v1 =	vmin.f32 v1, v8  }
0x153: {  	p0 =	sne.s32 s15, $0x3F80;
	vm2 =	vmor vm2, vm3;
	v2 =	vmin.f32 v2, v11;
	v1 =	vmin.f32 v1, v7  }
.Ltmp6:
0x154: {  	vm3 =	vlt.f32 v4, v58;
	v2 =	vmin.f32 v2, v6;
	v1 =	vmin.f32 v1, v61;
	(pc) =	sbr.rel @p0 .LBB2_7-.Ltmp6, $4  }
0x155: {  	vm15 =	vlt.f32 v5, v3;
	v2 =	vmin.f32 v2, v59;
	v1 =	vmin.f32 v1, v62  }
0x156: {  	vm2 =	vmor vm2, vm3;
	v0 =	vmin.f32 v2, v0;
	v63 =	vmin.f32 v13, v1  }
0x157: {  	vm2 =	vmor vm2, vm15;
	v0 =	vmin.f32 v60, v0;
	[tilespmem:s16+$0x17810] =	vst v63  }
0x158: {  	s15 =	sadd.s32 $0x80, s15;
	s14 =	sadd.s32 $0x10, s14;
	vm1 =	vmor vm1, vm2;
	[tilespmem:s16+$0x17800] =	vst v0  }
0x159: {  	v0 =	vimm.f32 $0.0e+00  }
0x15a: {  	v0 =	vsel vm1, $0x3F800000, v0  }
0x15b: {  	(xrf0) =	vmax.scan.msk.f32 $0xffff, v0;
	_ =	sdelay $0x5  }
0x15c: {  	v0, _, _ =	vpop (xrf0)  }
0x15d: {  	(v2sf) =	vpush v0, $0xF;
	_ =	sdelay $0xe  }
0x15e: {  	s14 =	spop (v2sf)  }
0x15f: {  	p1 =	sgt.f32 s14, $0.0e+00  }
.Ltmp7:
0x160: {  	_ = 	snop;
	(pc) =	sbr.rel @p1 .LBB2_12-.Ltmp7, $2  }
0x161: {  	_ =	sdelay $0x2  }
0x162: {  	p0 =	por $0x1, $0x1  }
0x163: {  	s15 =	simm.s32 $0x0  }
0x164: {  	v0 =	vld [tilespmem:s15+$0x17800]  }
0x165: {  	v1 =	vld [tilespmem:s15+$0x16800];
	_ =	sdelay $0x3  }
0x166: {  	s14 =	simm.s32 $0x10;
	[tilespmem:s15+$0x16800] =	vst v0  }
0x167: {  	vm1 =	vlt.f32 v0, v1;
	vm2 =	vgt.f32 v0, v1;
	v0 =	vld [tilespmem:s14+$0x17800]  }
0x168: {  	vm1 =	vmor vm2, vm1;
	v2 =	vld [tilespmem:s14+$0x16800]  }
0x169: {  	v1 =	vimm.s32 $0x0;
	s15 =	simm.s32 $0x80;
	v3 =	vsel vm1, $0x1, v12  }
.LBB2_10:
0x16a: {  	p0 =	sne.s32 s15, $0x3FC0;
	vm1 =	vgt.s32 v1, v3;
	s16 =	smov.u32 s15;
	s15 =	sadd.s32 $0x40, s15  }
.Ltmp8:
0x16b: {  	v1 =	vsel vm1, v1, v3;
	(pc) =	sbr.rel @p0 .LBB2_10-.Ltmp8, $4  }
0x16c: {  	[tilespmem:s14+$0x16800] =	vst v0;
	s14 =	sshra.s32 s16, $0x2  }
0x16d: {  	vm1 =	vlt.f32 v0, v2;
	vm2 =	vgt.f32 v0, v2;
	v0 =	vld [tilespmem:s14+$0x17800]  }
0x16e: {  	v2 =	vld [tilespmem:s14+$0x16800];
	vm1 =	vmor vm2, vm1  }
0x16f: {  	v3 =	vsel vm1, $0x1, v12  }
0x170: {  	_ =	sdelay $0x2  }
0x171: {  	vm1 =	vlt.f32 v0, v2;
	vm2 =	vgt.f32 v0, v2  }
0x172: {  	vm1 =	vmor vm2, vm1;
	vm2 =	vgt.s32 v1, v3  }
0x173: {  	v1 =	vsel vm2, v1, v3;
	v63 =	vsel vm1, $0x1, v12  }
0x174: {  	vm1 =	vgt.s32 v1, v63  }
0x175: {  	v1 =	vsel vm1, v1, v63  }
0x176: {  	v1 =	vor.u32 $0x80000000, v1  }
0x177: {  	(xrf0) =	vmax.scan.msk.u32 $0xffff, v1;
	_ =	sdelay $0x5  }
0x178: {  	v1, _, _ =	vpop (xrf0)  }
0x179: {  	(v2sf) =	vpush v1, $0xF;
	_ =	sdelay $0xb  }
.Ltmp9:
0x17a: {  	_ = 	snop;
	(pc) =	sbr.rel .LBB2_12-.Ltmp9, $3  }
0x17b: {  	_ =	sdelay $0x1  }
0x17c: {  	s15 =	spop (v2sf)  }
0x17d: {  	s13 =	sadd.s32 $0x1, s13;
	[tilespmem:s14+$0x16800] =	vst v0;
	p0 =	sgt.u32 s15, $0x80000000  }
.LBB2_14:
0x17e: {  	_ =	sfence.sel $0x180000  }
0x17f: {  	[bflag:$0x0] =	sbarrier.arrive $0xFFFF  }
0x180: {  	p0 =	sne.s32 s1, $0x0;
	_ =	strace $0x9000004A  }
0x181: {  	s0 =	sadd.s32 @!p0 $0x100000, s0;
	[bflag:$0x2] =	sbarrier.arrive $0xFFFF  }
0x182: {  	[sflag:s0] =	ssyncadd.tile.s32 @!p0 $0x1;
	_ =	shalt  }
.Lfunc_end2:
_tile_overlayer_lowered:
.L_overlay_start_2:
0x183: {  	(tag) =	ssettag $0x2  }
0x184: {  	s0 =	rddreg [dreg:$0x0];
	s2 =	stileid.u32  }
0x185: {  	s1 =	rddreg [dreg:$0x1];
	p0 =	sne.s32 s2, $0x0  }
0x186: {  	s3 =	rddreg [dreg:$0x2];
	[bflag:$0x3] =	sbarrier.arrive $0xFFFF;
	s2 =	simm.s32 @!p0 $0x1C01  }
0x187: {  	[timem:s3], [sflag:s2] =	dma.local @!p0 [hbm:s0], s1  }
0x188: {  	s0 =	simm.s32 @!p0 $0x1  }
0x189: {  	_ =	swait.ge @!p0 [sflag:s0], s1  }
0x18a: {  	s1 =	ssub.s32 @!p0 $0x0, s1;
	[sflag:s0] =	ssyncset.done @!p0 $0x0  }
0x18b: {  	[sflag:s0] =	ssyncadd.s32 @!p0 s1  }
0x18c: {  	[bflag:$0x3] =	sbarrier.arrive $0xFFFF  }
0x18d: {  	_ =	shalt  }

// kernel: kernel.7.cloned.1.call-start
scs
__scs_entry_jumppad:
0x0: {  	(pc) =	sbr.rel $0x88, $3  }
0x1: {  	(tag) =	ssettag $0x0;
	lr =	simm.s32 $0x1  }
0x2: {  	[smem:$0x3FA0] =	sst lr;
	_ =	strace $0xD0000000  }
0x3: {  	_ = 	snop  }
0x4: {  	_ = 	snop  }
0x5: {  	_ = 	snop  }
0x6: {  	_ = 	snop  }
0x7: {  	_ = 	snop  }
__scs_overlays_trampoline_lowered:
0x8: {  	[smem:$0x3FAF] =	sst s0  }
0x9: {  	[smem:$0x3FB0] =	sst s1  }
0xa: {  	[smem:$0x3FB1] =	sst s2  }
0xb: {  	[smem:$0x3FB2] =	sst s3  }
0xc: {  	[smem:$0x3FB3] =	sst s4  }
0xd: {  	[smem:$0x3FB4] =	sst s5  }
0xe: {  	[smem:$0x3FB5] =	sst s6  }
0xf: {  	[smem:$0x3FB6] =	sst s7  }
0x10: {  	[smem:$0x3FB7] =	sst s8  }
0x11: {  	[smem:$0x3FB8] =	sst s9;
	s0 =	simm.s32 @!p0 $0x0  }
0x12: {  	s1 =	sld [smem:$0x3F9E];
	s0 =	simm.s32 @p0 $0x1  }
0x13: {  	[smem:$0x3FB9] =	sst s0;
	s0 =	simm.s32 @!p1 $0x0  }
0x14: {  	s2 =	sld [smem:$0x3F9D];
	s0 =	simm.s32 @p1 $0x1  }
0x15: {  	[smem:$0x3FBA] =	sst s0;
	s0 =	simm.s32 @!p2 $0x0  }
0x16: {  	s3 =	sld [smem:$0x3FDB];
	s0 =	simm.s32 @p2 $0x1  }
0x17: {  	s4 =	simm.s32 $0x1BF5;
	[smem:$0x3FBC] =	sst s0  }
0x18: {  	s0 =	sld [smem:$0x3F9F];
	_ =	swait.ge [sflag:s4], $0x0  }
0x19: {  	s7 =	sld [smem:$0x3FA0]  }
0x1a: {  	s8 =	sadd.s32 $0xFFFFE003, lr  }
0x1b: {  	s9 =	sadd.s32 $0xFFFFFEF7, lr;
	s5 =	simm.s32 $0xFFFFFFFF;
	p2 =	slt.u32 s8, $0xFFFFF086  }
0x1c: {  	p1 =	slt.u32 s9, $0xF7A;
	s5 =	simm.s32 @!p2 $0x0  }
0x1d: {  	s5 =	simm.s32 @p1 $0x1;
	p0 =	seq.s32 s7, s2  }
0x1e: {  	s7 =	smul.u32 @!p0 $0xF7A, s2;
	p2 =	seq.s32 @!p0 s5, $0x0  }
0x1f: {  	s9 =	smul.u32 $0xF7A, s1;
	s8 =	simm.s32 @!p0 $0x1BF5;
	p2 =	por !p2, p0  }
0x20: {  	[sflag:s8] =	ssyncset.s32 @!p0 $0xFFFFF086;
	s6 =	sadd.s32 @!p0 s3, s7;
	s7 =	simm.s32 @!p0 $0x108  }
0x21: {  	s3 =	sadd.s32 s3, s9;
	s6 =	sadd.s32 @!p0 $0x88, s6;
	s7 =	simm.s32 @p2 $0x1082  }
0x22: {  	[simem:s7], [sflag:s8] =	dma.local @!p0 [hbm:s6], $0xF7A  }
0x23: {  	s9 =	sor.u32 $0xD0000000, s2;
	s6 =	simm.s32 $0x108;
	_ =	swait.ge @!p0 [sflag:s8], $0x0  }
0x24: {  	s3 =	sadd.s32 $0x88, s3;
	s6 =	simm.s32 @!p1 $0x1082;
	[sflag:s4] =	ssyncset.s32 $0xFFFFF086  }
0x25: {  	[simem:s6], [sflag:s4] =	dma.local [hbm:s3], $0xF7A  }
0x26: {  	[smem:$0x3FA0] =	sst s1;
	(tag) =	ssettag s2;
	_ =	strace s9  }
0x27: {  	s1 =	sld [smem:$0x3FB0]  }
0x28: {  	s2 =	sld [smem:$0x3FB1]  }
0x29: {  	s4 =	sld [smem:$0x3FB3]  }
0x2a: {  	p0 =	seq.s32 s5, $0x0;
	s5 =	sld [smem:$0x3FB4]  }
0x2b: {  	s6 =	sld [smem:$0x3FB5]  }
0x2c: {  	s7 =	sld [smem:$0x3FB6]  }
0x2d: {  	s3 =	simm.s32 $0x108;
	s8 =	sld [smem:$0x3FB7]  }
0x2e: {  	s3 =	simm.s32 @!p0 $0x1082;
	s9 =	sld [smem:$0x3FB8]  }
0x2f: {  	lr =	sadd.s32 s0, s3;
	s0 =	sld [smem:$0x3FAF]  }
0x30: {  	s3 =	sld [smem:$0x3FB2]  }
0x31: {  	[smem:$0x3FBB] =	sst s10  }
0x32: {  	s10 =	sld [smem:$0x3FB9];
	_ =	sdelay $0x3  }
0x33: {  	p0 =	seq.s32 s10, $0x1;
	s10 =	sld [smem:$0x3FBB];
	_ =	sdelay $0x3  }
0x34: {  	[smem:$0x3FBB] =	sst s10  }
0x35: {  	s10 =	sld [smem:$0x3FBA];
	_ =	sdelay $0x3  }
0x36: {  	p1 =	seq.s32 s10, $0x1;
	s10 =	sld [smem:$0x3FBB];
	_ =	sdelay $0x3  }
0x37: {  	[smem:$0x3FBB] =	sst s10  }
0x38: {  	s10 =	sld [smem:$0x3FBC]  }
0x39: {  	_ = 	snop;
	(pc) =	sbr.ind lr, $3  }
0x3a: {  	_ = 	snop  }
0x3b: {  	_ = 	snop  }
0x3c: {  	p2 =	seq.s32 s10, $0x1;
	s10 =	sld [smem:$0x3FBB]  }
0x3d: {  	_ =	shalt  }
0x3e: {  	_ =	shalt  }
0x3f: {  	_ =	shalt  }
0x40: {  	_ =	shalt  }
0x41: {  	_ =	shalt  }
0x42: {  	_ =	shalt  }
0x43: {  	_ =	shalt  }
0x44: {  	_ =	shalt  }
0x45: {  	_ =	shalt  }
0x46: {  	_ =	shalt  }
0x47: {  	_ =	shalt  }
0x48: {  	_ =	shalt  }
0x49: {  	_ =	shalt  }
0x4a: {  	_ =	shalt  }
0x4b: {  	_ =	shalt  }
0x4c: {  	_ =	shalt  }
0x4d: {  	_ =	shalt  }
0x4e: {  	_ =	shalt  }
0x4f: {  	_ =	shalt  }
0x50: {  	_ =	shalt  }
0x51: {  	_ =	shalt  }
0x52: {  	_ =	shalt  }
0x53: {  	_ =	shalt  }
0x54: {  	_ =	shalt  }
0x55: {  	_ =	shalt  }
0x56: {  	_ =	shalt  }
0x57: {  	_ =	shalt  }
0x58: {  	_ =	shalt  }
0x59: {  	_ =	shalt  }
0x5a: {  	_ =	shalt  }
0x5b: {  	_ =	shalt  }
0x5c: {  	_ =	shalt  }
0x5d: {  	_ =	shalt  }
0x5e: {  	_ =	shalt  }
0x5f: {  	_ =	shalt  }
0x60: {  	_ =	shalt  }
0x61: {  	_ =	shalt  }
0x62: {  	_ =	shalt  }
0x63: {  	_ =	shalt  }
0x64: {  	_ =	shalt  }
0x65: {  	_ =	shalt  }
0x66: {  	_ =	shalt  }
0x67: {  	_ =	shalt  }
0x68: {  	_ =	shalt  }
0x69: {  	_ =	shalt  }
0x6a: {  	_ =	shalt  }
0x6b: {  	_ =	shalt  }
0x6c: {  	_ =	shalt  }
0x6d: {  	_ =	shalt  }
0x6e: {  	_ =	shalt  }
0x6f: {  	_ =	shalt  }
0x70: {  	_ =	shalt  }
0x71: {  	_ =	shalt  }
0x72: {  	_ =	shalt  }
0x73: {  	_ =	shalt  }
0x74: {  	_ =	shalt  }
0x75: {  	_ =	shalt  }
0x76: {  	_ =	shalt  }
0x77: {  	_ =	shalt  }
0x78: {  	_ =	shalt  }
0x79: {  	_ =	shalt  }
0x7a: {  	_ =	shalt  }
0x7b: {  	_ =	shalt  }
0x7c: {  	_ =	shalt  }
0x7d: {  	_ =	shalt  }
0x7e: {  	_ =	shalt  }
0x7f: {  	_ =	shalt  }
0x80: {  	_ =	shalt  }
0x81: {  	_ =	shalt  }
0x82: {  	_ =	shalt  }
0x83: {  	_ =	shalt  }
0x84: {  	_ =	shalt  }
0x85: {  	_ =	shalt  }
0x86: {  	_ =	shalt  }
0x87: {  	_ =	shalt  }
.Lfunc_end0:
.L_simem_size_0:
called_computation_lowered:
.L_overlay_start_0:
0x88: {  	s2 =	sld [smem:$0x3FD9]  }
0x89: {  	s3 =	sld [smem:$0x3FFE];
	_ =	sdelay $0x1  }
0x8a: {  	s1 =	srdreg.scid  }
0x8b: {  	s0 =	sand.u32 $0x1, s1  }
0x8c: {  	s16 =	sshll.u32 s0, $0xA;
	s2 =	sadd.s32 s3, s2  }
0x8d: {  	s2 =	sadd.s32 s2, s16  }
0x8e: {  	[smem:$0x3FC7] =	sst s2  }
0x8f: {  	_ = 	snop  }
0x90: {  	(tm) =	ssettm $0x1  }
0x91: {  	s17 =	sld [smem:$0x3FFB];
	_ =	sdelay $0x3  }
0x92: {  	_ =	strace s17  }
0x93: {  	s2 =	sld [smem:$0x3FFC];
	_ =	sdelay $0x3  }
0x94: {  	_ =	strace s2  }
0x95: {  	s2 =	sld [smem:$0x3FFD];
	_ =	sdelay $0x3  }
0x96: {  	_ =	strace s2  }
0x97: {  	_ =	strace $0x8FFFFFFF  }
0x98: {  	s18 =	sld [smem:$0x3FDB];
	_ =	sdelay $0x1  }
0x99: {  	s19 =	simm.s32 $_scs_section_size  }
0x9a: {  	s4 =	simm.s32 $_size__tile_overlayer_lowered;
	s5 =	simm.s32 $_tile_overlayer_lowered  }
0x9b: {  	s22 =	simm.s32 $0x1BFF;
	s21 =	sshll.u32 s5, $0x1;
	s2 =	sadd.s32 s19, s18  }
0x9c: {  	s6 =	simm.s32 $0x0;
	s20 =	sshll.u32 s4, $0x1;
	s4 =	sadd.s32 s21, s2  }
0x9d: {  	[timem:s6], [sflag:s22] =	dma.local [hbm:s4], s20  }
0x9e: {  	_ =	swait.ge [sflag:s22], s20  }
0x9f: {  	s3 =	ssub.s32 $0x0, s20;
	[sflag:s22] =	ssyncset.done $0x0  }
0xa0: {  	[sflag:s22] =	ssyncadd.s32 s3;
	_ =	sdelay $0x1  }
0xa1: {  	s23 =	simm.s32 $0x1B8B  }
0xa2: {  	_ =	swait.ge [sflag:s23], $0x1  }
0xa3: {  	[sflag:s23] =	ssyncset.done $0x0  }
0xa4: {  	s25 =	simm.s32 $0x1B8E;
	s24 =	sld [smem:$0x3FFE];
	[sflag:s23] =	ssyncadd.s32 $0xFFFFFFFF  }
0xa5: {  	s26 =	simm.s32 $execute0_lowered;
	[smem:$0x3FD2] =	sst s25  }
0xa6: {  	s4 =	sshll.u32 s26, $0x1;
	_ =	strace $0x80000046;
	[dreg:$0x1] =	wrdreg $0xFFFFFFFF  }
0xa7: {  	s28 =	simm.s32 $_size_execute0_lowered;
	s2 =	sadd.s32 s2, s4;
	[dreg:$0x0] =	wrdreg $0x0  }
0xa8: {  	s4 =	sshll.u32 s28, $0x1;
	[dreg:$0x2] =	wrdreg s2  }
0xa9: {  	[dreg:$0x3] =	wrdreg s4  }
0xaa: {  	[dreg:$0x4] =	wrdreg $0xC0  }
0xab: {  	_ =	task [dreg:s6], $0x5FFFF  }
0xac: {  	[dreg:$0x1] =	wrdreg $0xFFFFFFFF  }
0xad: {  	[dreg:$0x0] =	wrdreg $0x60  }
0xae: {  	[dreg:$0x2] =	wrdreg s24  }
0xaf: {  	[dreg:$0x3] =	wrdreg $0x9  }
0xb0: {  	_ =	task.clear_ibuf [dreg:s6], $0x4FFFF;
	_ =	strace $0x90000046  }
0xb1: {  	s29 =	simm.s32 $0x9;
	_ =	strace $0x80000048  }
0xb2: {  	_ =	swait.ge [sflag:s29], $0x1  }
0xb3: {  	[sflag:s29] =	ssyncadd.s32 $0xFFFFFFFF  }
0xb4: {  	_ =	strace $0x90000048  }
0xb5: {  	_ =	sfence  }
0xb6: {  	s30 =	sld [smem:$0x0];
	_ =	sdelay $0x2  }
0xb7: {  	s31 =	sshll.u32 s1, $0xD;
	s1 =	sshrl.u32 s1, $0x2  }
0xb8: {  	s3 =	sand.u32 $0x4000, s31;
	s1 =	sadd.s32 s1, s30  }
0xb9: {  	s0 =	sor.u32 s3, s0;
	s1 =	sshll.u32 s1, $0x11  }
0xba: {  	s0 =	sor.u32 s1, s0  }
0xbb: {  	s0 =	sadd.s32 $0x8F2B, s0  }
0xbc: {  	[sflag:s0] =	ssyncadd.remote.s32 $0x1  }
0xbd: {  	_ =	sfence.sel $0xFFFF  }
0xbe: {  	[dreg:$0x0] =	wrdreg $0xFFFFFFFF;
	(pc) =	sbr.abs _section_cstart, $3  }
0xbf: {  	[dreg:$0x1] =	wrdreg $0xFFFFFFFF  }
0xc0: {  	_ =	task.clear_ibuf [dreg:s6], $0x2FFFF;
	_ =	strace $0x9FFFFFFF  }
0xc1: {  	(tm) =	ssettm $0x7FFFFFFF  }
tec
execute0_lowered:
.L_overlay_start_1:
0x0: {  	(tag) =	ssettag $0x1  }
0x1: {  	s2 =	rddreg [dreg:$0x0]  }
0x2: {  	s0 =	rddreg [dreg:$0x1];
	s1 =	simm.s32 $0x0;
	s3 =	srdreg.scid  }
0x3: {  	s9 =	simm.s32 $0x8000;
	s10 =	simm.s32 $0x8400;
	s11 =	simm.s32 $0x0  }
0x4: {  	[smem:$0x7FF] =	sst s1;
	s6 =	sand.u32 $0x1, s3;
	s3 =	sadd.s32 $0xE00, s2  }
0x5: {  	v0 =	vlaneseq.u32;
	s4 =	sadd.s32 $0x210E00, s2;
	s5 =	sadd.s32 $0x200E00, s2;
	s7 =	ssub.s32 $0x2, s6  }
0x6: {  	s2 =	stileid.u32;
	v1 =	vmul.u32 $0xFFFFFFFF, v0;
	_ =	strace $0x80000047;
	s8 =	sshrl.u32 s7, $0x1  }
0x7: {  	s31 =	sshll.u32 s2, $0x5;
	s6 =	sshll.u32 s6, $0x4;
	s7 =	ssub.s32 s7, s8  }
0x8: {  	s6 =	sor.u32 s6, s31;
	v1 =	vadd.s32 $0xF, v1;
	s8 =	simm.s32 $0x1;
	s7 =	smax.u32 s7, $0x1  }
.LBB2_1:
0x9: {  	s12 =	simm.s32 $0x0  }
.LBB2_2:
0xa: {  	s13 =	sadd.s32 s6, s12  }
0xb: {  	s14 =	sshll.u32 s13, $0xC  }
0xc: {  	s15 =	sadd.s32 s3, s14;
	s14 =	simm.s32 $0x0  }
0xd: {  	[tilespmem:s14], [sflag:$0x1] =	stream.linear.gather [hbm4b:s15+s14], $0x8000, $0x38;
	[tilespmem:$0x8800] =	vst v63  }
0xe: {  	_ =	swait.ge [sflag:s8], $0x8000  }
0xf: {  	[sflag:s8] =	ssyncset.done $0x0  }
0x10: {  	s15 =	simm.s32 $0x40;
	[sflag:s8] =	ssyncadd.s32 $0xFFFF8000  }
.LBB2_3:
0x11: {  	v2 =	vld [tilespmem:s15+$0x0]  }
0x12: {  	v3 =	vld [tilespmem:s15+$0x20];
	_ =	sdelay $0x1  }
0x13: {  	s16 =	simm.s32 $0x40  }
0x14: {  	s17 =	simm.s32 $0x60;
	v4 =	vor.u32 s16, v0  }
0x15: {  	v5 =	vor.u32 s17, v0;
	(xrf1) =	vsort.ascd.msk.f32 $0xffff, v2, v4  }
0x16: {  	(xrf1) =	vsort.ascd.msk.f32 $0xffff, v3, v5;
	_ =	sdelay $0x3  }
0x17: {  	s22 =	sadd.s32 $0x400, s15;
	v2 =	vld [tilespmem:s15+$0x30]  }
0x18: {  	v3 =	vld [tilespmem:s22+$0x0]  }
0x19: {  	v4 =	vld [tilespmem:s15+$0xFFFFFFC0]  }
0x1a: {  	s23 =	simm.s32 $0x70  }
0x1b: {  	s24 =	simm.s32 $0xC0;
	v5 =	vor.u32 s23, v0  }
0x1c: {  	s18 =	simm.s32 $0x0;
	(xrf1) =	vsort.ascd.msk.f32 $0xffff, v2, v5;
	v2 =	vor.u32 s24, v0  }
0x1d: {  	v5 =	vor.u32 s18, v0;
	(xrf1) =	vsort.ascd.msk.f32 $0xffff, v3, v2  }
0x1e: {  	v2 =	vld [tilespmem:s15+$0xFFFFFFD0];
	v3 =	vimm.f32 $1.000000020e+30;
	(xrf1) =	vsort.ascd.msk.f32 $0xffff, v4, v5;
	_ =	sdelay $0x1  }
0x1f: {  	v4 =	vimm.s32 $0x0;
	v5 =	vld [tilespmem:s15+$0xFFFFFFE0];
	v22 =	vperm.xlane v3, v1;
	v6, v7, _ =	vpop (xrf1)  }
0x20: {  	s25 =	simm.s32 $0x10;
	v24 =	vperm.xlane v4, v1;
	v3, v8, _ =	vpop (xrf1)  }
0x21: {  	v9 =	vor.u32 s25, v0;
	v4 =	vld [tilespmem:s22+$0x20];
	vm0 =	vle.f32 v3, v22  }
0x22: {  	s26 =	simm.s32 $0x20;
	(xrf1) =	vsort.ascd.msk.f32 $0xffff, v2, v9;
	v2 =	vmin.f32 v3, v22;
	v3 =	vsel vm0, v8, v24  }
0x23: {  	v9 =	vor.u32 s26, v0;
	(xrf1) =	vsort.ascd.msk.f32 $0xffff, v2, v3  }
0x24: {  	s28 =	simm.s32 $0xE0;
	(xrf1) =	vsort.ascd.msk.f32 $0xffff, v5, v9  }
0x25: {  	s29 =	simm.s32 $0x50;
	v8 =	vld [tilespmem:s15+$0x10];
	v2 =	vor.u32 s28, v0  }
0x26: {  	v10 =	vld [tilespmem:s15+$0xFFFFFFF0];
	(xrf1) =	vsort.ascd.msk.f32 $0xffff, v4, v2;
	v2 =	vor.u32 s29, v0;
	_ =	sdelay $0x1  }
0x27: {  	v4 =	vld [tilespmem:s22+$0x30]  }
0x28: {  	s30 =	simm.s32 $0x30;
	s31 =	sadd.s32 $0x400, s22;
	v3, v5, _ =	vpop (xrf1)  }
0x29: {  	v9 =	vor.u32 s30, v0;
	vm0 =	vle.f32 v3, v22;
	v11 =	vmin.f32 v3, v22;
	(xrf1) =	vsort.ascd.msk.f32 $0xffff, v8, v2;
	v8 =	vld [tilespmem:s31+$0x0];
	v3, v2, _ =	vpop (xrf1)  }
0x2a: {  	s19 =	simm.s32 $0xF0;
	v5 =	vsel vm0, v5, v24;
	(xrf1) =	vsort.ascd.msk.f32 $0xffff, v10, v9;
	v9 =	vld [tilespmem:s22+$0xFFFFFFC0];
	v10, v12, _ =	vpop (xrf1)  }
0x2b: {  	(xrf1) =	vsort.ascd.msk.f32 $0xffff, v11, v5;
	v5 =	vor.u32 s19, v0;
	vm0 =	vle.f32 v10, v22  }
0x2c: {  	s20 =	simm.s32 $0x140;
	v11 =	vld [tilespmem:s22+$0xFFFFFFD0];
	(xrf1) =	vsort.ascd.msk.f32 $0xffff, v4, v5;
	v10 =	vmin.f32 v10, v22;
	v4 =	vsel vm0, v12, v24  }
0x2d: {  	s19 =	simm.s32 $0x80;
	v5 =	vor.u32 s20, v0;
	(xrf1) =	vsort.ascd.msk.f32 $0xffff, v10, v4  }
0x2e: {  	v21 =	vld [tilespmem:s22+$0x10];
	v4 =	vor.u32 s19, v0;
	(xrf1) =	vsort.ascd.msk.f32 $0xffff, v8, v5  }
0x2f: {  	s21 =	simm.s32 $0x90;
	v39 =	vld [tilespmem:s22+$0xFFFFFFF0];
	(xrf1) =	vsort.ascd.msk.f32 $0xffff, v9, v4;
	v9, v13, _ =	vpop (xrf1)  }
0x30: {  	v14 =	vld [tilespmem:s31+$0x30];
	v10 =	vor.u32 s21, v0;
	v15, v17, _ =	vpop (xrf1)  }
0x31: {  	v16 =	vld [tilespmem:s31+$0xFFFFFFD0];
	(xrf1) =	vsort.ascd.msk.f32 $0xffff, v11, v10;
	v11, v18, _ =	vpop (xrf1)  }
0x32: {  	v20 =	vld [tilespmem:s31+$0xFFFFFFC0];
	v17 =	vperm.xlane v17, v1;
	vm0 =	vle.f32 v11, v22  }
0x33: {  	v12 =	vld [tilespmem:s22+$0xFFFFFFE0];
	v15 =	vperm.xlane v15, v1;
	v18 =	vsel vm0, v18, v24;
	vm0 =	vle.f32 v9, v22  }
0x34: {  	s17 =	sadd.s32 $0x400, s31;
	v8 =	vld [tilespmem:s31+$0x20];
	v19 =	vmin.f32 v9, v22;
	v11 =	vmin.f32 v11, v22;
	v23, v25, _ =	vpop (xrf1);
	v9 =	vsel vm0, v13, v24  }
0x35: {  	v29 =	vld [tilespmem:s17+$0x0];
	s24 =	simm.s32 $0xA0;
	vm1 =	vle.f32 v23, v15;
	(xrf1) =	vsort.ascd.msk.f32 $0xffff, v11, v18  }
0x36: {  	v5 =	vld [tilespmem:s31+$0xFFFFFFF0];
	v11 =	vmin.f32 v23, v15;
	v13 =	vsel vm1, v25, v17;
	(xrf1) =	vsort.ascd.msk.f32 $0xffff, v19, v9;
	v19 =	vor.u32 s24, v0  }
0x37: {  	s26 =	simm.s32 $0x160;
	v4 =	vld [tilespmem:s31+$0x10];
	v9, v17, _ =	vpop (xrf1);
	(xrf1) =	vsort.ascd.msk.f32 $0xffff, v11, v13  }
0x38: {  	v10 =	vld [tilespmem:s31+$0xFFFFFFE0];
	v11 =	vor.u32 s26, v0;
	vm0 =	vle.f32 v9, v22;
	v28, v27, _ =	vpop (xrf1);
	(xrf1) =	vsort.ascd.msk.f32 $0xffff, v12, v19  }
0x39: {  	v18 =	vld [tilespmem:s17+$0x30];
	v12 =	vmin.f32 v9, v22;
	v17 =	vsel vm0, v17, v24;
	v19, v30, _ =	vpop (xrf1);
	(xrf1) =	vsort.ascd.msk.f32 $0xffff, v8, v11  }
0x3a: {  	s23 =	simm.s32 $0xB0;
	s22 =	simm.s32 $0xD0;
	v23 =	vld [tilespmem:s17+$0x20];
	vm0 =	vle.f32 v6, v22;
	v6 =	vmin.f32 v6, v22;
	v37 =	vperm.xlane v19, v1  }
0x3b: {  	s25 =	simm.s32 $0x150;
	v40 =	vor.u32 s23, v0;
	s18 =	simm.s32 $0x170;
	v26 =	vor.u32 s22, v0;
	s21 =	simm.s32 $0x1C0;
	v9 =	vld [tilespmem:s17+$0x10];
	v38, v31, _ =	vpop (xrf1);
	(xrf1) =	vsort.ascd.msk.f32 $0xffff, v12, v17;
	v8 =	vsel vm0, v7, v24  }
0x3c: {  	s28 =	simm.s32 $0x130;
	s29 =	simm.s32 $0x120;
	v32 =	vor.u32 s21, v0;
	v15 =	vor.u32 s25, v0;
	v25 =	vor.u32 s18, v0;
	v11 =	vld [tilespmem:s17+$0xFFFFFFF0]  }
0x3d: {  	s30 =	simm.s32 $0x100;
	v13 =	vor.u32 s28, v0;
	v17 =	vor.u32 s29, v0;
	v33 =	vperm.xlane v30, v1;
	v7 =	vld [tilespmem:s17+$0xFFFFFFE0];
	v12, v34, _ =	vpop (xrf1);
	(xrf1) =	vsort.ascd.msk.f32 $0xffff, v6, v8  }
0x3e: {  	s20 =	simm.s32 $0x1E0;
	s31 =	simm.s32 $0x1D0;
	v30 =	vor.u32 s30, v0;
	v19 =	vld [tilespmem:s17+$0xFFFFFFD0];
	v35 =	vperm.xlane v12, v1;
	v36 =	vmin.f32 v38, v37;
	v8, v6, _ =	vpop (xrf1);
	(xrf1) =	vsort.ascd.msk.f32 $0xffff, v21, v26  }
0x3f: {  	s16 =	simm.s32 $0x1F0;
	s19 =	simm.s32 $0x270;
	v12 =	vor.u32 s31, v0;
	vm0 =	vle.f32 v38, v37;
	v26 =	vor.u32 s20, v0;
	v21 =	vld [tilespmem:s17+$0xFFFFFFC0];
	v38, v37, _ =	vpop (xrf1);
	(xrf1) =	vsort.ascd.msk.f32 $0xffff, v39, v40  }
.LBB2_4:
0x40: {  	p0 =	sne.s32 s19, $0xFF0;
	v34 =	vperm.xlane v34, v1;
	v39 =	vmin.f32 v38, v35;
	v31 =	vsel vm0, v31, v33;
	v33, v40, _ =	vpop (xrf1);
	s20 =	smov.u32 s19;
	s19 =	sadd.s32 $0x80, s19  }
0x41: {  	vm0 =	vle.f32 v38, v35;
	v41 =	vmovc v13;
	(xrf1) =	vsort.ascd.msk.f32 $0xffff, v36, v31;
	v31 =	vmin.f32 v28, v22  }
0x42: {  	s21 =	sadd.s32 $0xFFFFFFC0, s16;
	(xrf1) =	vsort.ascd.msk.f32 $0xffff, v14, v25;
	v34 =	vsel vm0, v37, v34;
	vm0 =	vle.f32 v28, v22;
	v14 =	vmov v18  }
0x43: {  	v13 =	vor.u32 s21, v0;
	v25 =	vor.u32 s16, v0;
	v22 =	vmovc v23;
	(xrf1) =	vsort.ascd.msk.f32 $0xffff, v39, v34;
	v28 =	vsel vm0, v27, v24  }
0x44: {  	v37 =	vmov v4;
	v4 =	vmov v9;
	v39 =	vmov v5;
	v27, v24, _ =	vpop (xrf1);
	(xrf1) =	vsort.ascd.msk.f32 $0xffff, v31, v28  }
0x45: {  	s21 =	sadd.s32 $0xFFFFFFA0, s18;
	s18 =	smov.u32 s16;
	s16 =	smov.u32 s20;
	v5 =	vmov v11;
	(xrf1) =	vsort.ascd.msk.f32 $0xffff, v29, v32;
	v9 =	vperm.xlane v27, v1;
	v18, v23, _ =	vpop (xrf1);
	v32 =	vmov v15  }
0x46: {  	s20 =	sadd.s32 $0xFFFFFFB0, s18;
	v11 =	vor.u32 s21, v0;
	(xrf1) =	vsort.ascd.msk.f32 $0xffff, v20, v30;
	v15 =	vperm.xlane v18, v1;
	v18 =	vperm.xlane v24, v1;
	v20, v24, _ =	vpop (xrf1)  }
0x47: {  	v29 =	vor.u32 s20, v0;
	v20 =	vperm.xlane v20, v1;
	(xrf1) =	vsort.ascd.msk.f32 $0xffff, v16, v11;
	v11 =	vperm.xlane v23, v1;
	v16, v23, _ =	vpop (xrf1)  }
0x48: {  	v27, v28, _ =	vpop (xrf1);
	v30 =	vmin.f32 v33, v15;
	vm0 =	vle.f32 v16, v9;
	v9 =	vmin.f32 v16, v9  }
0x49: {  	v34 =	vperm.xlane v24, v1;
	v31 =	vmin.f32 v27, v20;
	v18 =	vsel vm0, v23, v18;
	v16, v23, _ =	vpop (xrf1)  }
0x4a: {  	vm1 =	vle.f32 v33, v15;
	vm0 =	vle.f32 v27, v20;
	v33 =	vperm.xlane v16, v1;
	v16 =	vmovc v19  }
0x4b: {  	v19 =	vsel vm0, v28, v34;
	v34 =	vsel vm1, v40, v11;
	v15 =	vmov v12;
	(xrf1) =	vsort.ascd.msk.f32 $0xffff, v9, v18;
	v9, v24, _ =	vpop (xrf1)  }
0x4c: {  	s17 =	sadd.s32 $0x400, s17;
	v12 =	vperm.xlane v23, v1;
	v20 =	vmov v21;
	(xrf1) =	vsort.ascd.msk.f32 $0xffff, v30, v34;
	v11, v30, _ =	vpop (xrf1)  }
0x4d: {  	v18 =	vld [tilespmem:s17+$0x30];
	(xrf1) =	vsort.ascd.msk.f32 $0xffff, v31, v19;
	v19 =	vperm.xlane v9, v1;
	vm0 =	vle.f32 v11, v33;
	v28, v27, _ =	vpop (xrf1)  }
0x4e: {  	v11 =	vmin.f32 v11, v33;
	v23 =	vld [tilespmem:s17+$0x20];
	(xrf1) =	vsort.ascd.msk.f32 $0xffff, v10, v17;
	v12 =	vsel vm0, v30, v12;
	v17 =	vmov v29  }
0x4f: {  	v10 =	vmov v7;
	v9 =	vld [tilespmem:s17+$0x10];
	(xrf1) =	vsort.ascd.msk.f32 $0xffff, v22, v26;
	v26 =	vperm.xlane v24, v1;
	vm0 =	vle.f32 v3, v19;
	v22, v24, _ =	vpop (xrf1)  }
.Ltmp0:
0x50: {  	v19 =	vmin.f32 v3, v19;
	v3 =	vmov v8;
	v29 =	vld [tilespmem:s17+$0x0];
	v38 =	vperm.xlane v22, v1;
	v40, v31, _ =	vpop (xrf1);
	(xrf1) =	vsort.ascd.msk.f32 $0xffff, v11, v12;
	(pc) =	sbr.rel @p0 .LBB2_4-.Ltmp0, $4  }
0x51: {  	s20 =	sadd.s32 $0xFFFFFF90, s18;
	v33 =	vperm.xlane v24, v1;
	v11 =	vld [tilespmem:s17+$0xFFFFFFF0];
	v22 =	vsel vm0, v2, v26;
	v12, v34, _ =	vpop (xrf1);
	v2 =	vmov v6  }
0x52: {  	s21 =	sadd.s32 $0xFFFFFFE0, s16;
	s22 =	sadd.s32 $0xFFFFFFF0, s16;
	v30 =	vor.u32 s20, v0;
	v7 =	vld [tilespmem:s17+$0xFFFFFFE0];
	v35 =	vperm.xlane v12, v1;
	v36 =	vmin.f32 v40, v38;
	(xrf1) =	vsort.ascd.msk.f32 $0xffff, v19, v22;
	v21, v24, _ =	vpop (xrf1)  }
0x53: {  	s20 =	sadd.s32 $0xFFFFFFD0, s16;
	v26 =	vor.u32 s22, v0;
	v12 =	vor.u32 s21, v0;
	v19 =	vld [tilespmem:s17+$0xFFFFFFD0];
	v8, v6, _ =	vpop (xrf1);
	(xrf1) =	vsort.ascd.msk.f32 $0xffff, v37, v32;
	v22 =	vperm.xlane v21, v1  }
0x54: {  	vm0 =	vle.f32 v40, v38;
	v32 =	vor.u32 s20, v0;
	v24 =	vperm.xlane v24, v1;
	v21 =	vld [tilespmem:s17+$0xFFFFFFC0];
	v38, v37, _ =	vpop (xrf1);
	(xrf1) =	vsort.ascd.msk.f32 $0xffff, v39, v41  }
0x55: {  	v31 =	vsel vm0, v31, v33;
	v49 =	vperm.xlane v34, v1  }
0x56: {  	v50 =	vmin.f32 v38, v35;
	vm11 =	vle.f32 v38, v35;
	(xrf1) =	vsort.ascd.msk.f32 $0xffff, v36, v31  }
0x57: {  	v51, v52, _ =	vpop (xrf1);
	vm12 =	vle.f32 v28, v22;
	(xrf1) =	vsort.ascd.msk.f32 $0xffff, v14, v25;
	v53 =	vsel vm11, v37, v49  }
0x58: {  	v54 =	vmin.f32 v28, v22;
	v55 =	vsel vm12, v27, v24;
	(xrf1) =	vsort.ascd.msk.f32 $0xffff, v50, v53  }
0x59: {  	v57, v56, _ =	vpop (xrf1);
	(xrf1) =	vsort.ascd.msk.f32 $0xffff, v54, v55  }
0x5a: {  	s17 =	sadd.s32 $0xFFFFFFA0, s18;
	v14, v22, _ =	vpop (xrf1);
	(xrf1) =	vsort.ascd.msk.f32 $0xffff, v29, v32;
	v24 =	vperm.xlane v57, v1  }
0x5b: {  	v60 =	vor.u32 s17, v0;
	v61 =	vperm.xlane v56, v1;
	v14 =	vperm.xlane v14, v1;
	v59, v58, _ =	vpop (xrf1);
	(xrf1) =	vsort.ascd.msk.f32 $0xffff, v20, v30  }
0x5c: {  	v63 =	vperm.xlane v22, v1;
	v62 =	vperm.xlane v59, v1;
	(xrf1) =	vsort.ascd.msk.f32 $0xffff, v16, v60;
	v36, v33, _ =	vpop (xrf1)  }
0x5d: {  	v40 =	vperm.xlane v58, v1;
	v37 =	vmin.f32 v51, v14;
	vm13 =	vle.f32 v36, v24  }
0x5e: {  	v39, v38, _ =	vpop (xrf1);
	v22 =	vmin.f32 v36, v24;
	vm14 =	vle.f32 v51, v14;
	v20 =	vsel vm13, v33, v61  }
0x5f: {  	vm1 =	vle.f32 v39, v62;
	v16 =	vsel vm14, v52, v63;
	(xrf1) =	vsort.ascd.msk.f32 $0xffff, v22, v20  }
0x60: {  	v41 =	vmin.f32 v39, v62;
	v43, v42, _ =	vpop (xrf1);
	v44 =	vsel vm1, v38, v40;
	(xrf1) =	vsort.ascd.msk.f32 $0xffff, v37, v16  }
0x61: {  	v45, v46, _ =	vpop (xrf1);
	(xrf1) =	vsort.ascd.msk.f32 $0xffff, v41, v44  }
0x62: {  	v14 =	vperm.xlane v43, v1;
	v50 =	vperm.xlane v45, v1;
	(xrf1) =	vsort.ascd.msk.f32 $0xffff, v10, v17  }
0x63: {  	v47 =	vperm.xlane v42, v1;
	v48, v49, _ =	vpop (xrf1);
	v55 =	vperm.xlane v46, v1  }
0x64: {  	vm15 =	vle.f32 v48, v14;
	v52, v51, _ =	vpop (xrf1);
	v53 =	vmin.f32 v48, v14;
	vm4 =	vle.f32 v3, v50  }
0x65: {  	v54 =	vsel vm15, v49, v47;
	(xrf1) =	vsort.ascd.msk.f32 $0xffff, v23, v26;
	v56, v57, _ =	vpop (xrf1);
	v2 =	vsel vm4, v2, v55  }
0x66: {  	v3 =	vmin.f32 v3, v50;
	v17 =	vperm.xlane v56, v1;
	v59, v58, _ =	vpop (xrf1);
	(xrf1) =	vsort.ascd.msk.f32 $0xffff, v53, v54  }
0x67: {  	v60 =	vperm.xlane v57, v1;
	v61, v62, _ =	vpop (xrf1);
	(xrf1) =	vsort.ascd.msk.f32 $0xffff, v3, v2  }
0x68: {  	v3 =	vperm.xlane v61, v1;
	v63 =	vmin.f32 v59, v17;
	v29, v30, _ =	vpop (xrf1);
	(xrf1) =	vsort.ascd.msk.f32 $0xffff, v4, v15  }
0x69: {  	vm5 =	vle.f32 v59, v17;
	v16 =	vperm.xlane v62, v1;
	v4, v2, _ =	vpop (xrf1);
	v31 =	vperm.xlane v29, v1  }
0x6a: {  	(xrf1) =	vsort.ascd.msk.f32 $0xffff, v5, v13;
	v32 =	vperm.xlane v30, v1;
	v10 =	vsel vm5, v58, v60;
	v5, v13, _ =	vpop (xrf1)  }
0x6b: {  	v33 =	vor.u32 s16, v0;
	(xrf1) =	vsort.ascd.msk.f32 $0xffff, v63, v10;
	v34 =	vmin.f32 v5, v3;
	vm6 =	vle.f32 v5, v3  }
0x6c: {  	(xrf1) =	vsort.ascd.msk.f32 $0xffff, v18, v33;
	vm7 =	vle.f32 v52, v31;
	v35, v36, _ =	vpop (xrf1);
	v3 =	vsel vm6, v13, v16  }
0x6d: {  	s26 =	sadd.s32 $0xFFFFFF90, s16;
	v37 =	vmin.f32 v52, v31;
	(xrf1) =	vsort.ascd.msk.f32 $0xffff, v34, v3;
	v3 =	vsel vm7, v51, v32;
	v38, v39, _ =	vpop (xrf1)  }
0x6e: {  	s28 =	sadd.s32 $0xFFFFFFA0, s16;
	(xrf1) =	vsort.ascd.msk.f32 $0xffff, v37, v3;
	v3 =	vor.u32 s26, v0;
	v41, v40, _ =	vpop (xrf1)  }
0x6f: {  	v44 =	vor.u32 s28, v0;
	v14 =	vperm.xlane v38, v1;
	(xrf1) =	vsort.ascd.msk.f32 $0xffff, v21, v3;
	v43, v42, _ =	vpop (xrf1)  }
0x70: {  	v15 =	vperm.xlane v39, v1;
	(xrf1) =	vsort.ascd.msk.f32 $0xffff, v19, v44;
	v18, v19, _ =	vpop (xrf1)  }
0x71: {  	v3 =	vperm.xlane v41, v1;
	vm8 =	vle.f32 v18, v14  }
0x72: {  	v16 =	vperm.xlane v40, v1;
	v13 =	vperm.xlane v43, v1;
	v15 =	vsel vm8, v19, v15  }
0x73: {  	v17 =	vperm.xlane v42, v1;
	v45 =	vmin.f32 v35, v3;
	v47, v46, _ =	vpop (xrf1);
	v14 =	vmin.f32 v18, v14  }
0x74: {  	vm9 =	vle.f32 v35, v3;
	v48 =	vmin.f32 v47, v13;
	vm10 =	vle.f32 v47, v13  }
0x75: {  	v10 =	vsel vm9, v36, v16;
	v3, v5, _ =	vpop (xrf1);
	(xrf1) =	vsort.ascd.msk.f32 $0xffff, v14, v15;
	v13 =	vsel vm10, v46, v17  }
0x76: {  	s29 =	sadd.s32 $0xFFFFFFB0, s16;
	v3 =	vperm.xlane v3, v1;
	(xrf1) =	vsort.ascd.msk.f32 $0xffff, v45, v10;
	v5 =	vperm.xlane v5, v1;
	v14, v15, _ =	vpop (xrf1)  }
0x77: {  	v49 =	vor.u32 s29, v0;
	v50, v51, _ =	vpop (xrf1);
	(xrf1) =	vsort.ascd.msk.f32 $0xffff, v48, v13;
	v52 =	vperm.xlane v14, v1;
	v55 =	vperm.xlane v15, v1  }
0x78: {  	vm11 =	vle.f32 v50, v3;
	v54, v53, _ =	vpop (xrf1);
	(xrf1) =	vsort.ascd.msk.f32 $0xffff, v7, v49;
	v3 =	vmin.f32 v50, v3  }
0x79: {  	v5 =	vsel vm11, v51, v5;
	v56, v57, _ =	vpop (xrf1);
	vm12 =	vle.f32 v8, v52;
	v60 =	vmin.f32 v8, v52  }
0x7a: {  	v10 =	vperm.xlane v56, v1;
	v58, v59, _ =	vpop (xrf1);
	(xrf1) =	vsort.ascd.msk.f32 $0xffff, v3, v5;
	v61 =	vsel vm12, v6, v55  }
0x7b: {  	s30 =	sadd.s32 $0xFFFFFFC0, s16;
	v3 =	vperm.xlane v57, v1;
	v6, v7, _ =	vpop (xrf1);
	(xrf1) =	vsort.ascd.msk.f32 $0xffff, v60, v61  }
0x7c: {  	v63 =	vor.u32 s30, v0;
	v6 =	vperm.xlane v6, v1;
	v62 =	vmin.f32 v58, v10;
	v5, v8, _ =	vpop (xrf1);
	(xrf1) =	vsort.ascd.msk.f32 $0xffff, v9, v12  }
0x7d: {  	vm13 =	vle.f32 v58, v10;
	v7 =	vperm.xlane v7, v1;
	v5 =	vperm.xlane v5, v1  }
0x7e: {  	v19, v20, _ =	vpop (xrf1);
	(xrf1) =	vsort.ascd.msk.f32 $0xffff, v11, v63;
	v8 =	vperm.xlane v8, v1;
	v3 =	vsel vm13, v59, v3  }
0x7f: {  	v21 =	vmin.f32 v19, v6;
	vm14 =	vle.f32 v19, v6;
	(xrf1) =	vsort.ascd.msk.f32 $0xffff, v62, v3  }
0x80: {  	v3 =	vsel vm14, v20, v7;
	vm15 =	vle.f32 v54, v5;
	v5 =	vmin.f32 v54, v5  }
0x81: {  	(xrf1) =	vsort.ascd.msk.f32 $0xffff, v21, v3;
	v3 =	vsel vm15, v53, v8  }
0x82: {  	(xrf1) =	vsort.ascd.msk.f32 $0xffff, v5, v3;
	_ =	sdelay $0x1  }
0x83: {  	v3, v5, _ =	vpop (xrf1)  }
0x84: {  	v22, v23, _ =	vpop (xrf1)  }
0x85: {  	v25, v24, _ =	vpop (xrf1)  }
0x86: {  	v6 =	vperm.xlane v22, v1;
	v26, v27, _ =	vpop (xrf1)  }
0x87: {  	v7 =	vperm.xlane v23, v1;
	v8 =	vperm.xlane v25, v1;
	v28, v29, _ =	vpop (xrf1)  }
0x88: {  	vm4 =	vle.f32 v28, v6  }
0x89: {  	v31, v30, _ =	vpop (xrf1);
	v7 =	vsel vm4, v29, v7  }
0x8a: {  	v6 =	vmin.f32 v28, v6;
	v32, v33, _ =	vpop (xrf1)  }
0x8b: {  	v35, v36, _ =	vpop (xrf1)  }
0x8c: {  	v9 =	vperm.xlane v24, v1;
	v34 =	vmin.f32 v3, v8;
	vm5 =	vle.f32 v3, v8;
	v3, v8, _ =	vpop (xrf1)  }
0x8d: {  	v37 =	vperm.xlane v31, v1;
	(xrf1) =	vsort.ascd.msk.f32 $0xffff, v6, v7;
	v6, v7, _ =	vpop (xrf1)  }
0x8e: {  	v5 =	vsel vm5, v5, v9;
	v38 =	vperm.xlane v30, v1;
	v41 =	vperm.xlane v32, v1;
	v40, v39, _ =	vpop (xrf1)  }
0x8f: {  	v17 =	vperm.xlane v33, v1;
	(xrf1) =	vsort.ascd.msk.f32 $0xffff, v34, v5;
	vm6 =	vle.f32 v35, v37;
	v42, v43, _ =	vpop (xrf1)  }
0x90: {  	v12 =	vmin.f32 v35, v37;
	v9 =	vsel vm6, v36, v38;
	v15 =	vperm.xlane v42, v1  }
0x91: {  	vm7 =	vle.f32 v4, v41;
	v4 =	vmin.f32 v4, v41;
	v44 =	vperm.xlane v43, v1  }
0x92: {  	(xrf1) =	vsort.ascd.msk.f32 $0xffff, v12, v9;
	v2 =	vsel vm7, v2, v17;
	vm8 =	vle.f32 v3, v15  }
0x93: {  	(xrf1) =	vsort.ascd.msk.f32 $0xffff, v4, v2;
	v2 =	vmin.f32 v3, v15;
	v3 =	vsel vm8, v8, v44  }
0x94: {  	(xrf1) =	vsort.ascd.msk.f32 $0xffff, v2, v3;
	_ =	sdelay $0x9  }
0x95: {  	v2, v3, _ =	vpop (xrf1)  }
0x96: {  	v45, v46, _ =	vpop (xrf1)  }
0x97: {  	v9, v12, _ =	vpop (xrf1)  }
0x98: {  	v4 =	vperm.xlane v45, v1;
	v48, v47, _ =	vpop (xrf1)  }
0x99: {  	v6 =	vperm.xlane v6, v1;
	v49, v50, _ =	vpop (xrf1)  }
0x9a: {  	v8 =	vperm.xlane v46, v1;
	vm9 =	vle.f32 v40, v4;
	v52 =	vperm.xlane v49, v1  }
0x9b: {  	v4 =	vmin.f32 v40, v4;
	v54 =	vperm.xlane v9, v1;
	v53 =	vperm.xlane v50, v1  }
0x9c: {  	v55 =	vperm.xlane v12, v1;
	v51 =	vsel vm9, v39, v8;
	vm10 =	vle.f32 v2, v52  }
0x9d: {  	(xrf1) =	vsort.ascd.msk.f32 $0xffff, v4, v51;
	v2 =	vmin.f32 v2, v52;
	v3 =	vsel vm10, v3, v53  }
0x9e: {  	vm11 =	vle.f32 v48, v54;
	(xrf1) =	vsort.ascd.msk.f32 $0xffff, v2, v3;
	v2 =	vperm.xlane v7, v1  }
0x9f: {  	vm12 =	vle.f32 v26, v6;
	v4 =	vsel vm11, v47, v55;
	v3 =	vmin.f32 v48, v54  }
0xa0: {  	(xrf1) =	vsort.ascd.msk.f32 $0xffff, v3, v4;
	v3 =	vmin.f32 v26, v6;
	v2 =	vsel vm12, v27, v2  }
0xa1: {  	(xrf1) =	vsort.ascd.msk.f32 $0xffff, v3, v2;
	_ =	sdelay $0xa  }
0xa2: {  	v2, v3, _ =	vpop (xrf1)  }
0xa3: {  	v57, v56, _ =	vpop (xrf1)  }
0xa4: {  	v59, v58, _ =	vpop (xrf1)  }
0xa5: {  	v4 =	vperm.xlane v57, v1;
	v60, v61, _ =	vpop (xrf1)  }
0xa6: {  	v5 =	vperm.xlane v56, v1;
	v8 =	vperm.xlane v60, v1  }
0xa7: {  	vm13 =	vle.f32 v2, v4;
	v9 =	vperm.xlane v61, v1  }
0xa8: {  	v2 =	vmin.f32 v2, v4;
	v3 =	vsel vm13, v3, v5;
	vm14 =	vle.f32 v59, v8  }
0xa9: {  	(xrf1) =	vsort.ascd.msk.f32 $0xffff, v2, v3;
	v2 =	vmin.f32 v59, v8;
	v3 =	vsel vm14, v58, v9  }
0xaa: {  	(xrf1) =	vsort.ascd.msk.f32 $0xffff, v2, v3;
	_ =	sdelay $0xc  }
0xab: {  	v2, v3, _ =	vpop (xrf1)  }
0xac: {  	v62, v63, _ =	vpop (xrf1)  }
0xad: {  	v4 =	vperm.xlane v62, v1  }
0xae: {  	v5 =	vperm.xlane v63, v1  }
0xaf: {  	vm15 =	vle.f32 v2, v4  }
0xb0: {  	v2 =	vmin.f32 v2, v4;
	v3 =	vsel vm15, v3, v5  }
0xb1: {  	(xrf1) =	vsort.ascd.msk.f32 $0xffff, v2, v3;
	_ =	sdelay $0x9  }
0xb2: {  	s31 =	sshll.u32 s14, $0x7;
	s14 =	sadd.s32 $0x1, s14  }
0xb3: {  	p0 =	sne.s32 s14, $0x8  }
.Ltmp1:
0xb4: {  	_ = 	snop;
	(pc) =	sbr.rel @p0 .LBB2_3-.Ltmp1, $4  }
0xb5: {  	_ = 	snop  }
0xb6: {  	v2, v3, _ =	vpop (xrf1)  }
0xb7: {  	[tilespmem:s31+$0x8000] =	vst v2  }
0xb8: {  	s15 =	sadd.s32 $0x80, s15;
	[tilespmem:s31+$0x8400] =	vst v3  }
0xb9: {  	s13 =	sshll.u32 s13, $0x7  }
0xba: {  	s14 =	sadd.s32 s4, s13  }
0xbb: {  	[hbm4b:s14+s1] =	stream.linear.scatter [tilespmem:s9], [sflag:$0x1], $0x400, $0x38;
	[tilespmem:$0x8800] =	vst v63  }
0xbc: {  	s12 =	sadd.s32 $0x1, s12;
	_ =	swait.ge [sflag:s8], $0x400  }
0xbd: {  	p0 =	sne.s32 s12, $0x10;
	[sflag:s8] =	ssyncset.done $0x0  }
.Ltmp2:
0xbe: {  	s13 =	sadd.s32 s5, s13;
	[sflag:s8] =	ssyncadd.s32 $0xFFFFFC00;
	(pc) =	sbr.rel @p0 .LBB2_2-.Ltmp2, $4  }
0xbf: {  	[hbm4b:s13+s1] =	stream.linear.scatter [tilespmem:s10], [sflag:$0x1], $0x400, $0x38;
	[tilespmem:$0x8800] =	vst v63  }
0xc0: {  	_ =	swait.ge [sflag:s8], $0x400  }
0xc1: {  	[sflag:s8] =	ssyncset.done $0x0  }
0xc2: {  	[sflag:s8] =	ssyncadd.s32 $0xFFFFFC00  }
0xc3: {  	s11 =	sadd.s32 $0x1, s11  }
0xc4: {  	p0 =	sne.s32 s11, s7  }
.Ltmp3:
0xc5: {  	_ = 	snop;
	(pc) =	sbr.rel @p0 .LBB2_1-.Ltmp3, $1  }
0xc6: {  	_ =	sdelay $0x3  }
0xc7: {  	_ =	sfence.sel $0x180000  }
0xc8: {  	[bflag:$0x0] =	sbarrier.arrive $0xFFFF  }
0xc9: {  	p0 =	sne.s32 s2, $0x0;
	_ =	strace $0x90000047  }
0xca: {  	s0 =	sadd.s32 @!p0 $0x100000, s0;
	[bflag:$0x2] =	sbarrier.arrive $0xFFFF  }
0xcb: {  	[sflag:s0] =	ssyncadd.tile.s32 @!p0 $0x1;
	_ =	shalt  }
.Lfunc_end2:
_tile_overlayer_lowered:
.L_overlay_start_2:
0xcc: {  	(tag) =	ssettag $0x2  }
0xcd: {  	s0 =	rddreg [dreg:$0x0];
	s2 =	stileid.u32  }
0xce: {  	s1 =	rddreg [dreg:$0x1];
	p0 =	sne.s32 s2, $0x0  }
0xcf: {  	s3 =	rddreg [dreg:$0x2];
	[bflag:$0x3] =	sbarrier.arrive $0xFFFF;
	s2 =	simm.s32 @!p0 $0x1C01  }
0xd0: {  	[timem:s3], [sflag:s2] =	dma.local @!p0 [hbm:s0], s1  }
0xd1: {  	s0 =	simm.s32 @!p0 $0x1  }
0xd2: {  	_ =	swait.ge @!p0 [sflag:s0], s1  }
0xd3: {  	s1 =	ssub.s32 @!p0 $0x0, s1;
	[sflag:s0] =	ssyncset.done @!p0 $0x0  }
0xd4: {  	[sflag:s0] =	ssyncadd.s32 @!p0 s1  }
0xd5: {  	[bflag:$0x3] =	sbarrier.arrive $0xFFFF  }
0xd6: {  	_ =	shalt  }

</sc_bundles>
